<compile_context>
chip_gen: v7x
topology: tpu7x:2x2x1
jax: 0.10.2.dev20260603
libtpu: 0.0.44.dev20260713+nightly
codegen_flags: <defaults>
</compile_context>

<pallas_src>
import functools

import jax
import jax.numpy as jnp
from jax import lax
from jax.experimental import pallas as pl
from jax.experimental.pallas import tpu as pltpu
from jax.experimental.pallas import tpu_sc as plsc

B = 64
V = 100000
C = 8192
NP = 2
H = C // NP
NCH = -(-V // C)
PAD = 16
K = 8
NW = 16
NEG = float("-inf")
IMAX = 2**31 - 1


TAIL1 = (V // 128) * 128


def _p1_body(os_ref, x_ref, a_ref, c_ref, t_ref, s_ref, M_ref):
    i = pl.program_id(0)
    col = lax.broadcasted_iota(jnp.int32, (B, PAD), 1)

    @pl.when(i == 0)
    def _init():
        s_ref[...] = jnp.zeros((B, 128), jnp.float32)
        M_ref[...] = jnp.full((B, PAD), NEG, jnp.float32)

    def _step(x):
        cm = jnp.max(x, axis=1, keepdims=True)
        part = jnp.sum(jnp.exp(x).reshape(B, C // 128, 128), axis=1)
        s_ref[...] = s_ref[...] + part
        M_ref[...] = jnp.where(col == i, cm, M_ref[...])

    @pl.when(i < NCH - 1)
    def _fast():
        _step(x_ref[...])

    @pl.when(i == NCH - 1)
    def _last():
        gcol = i * C + lax.broadcasted_iota(jnp.int32, (B, C), 1)
        x = jnp.where(gcol < V, x_ref[...], NEG)
        _step(x)
        lo = TAIL1 - (NCH - 1) * C
        t_ref[...] = x[:, lo:lo + 128]
        s = jnp.sum(s_ref[...], axis=1, keepdims=True)
        cvec = os_ref[...] - jnp.log(s)
        c_ref[...] = cvec
        a_ref[...] = M_ref[...] + cvec


def _phase1(scores, output_scores):
    return pl.pallas_call(
        _p1_body,
        grid=(NCH,),
        in_specs=[
            pl.BlockSpec((B, 1), lambda i: (0, 0)),
            pl.BlockSpec((B, C), lambda i: (0, i)),
        ],
        out_specs=[
            pl.BlockSpec((B, PAD), lambda i: (0, 0)),
            pl.BlockSpec((B, 1), lambda i: (0, 0)),
            pl.BlockSpec((B, 128), lambda i: (0, 0)),
        ],
        out_shape=[
            jax.ShapeDtypeStruct((B, PAD), jnp.float32),
            jax.ShapeDtypeStruct((B, 1), jnp.float32),
            jax.ShapeDtypeStruct((B, 128), jnp.float32),
        ],
        scratch_shapes=[
            pltpu.VMEM((B, 128), jnp.float32),
            pltpu.VMEM((B, PAD), jnp.float32),
        ],
    )(output_scores.reshape(B, 1), scores)


def _merge16(tv, ti, xv, xi):
    sv, si = plsc.sort_key_val(xv, xi, descending=True)
    take = sv > tv
    nv = jnp.where(take, sv, tv)
    ni = jnp.where(take, si, ti)
    res = plsc.sort_key_val(nv, ni, descending=False)
    return res[0], res[1]


def _p2_body(scores_ref, a_ref, c_ref, tail_ref, ov_ref, oi_ref, avm, cvm,
             chunk, stv, sti):
    cid = lax.axis_index("c")
    sid = lax.axis_index("s")
    lane = lax.iota(jnp.int32, 16)

    @pl.when(sid < NW // 2)
    def _work():
        w = cid * (NW // 2) + sid
        pltpu.sync_copy(a_ref, avm)
        pltpu.sync_copy(c_ref, cvm)

        av = jnp.full((16,), NEG, jnp.float32)
        ai = jnp.zeros((16,), jnp.int32)
        for j in range(B):
            xv = avm[j, pl.ds(0, PAD)]
            av, ai = _merge16(av, ai, xv, j * PAD + lane)
        slot = w // NP
        selidx = jnp.int32(0)
        for t in range(K):
            mx = jnp.max(av)
            hit = av == mx
            mi = jnp.min(jnp.where(hit, ai, IMAX))
            selidx = jnp.where(slot == t, mi, selidx)
            av = jnp.where(hit & (ai == mi), NEG, av)
        thr = mx
        r = selidx // PAD
        ch = selidx % PAD
        row8 = pl.multiple_of((r // 8) * 8, 8)
        rr = r % 8
        crow = jnp.full((16,), NEG, jnp.float32)
        for q in range(B // 16):
            cv = cvm[pl.ds(q * 16, 16)]
            crow = jnp.maximum(crow, jnp.where(lane + q * 16 == r, cv, NEG))
        cr = jnp.max(crow)

        is_tail = ch == NCH - 1
        TAIL0 = ((V - H) // 128) * 128
        SV = 16
        init = (jnp.full((16,), NEG, jnp.float32), jnp.zeros((16,), jnp.int32))

        def scan_big(carry):
            col0 = pl.multiple_of(
                jnp.where(is_tail, jnp.int32(TAIL0), ch * C + (w % NP) * H),
                128)
            base = r * V + col0
            pltpu.sync_copy(scores_ref.at[pl.ds(row8, 8), pl.ds(col0, H)],
                            chunk)

            def strip(st, cc):
                sb = st * (SV * 16)
                pm = chunk[rr, pl.ds(sb, 16)]
                for j in range(1, SV):
                    pm = jnp.maximum(pm, chunk[rr, pl.ds(sb + j * 16, 16)])

                def merge_all(tt):
                    tv2, ti2 = tt
                    for j in range(SV):
                        xv = chunk[rr, pl.ds(sb + j * 16, 16)] + cr
                        xi = base + sb + j * 16 + lane
                        tv2, ti2 = _merge16(tv2, ti2, xv, xi)
                    return (tv2, ti2)

                return lax.cond(jnp.max(pm) + cr >= thr, merge_all,
                                lambda tt: tt, cc)

            return lax.fori_loop(0, H // (SV * 16), strip, carry)

        def scan_small(carry):
            base = r * V + TAIL1
            pltpu.sync_copy(tail_ref.at[pl.ds(row8, 8), pl.ds(0, 128)],
                            chunk.at[pl.ds(0, 8), pl.ds(0, 128)])
            tv2, ti2 = carry
            for j in range(128 // 16):
                xv = chunk[rr, pl.ds(j * 16, 16)] + cr
                xi = base + j * 16 + lane
                tv2, ti2 = _merge16(tv2, ti2, xv, xi)
            return (tv2, ti2)

        tv, ti = lax.cond(is_tail & (w % NP == 1), scan_small, scan_big, init)
        stv[...] = tv
        sti[...] = ti
        pltpu.sync_copy(stv, ov_ref.at[w])
        pltpu.sync_copy(sti, oi_ref.at[w])


def _phase2(scores_cm, a8, c_vec, tail):
    mesh = plsc.VectorSubcoreMesh(core_axis_name="c", subcore_axis_name="s")
    kern = functools.partial(
        pl.kernel,
        mesh=mesh,
        compiler_params=pltpu.CompilerParams(needs_layout_passes=False),
        out_type=[
            jax.ShapeDtypeStruct((NW, 16), jnp.float32),
            jax.ShapeDtypeStruct((NW, 16), jnp.int32),
        ],
        scratch_types=[
            pltpu.VMEM((B, PAD), jnp.float32),
            pltpu.VMEM((B,), jnp.float32),
            pltpu.VMEM((8, H), jnp.float32),
            pltpu.VMEM((16,), jnp.float32),
            pltpu.VMEM((16,), jnp.int32),
        ],
    )(_p2_body)
    return kern(scores_cm, a8, c_vec, tail)


def _p3_body(cv_ref, ci_ref, hv_ref, i1_ref, i2_ref):
    v = cv_ref[...]
    ii = ci_ref[...]
    lane = lax.broadcasted_iota(jnp.int32, (1, 16), 1)
    hv = jnp.zeros((1, 16), jnp.float32)
    i1 = jnp.zeros((1, 16), jnp.int32)
    i2 = jnp.zeros((1, 16), jnp.int32)
    for t in range(K):
        mx = jnp.max(v)
        hit = v == mx
        mi = jnp.min(jnp.where(hit, ii, IMAX))
        hv = jnp.where(lane == t, mx, hv)
        i1 = jnp.where(lane == t, mi // V, i1)
        i2 = jnp.where(lane == t, mi % V, i2)
        v = jnp.where(hit & (ii == mi), NEG, v)
    hv_ref[...] = hv
    i1_ref[...] = i1
    i2_ref[...] = i2


def _phase3(cand_v, cand_i):
    return pl.pallas_call(
        _p3_body,
        out_shape=[
            jax.ShapeDtypeStruct((1, 16), jnp.float32),
            jax.ShapeDtypeStruct((1, 16), jnp.int32),
            jax.ShapeDtypeStruct((1, 16), jnp.int32),
        ],
    )(cand_v, cand_i)


def kernel(scores, output_scores, k):
    del k
    a8, c, tail = _phase1(scores, output_scores)
    cv, ci = _phase2(scores, a8, c.reshape(-1), tail)
    hv, i1, i2 = _phase3(cv, ci)
    return hv.reshape(-1)[:K], i1.reshape(-1)[:K], i2.reshape(-1)[:K]

# --- scband reference (transcript-rebuilt; emitter-appended) ---
"""Pipeline reference for scband-seq2-seq-model-38216619000171 (READ-ONLY COPY).

The authoritative reference and input builder live on the scoring server;
editing this copy changes nothing except your own understanding.
"""

import jax, jax.numpy as jnp
import numpy as np


def setup_inputs(seed: int = 0) -> dict:
    key = jax.random.key(seed)
    k1, k2 = jax.random.split(key)
    scores = jax.random.normal(k1, (64, 100000), dtype=jnp.float32)
    output_scores = jax.random.normal(k2, (64,), dtype=jnp.float32)
    return {"scores": scores, "output_scores": output_scores, "k": 8}


def reference(scores, output_scores, k):
    # Core beam-search top-k masking step from Seq2SeqModel.beam_search:
    #   logit_score = log_softmax(scores[:, -1]) + output_scores[:, None]
    #   flatten over (beam, vocab) and take top-k, recovering beam and token ids.
    vocab = scores.shape[-1]
    logit_score = jax.nn.log_softmax(scores, axis=-1)
    logit_score = output_scores[:, None] + logit_score
    flat = logit_score.reshape(-1)
    flat = flat + (jnp.asarray(k) * 0).astype(flat.dtype)
    static_k = 8
    hype_score, hype_pos = jax.lax.top_k(flat, static_k)
    indice1 = hype_pos // vocab  # which beam each hypothesis came from
    indice2 = hype_pos % vocab   # which token was selected
    return hype_score, indice1, indice2

if __name__ == "__main__":
    import jax
    _d = setup_inputs()
    print(jax.jit(kernel)(*tuple(_d.values())))

</pallas_src>

<mosaic_0001>
#map = affine_map<(d0, d1) -> (0, 0)>
#map1 = affine_map<(d0, d1) -> (0)>
module attributes {stable_mosaic.version = 14 : i64} {
  func.func @_p2_body(%arg0: i32, %arg1: i32, %arg2: memref<64x100000xf32, #tpu.memory_space<hbm>>, %arg3: memref<64x16xf32, #tpu.memory_space<hbm>>, %arg4: memref<64xf32, #tpu.memory_space<hbm>>, %arg5: memref<64x128xf32, #tpu.memory_space<hbm>>, %arg6: memref<16x16xf32, #tpu.memory_space<hbm>>, %arg7: memref<16x16xi32, #tpu.memory_space<hbm>>, %arg8: memref<64x16xf32, #tpu.memory_space<vmem>>, %arg9: memref<64xf32, #tpu.memory_space<vmem>>, %arg10: memref<8x4096xf32, #tpu.memory_space<vmem>>, %arg11: memref<16xf32, #tpu.memory_space<vmem>>, %arg12: memref<16xi32, #tpu.memory_space<vmem>>) attributes {dimension_semantics = [#tpu.dimension_semantics<core_parallel>, #tpu.dimension_semantics<subcore_parallel>], iteration_bounds = array<i64: 2, 16>, scalar_prefetch = 0 : i64, scratch_operands = 5 : i64, tpu.core_type = #tpu.core_type<sc_vector_subcore>, window_params = [{transform_indices = #map}, {transform_indices = #map}, {transform_indices = #map1}, {transform_indices = #map}, {transform_indices = #map}, {transform_indices = #map}]} {
    %iota3A = tpu.iota {dimensions = array<i32: 0>} : vector<16xi32>
    %lt3A = arith.constant 8 : i32
    %lt3A_0 = arith.cmpi slt, %arg1, %lt3A : i32
    %convert_element_type3A = arith.extui %lt3A_0 : i1 to i32
    %cond3A = arith.constant 0 : i32
    %cond3A_1 = arith.cmpi ne, %convert_element_type3A, %cond3A : i32
    scf.if %cond3A_1 {
      %mul3A = arith.constant 8 : i32
      %mul3A_2 = arith.muli %arg0, %mul3A : i32
      %add3A = arith.addi %mul3A_2, %arg1 : i32
      "tpu.region"() ({
        %run_scoped3A = tpu.sem_alloc : memref<!tpu.dma_semaphore, #tpu.memory_space<semaphore_mem>>
        tpu.enqueue_dma source(%arg3 : memref<64x16xf32, #tpu.memory_space<hbm>>) target(%arg8 : memref<64x16xf32, #tpu.memory_space<vmem>>) target_semaphore(%run_scoped3A : memref<!tpu.dma_semaphore, #tpu.memory_space<semaphore_mem>>)
        tpu.wait_dma2 semaphore(%run_scoped3A : memref<!tpu.dma_semaphore, #tpu.memory_space<semaphore_mem>>) src(%arg3 : memref<64x16xf32, #tpu.memory_space<hbm>>) dst(%arg8 : memref<64x16xf32, #tpu.memory_space<vmem>>)
        tpu.yield
      }) : () -> ()
      "tpu.region"() ({
        %run_scoped3A = tpu.sem_alloc : memref<!tpu.dma_semaphore, #tpu.memory_space<semaphore_mem>>
        tpu.enqueue_dma source(%arg4 : memref<64xf32, #tpu.memory_space<hbm>>) target(%arg9 : memref<64xf32, #tpu.memory_space<vmem>>) target_semaphore(%run_scoped3A : memref<!tpu.dma_semaphore, #tpu.memory_space<semaphore_mem>>)
        tpu.wait_dma2 semaphore(%run_scoped3A : memref<!tpu.dma_semaphore, #tpu.memory_space<semaphore_mem>>) src(%arg4 : memref<64xf32, #tpu.memory_space<hbm>>) dst(%arg9 : memref<64xf32, #tpu.memory_space<vmem>>)
        tpu.yield
      }) : () -> ()
      %broadcast_in_dim3A = arith.constant 0xFF800000 : f32
      %broadcast_in_dim3A_3 = vector.broadcast %broadcast_in_dim3A : f32 to vector<16xf32>
      %broadcast_in_dim3A_4 = arith.constant 0 : i32
      %broadcast_in_dim3A_5 = vector.broadcast %broadcast_in_dim3A_4 : i32 to vector<16xi32>
      %get3A = arith.constant 0 : i32
      %get3A_6 = arith.index_cast %get3A : i32 to index
      %get3A_7 = arith.constant 0 : index
      %get3A_8 = tpu.vector_load %arg8[%get3A_6, %get3A_7] {strides = array<i32>} : memref<64x16xf32, #tpu.memory_space<vmem>>, vector<16xf32>,
      %add3A_9 = arith.constant 0 : i32
      %add3A_10 = vector.broadcast %add3A_9 : i32 to vector<16xi32>
      %add3A_11 = arith.addi %add3A_10, %iota3A : vector<16xi32>
      %masked_sort3A = arith.constant dense<true> : vector<16xi1>
      %masked_sort3A_12, %masked_sort3A_13, %masked_sort3A_14 = tpu.sort %get3A_8, %add3A_11 masked %masked_sort3A {descending = true} : (vector<16xf32>, vector<16xi32>, vector<16xi1>) -> (vector<16xi1>, vector<16xf32>, vector<16xi32>)
      %gt3A = arith.cmpf ogt, %masked_sort3A_13, %broadcast_in_dim3A_3 : vector<16xf32>
      %select_n3A = arith.select %gt3A, %masked_sort3A_13, %broadcast_in_dim3A_3 : vector<16xi1>, vector<16xf32>
      %select_n3A_15 = arith.select %gt3A, %masked_sort3A_14, %broadcast_in_dim3A_5 : vector<16xi1>, vector<16xi32>
      %masked_sort3A_16 = arith.constant dense<true> : vector<16xi1>
      %masked_sort3A_17, %masked_sort3A_18, %masked_sort3A_19 = tpu.sort %select_n3A, %select_n3A_15 masked %masked_sort3A_16 : (vector<16xf32>, vector<16xi32>, vector<16xi1>) -> (vector<16xi1>, vector<16xf32>, vector<16xi32>)
      %get3A_20 = arith.constant 1 : i32
      %get3A_21 = arith.index_cast %get3A_20 : i32 to index
      %get3A_22 = arith.constant 0 : index
      %get3A_23 = tpu.vector_load %arg8[%get3A_21, %get3A_22] {strides = array<i32>} : memref<64x16xf32, #tpu.memory_space<vmem>>, vector<16xf32>,
      %add3A_24 = arith.constant 16 : i32
      %add3A_25 = vector.broadcast %add3A_24 : i32 to vector<16xi32>
      %add3A_26 = arith.addi %add3A_25, %iota3A : vector<16xi32>
      %masked_sort3A_27 = arith.constant dense<true> : vector<16xi1>
      %masked_sort3A_28, %masked_sort3A_29, %masked_sort3A_30 = tpu.sort %get3A_23, %add3A_26 masked %masked_sort3A_27 {descending = true} : (vector<16xf32>, vector<16xi32>, vector<16xi1>) -> (vector<16xi1>, vector<16xf32>, vector<16xi32>)
      %gt3A_31 = arith.cmpf ogt, %masked_sort3A_29, %masked_sort3A_18 : vector<16xf32>
      %select_n3A_32 = arith.select %gt3A_31, %masked_sort3A_29, %masked_sort3A_18 : vector<16xi1>, vector<16xf32>
      %select_n3A_33 = arith.select %gt3A_31, %masked_sort3A_30, %masked_sort3A_19 : vector<16xi1>, vector<16xi32>
      %masked_sort3A_34 = arith.constant dense<true> : vector<16xi1>
      %masked_sort3A_35, %masked_sort3A_36, %masked_sort3A_37 = tpu.sort %select_n3A_32, %select_n3A_33 masked %masked_sort3A_34 : (vector<16xf32>, vector<16xi32>, vector<16xi1>) -> (vector<16xi1>, vector<16xf32>, vector<16xi32>)
      %get3A_38 = arith.constant 2 : i32
      %get3A_39 = arith.index_cast %get3A_38 : i32 to index
      %get3A_40 = arith.constant 0 : index
      %get3A_41 = tpu.vector_load %arg8[%get3A_39, %get3A_40] {strides = array<i32>} : memref<64x16xf32, #tpu.memory_space<vmem>>, vector<16xf32>,
      %add3A_42 = arith.constant 32 : i32
      %add3A_43 = vector.broadcast %add3A_42 : i32 to vector<16xi32>
      %add3A_44 = arith.addi %add3A_43, %iota3A : vector<16xi32>
      %masked_sort3A_45 = arith.constant dense<true> : vector<16xi1>
      %masked_sort3A_46, %masked_sort3A_47, %masked_sort3A_48 = tpu.sort %get3A_41, %add3A_44 masked %masked_sort3A_45 {descending = true} : (vector<16xf32>, vector<16xi32>, vector<16xi1>) -> (vector<16xi1>, vector<16xf32>, vector<16xi32>)
      %gt3A_49 = arith.cmpf ogt, %masked_sort3A_47, %masked_sort3A_36 : vector<16xf32>
      %select_n3A_50 = arith.select %gt3A_49, %masked_sort3A_47, %masked_sort3A_36 : vector<16xi1>, vector<16xf32>
      %select_n3A_51 = arith.select %gt3A_49, %masked_sort3A_48, %masked_sort3A_37 : vector<16xi1>, vector<16xi32>
      %masked_sort3A_52 = arith.constant dense<true> : vector<16xi1>
      %masked_sort3A_53, %masked_sort3A_54, %masked_sort3A_55 = tpu.sort %select_n3A_50, %select_n3A_51 masked %masked_sort3A_52 : (vector<16xf32>, vector<16xi32>, vector<16xi1>) -> (vector<16xi1>, vector<16xf32>, vector<16xi32>)
      %get3A_56 = arith.constant 3 : i32
      %get3A_57 = arith.index_cast %get3A_56 : i32 to index
      %get3A_58 = arith.constant 0 : index
      %get3A_59 = tpu.vector_load %arg8[%get3A_57, %get3A_58] {strides = array<i32>} : memref<64x16xf32, #tpu.memory_space<vmem>>, vector<16xf32>,
      %add3A_60 = arith.constant 48 : i32
      %add3A_61 = vector.broadcast %add3A_60 : i32 to vector<16xi32>
      %add3A_62 = arith.addi %add3A_61, %iota3A : vector<16xi32>
      %masked_sort3A_63 = arith.constant dense<true> : vector<16xi1>
      %masked_sort3A_64, %masked_sort3A_65, %masked_sort3A_66 = tpu.sort %get3A_59, %add3A_62 masked %masked_sort3A_63 {descending = true} : (vector<16xf32>, vector<16xi32>, vector<16xi1>) -> (vector<16xi1>, vector<16xf32>, vector<16xi32>)
      %gt3A_67 = arith.cmpf ogt, %masked_sort3A_65, %masked_sort3A_54 : vector<16xf32>
      %select_n3A_68 = arith.select %gt3A_67, %masked_sort3A_65, %masked_sort3A_54 : vector<16xi1>, vector<16xf32>
      %select_n3A_69 = arith.select %gt3A_67, %masked_sort3A_66, %masked_sort3A_55 : vector<16xi1>, vector<16xi32>
      %masked_sort3A_70 = arith.constant dense<true> : vector<16xi1>
      %masked_sort3A_71, %masked_sort3A_72, %masked_sort3A_73 = tpu.sort %select_n3A_68, %select_n3A_69 masked %masked_sort3A_70 : (vector<16xf32>, vector<16xi32>, vector<16xi1>) -> (vector<16xi1>, vector<16xf32>, vector<16xi32>)
      %get3A_74 = arith.constant 4 : i32
      %get3A_75 = arith.index_cast %get3A_74 : i32 to index
      %get3A_76 = arith.constant 0 : index
      %get3A_77 = tpu.vector_load %arg8[%get3A_75, %get3A_76] {strides = array<i32>} : memref<64x16xf32, #tpu.memory_space<vmem>>, vector<16xf32>,
      %add3A_78 = arith.constant 64 : i32
      %add3A_79 = vector.broadcast %add3A_78 : i32 to vector<16xi32>
      %add3A_80 = arith.addi %add3A_79, %iota3A : vector<16xi32>
      %masked_sort3A_81 = arith.constant dense<true> : vector<16xi1>
      %masked_sort3A_82, %masked_sort3A_83, %masked_sort3A_84 = tpu.sort %get3A_77, %add3A_80 masked %masked_sort3A_81 {descending = true} : (vector<16xf32>, vector<16xi32>, vector<16xi1>) -> (vector<16xi1>, vector<16xf32>, vector<16xi32>)
      %gt3A_85 = arith.cmpf ogt, %masked_sort3A_83, %masked_sort3A_72 : vector<16xf32>
      %select_n3A_86 = arith.select %gt3A_85, %masked_sort3A_83, %masked_sort3A_72 : vector<16xi1>, vector<16xf32>
      %select_n3A_87 = arith.select %gt3A_85, %masked_sort3A_84, %masked_sort3A_73 : vector<16xi1>, vector<16xi32>
      %masked_sort3A_88 = arith.constant dense<true> : vector<16xi1>
      %masked_sort3A_89, %masked_sort3A_90, %masked_sort3A_91 = tpu.sort %select_n3A_86, %select_n3A_87 masked %masked_sort3A_88 : (vector<16xf32>, vector<16xi32>, vector<16xi1>) -> (vector<16xi1>, vector<16xf32>, vector<16xi32>)
      %get3A_92 = arith.constant 5 : i32
      %get3A_93 = arith.index_cast %get3A_92 : i32 to index
      %get3A_94 = arith.constant 0 : index
      %get3A_95 = tpu.vector_load %arg8[%get3A_93, %get3A_94] {strides = array<i32>} : memref<64x16xf32, #tpu.memory_space<vmem>>, vector<16xf32>,
      %add3A_96 = arith.constant 80 : i32
      %add3A_97 = vector.broadcast %add3A_96 : i32 to vector<16xi32>
      %add3A_98 = arith.addi %add3A_97, %iota3A : vector<16xi32>
      %masked_sort3A_99 = arith.constant dense<true> : vector<16xi1>
      %masked_sort3A_100, %masked_sort3A_101, %masked_sort3A_102 = tpu.sort %get3A_95, %add3A_98 masked %masked_sort3A_99 {descending = true} : (vector<16xf32>, vector<16xi32>, vector<16xi1>) -> (vector<16xi1>, vector<16xf32>, vector<16xi32>)
      %gt3A_103 = arith.cmpf ogt, %masked_sort3A_101, %masked_sort3A_90 : vector<16xf32>
      %select_n3A_104 = arith.select %gt3A_103, %masked_sort3A_101, %masked_sort3A_90 : vector<16xi1>, vector<16xf32>
      %select_n3A_105 = arith.select %gt3A_103, %masked_sort3A_102, %masked_sort3A_91 : vector<16xi1>, vector<16xi32>
      %masked_sort3A_106 = arith.constant dense<true> : vector<16xi1>
      %masked_sort3A_107, %masked_sort3A_108, %masked_sort3A_109 = tpu.sort %select_n3A_104, %select_n3A_105 masked %masked_sort3A_106 : (vector<16xf32>, vector<16xi32>, vector<16xi1>) -> (vector<16xi1>, vector<16xf32>, vector<16xi32>)
      %get3A_110 = arith.constant 6 : i32
      %get3A_111 = arith.index_cast %get3A_110 : i32 to index
      %get3A_112 = arith.constant 0 : index
      %get3A_113 = tpu.vector_load %arg8[%get3A_111, %get3A_112] {strides = array<i32>} : memref<64x16xf32, #tpu.memory_space<vmem>>, vector<16xf32>,
      %add3A_114 = arith.constant 96 : i32
      %add3A_115 = vector.broadcast %add3A_114 : i32 to vector<16xi32>
      %add3A_116 = arith.addi %add3A_115, %iota3A : vector<16xi32>
      %masked_sort3A_117 = arith.constant dense<true> : vector<16xi1>
      %masked_sort3A_118, %masked_sort3A_119, %masked_sort3A_120 = tpu.sort %get3A_113, %add3A_116 masked %masked_sort3A_117 {descending = true} : (vector<16xf32>, vector<16xi32>, vector<16xi1>) -> (vector<16xi1>, vector<16xf32>, vector<16xi32>)
      %gt3A_121 = arith.cmpf ogt, %masked_sort3A_119, %masked_sort3A_108 : vector<16xf32>
      %select_n3A_122 = arith.select %gt3A_121, %masked_sort3A_119, %masked_sort3A_108 : vector<16xi1>, vector<16xf32>
      %select_n3A_123 = arith.select %gt3A_121, %masked_sort3A_120, %masked_sort3A_109 : vector<16xi1>, vector<16xi32>
      %masked_sort3A_124 = arith.constant dense<true> : vector<16xi1>
      %masked_sort3A_125, %masked_sort3A_126, %masked_sort3A_127 = tpu.sort %select_n3A_122, %select_n3A_123 masked %masked_sort3A_124 : (vector<16xf32>, vector<16xi32>, vector<16xi1>) -> (vector<16xi1>, vector<16xf32>, vector<16xi32>)
      %get3A_128 = arith.constant 7 : i32
      %get3A_129 = arith.index_cast %get3A_128 : i32 to index
      %get3A_130 = arith.constant 0 : index
      %get3A_131 = tpu.vector_load %arg8[%get3A_129, %get3A_130] {strides = array<i32>} : memref<64x16xf32, #tpu.memory_space<vmem>>, vector<16xf32>,
      %add3A_132 = arith.constant 112 : i32
      %add3A_133 = vector.broadcast %add3A_132 : i32 to vector<16xi32>
      %add3A_134 = arith.addi %add3A_133, %iota3A : vector<16xi32>
      %masked_sort3A_135 = arith.constant dense<true> : vector<16xi1>
      %masked_sort3A_136, %masked_sort3A_137, %masked_sort3A_138 = tpu.sort %get3A_131, %add3A_134 masked %masked_sort3A_135 {descending = true} : (vector<16xf32>, vector<16xi32>, vector<16xi1>) -> (vector<16xi1>, vector<16xf32>, vector<16xi32>)
      %gt3A_139 = arith.cmpf ogt, %masked_sort3A_137, %masked_sort3A_126 : vector<16xf32>
      %select_n3A_140 = arith.select %gt3A_139, %masked_sort3A_137, %masked_sort3A_126 : vector<16xi1>, vector<16xf32>
      %select_n3A_141 = arith.select %gt3A_139, %masked_sort3A_138, %masked_sort3A_127 : vector<16xi1>, vector<16xi32>
      %masked_sort3A_142 = arith.constant dense<true> : vector<16xi1>
      %masked_sort3A_143, %masked_sort3A_144, %masked_sort3A_145 = tpu.sort %select_n3A_140, %select_n3A_141 masked %masked_sort3A_142 : (vector<16xf32>, vector<16xi32>, vector<16xi1>) -> (vector<16xi1>, vector<16xf32>, vector<16xi32>)
      %get3A_146 = arith.constant 8 : i32
      %get3A_147 = arith.index_cast %get3A_146 : i32 to index
      %get3A_148 = arith.constant 0 : index
      %get3A_149 = tpu.vector_load %arg8[%get3A_147, %get3A_148] {strides = array<i32>} : memref<64x16xf32, #tpu.memory_space<vmem>>, vector<16xf32>,
      %add3A_150 = arith.constant 128 : i32
      %add3A_151 = vector.broadcast %add3A_150 : i32 to vector<16xi32>
      %add3A_152 = arith.addi %add3A_151, %iota3A : vector<16xi32>
      %masked_sort3A_153 = arith.constant dense<true> : vector<16xi1>
      %masked_sort3A_154, %masked_sort3A_155, %masked_sort3A_156 = tpu.sort %get3A_149, %add3A_152 masked %masked_sort3A_153 {descending = true} : (vector<16xf32>, vector<16xi32>, vector<16xi1>) -> (vector<16xi1>, vector<16xf32>, vector<16xi32>)
      %gt3A_157 = arith.cmpf ogt, %masked_sort3A_155, %masked_sort3A_144 : vector<16xf32>
      %select_n3A_158 = arith.select %gt3A_157, %masked_sort3A_155, %masked_sort3A_144 : vector<16xi1>, vector<16xf32>
      %select_n3A_159 = arith.select %gt3A_157, %masked_sort3A_156, %masked_sort3A_145 : vector<16xi1>, vector<16xi32>
      %masked_sort3A_160 = arith.constant dense<true> : vector<16xi1>
      %masked_sort3A_161, %masked_sort3A_162, %masked_sort3A_163 = tpu.sort %select_n3A_158, %select_n3A_159 masked %masked_sort3A_160 : (vector<16xf32>, vector<16xi32>, vector<16xi1>) -> (vector<16xi1>, vector<16xf32>, vector<16xi32>)
      %get3A_164 = arith.constant 9 : i32
      %get3A_165 = arith.index_cast %get3A_164 : i32 to index
      %get3A_166 = arith.constant 0 : index
      %get3A_167 = tpu.vector_load %arg8[%get3A_165, %get3A_166] {strides = array<i32>} : memref<64x16xf32, #tpu.memory_space<vmem>>, vector<16xf32>,
      %add3A_168 = arith.constant 144 : i32
      %add3A_169 = vector.broadcast %add3A_168 : i32 to vector<16xi32>
      %add3A_170 = arith.addi %add3A_169, %iota3A : vector<16xi32>
      %masked_sort3A_171 = arith.constant dense<true> : vector<16xi1>
      %masked_sort3A_172, %masked_sort3A_173, %masked_sort3A_174 = tpu.sort %get3A_167, %add3A_170 masked %masked_sort3A_171 {descending = true} : (vector<16xf32>, vector<16xi32>, vector<16xi1>) -> (vector<16xi1>, vector<16xf32>, vector<16xi32>)
      %gt3A_175 = arith.cmpf ogt, %masked_sort3A_173, %masked_sort3A_162 : vector<16xf32>
      %select_n3A_176 = arith.select %gt3A_175, %masked_sort3A_173, %masked_sort3A_162 : vector<16xi1>, vector<16xf32>
      %select_n3A_177 = arith.select %gt3A_175, %masked_sort3A_174, %masked_sort3A_163 : vector<16xi1>, vector<16xi32>
      %masked_sort3A_178 = arith.constant dense<true> : vector<16xi1>
      %masked_sort3A_179, %masked_sort3A_180, %masked_sort3A_181 = tpu.sort %select_n3A_176, %select_n3A_177 masked %masked_sort3A_178 : (vector<16xf32>, vector<16xi32>, vector<16xi1>) -> (vector<16xi1>, vector<16xf32>, vector<16xi32>)
      %get3A_182 = arith.constant 10 : i32
      %get3A_183 = arith.index_cast %get3A_182 : i32 to index
      %get3A_184 = arith.constant 0 : index
      %get3A_185 = tpu.vector_load %arg8[%get3A_183, %get3A_184] {strides = array<i32>} : memref<64x16xf32, #tpu.memory_space<vmem>>, vector<16xf32>,
      %add3A_186 = arith.constant 160 : i32
      %add3A_187 = vector.broadcast %add3A_186 : i32 to vector<16xi32>
      %add3A_188 = arith.addi %add3A_187, %iota3A : vector<16xi32>
      %masked_sort3A_189 = arith.constant dense<true> : vector<16xi1>
      %masked_sort3A_190, %masked_sort3A_191, %masked_sort3A_192 = tpu.sort %get3A_185, %add3A_188 masked %masked_sort3A_189 {descending = true} : (vector<16xf32>, vector<16xi32>, vector<16xi1>) -> (vector<16xi1>, vector<16xf32>, vector<16xi32>)
      %gt3A_193 = arith.cmpf ogt, %masked_sort3A_191, %masked_sort3A_180 : vector<16xf32>
      %select_n3A_194 = arith.select %gt3A_193, %masked_sort3A_191, %masked_sort3A_180 : vector<16xi1>, vector<16xf32>
      %select_n3A_195 = arith.select %gt3A_193, %masked_sort3A_192, %masked_sort3A_181 : vector<16xi1>, vector<16xi32>
      %masked_sort3A_196 = arith.constant dense<true> : vector<16xi1>
      %masked_sort3A_197, %masked_sort3A_198, %masked_sort3A_199 = tpu.sort %select_n3A_194, %select_n3A_195 masked %masked_sort3A_196 : (vector<16xf32>, vector<16xi32>, vector<16xi1>) -> (vector<16xi1>, vector<16xf32>, vector<16xi32>)
      %get3A_200 = arith.constant 11 : i32
      %get3A_201 = arith.index_cast %get3A_200 : i32 to index
      %get3A_202 = arith.constant 0 : index
      %get3A_203 = tpu.vector_load %arg8[%get3A_201, %get3A_202] {strides = array<i32>} : memref<64x16xf32, #tpu.memory_space<vmem>>, vector<16xf32>,
      %add3A_204 = arith.constant 176 : i32
      %add3A_205 = vector.broadcast %add3A_204 : i32 to vector<16xi32>
      %add3A_206 = arith.addi %add3A_205, %iota3A : vector<16xi32>
      %masked_sort3A_207 = arith.constant dense<true> : vector<16xi1>
      %masked_sort3A_208, %masked_sort3A_209, %masked_sort3A_210 = tpu.sort %get3A_203, %add3A_206 masked %masked_sort3A_207 {descending = true} : (vector<16xf32>, vector<16xi32>, vector<16xi1>) -> (vector<16xi1>, vector<16xf32>, vector<16xi32>)
      %gt3A_211 = arith.cmpf ogt, %masked_sort3A_209, %masked_sort3A_198 : vector<16xf32>
      %select_n3A_212 = arith.select %gt3A_211, %masked_sort3A_209, %masked_sort3A_198 : vector<16xi1>, vector<16xf32>
      %select_n3A_213 = arith.select %gt3A_211, %masked_sort3A_210, %masked_sort3A_199 : vector<16xi1>, vector<16xi32>
      %masked_sort3A_214 = arith.constant dense<true> : vector<16xi1>
      %masked_sort3A_215, %masked_sort3A_216, %masked_sort3A_217 = tpu.sort %select_n3A_212, %select_n3A_213 masked %masked_sort3A_214 : (vector<16xf32>, vector<16xi32>, vector<16xi1>) -> (vector<16xi1>, vector<16xf32>, vector<16xi32>)
      %get3A_218 = arith.constant 12 : i32
      %get3A_219 = arith.index_cast %get3A_218 : i32 to index
      %get3A_220 = arith.constant 0 : index
      %get3A_221 = tpu.vector_load %arg8[%get3A_219, %get3A_220] {strides = array<i32>} : memref<64x16xf32, #tpu.memory_space<vmem>>, vector<16xf32>,
      %add3A_222 = arith.constant 192 : i32
      %add3A_223 = vector.broadcast %add3A_222 : i32 to vector<16xi32>
      %add3A_224 = arith.addi %add3A_223, %iota3A : vector<16xi32>
      %masked_sort3A_225 = arith.constant dense<true> : vector<16xi1>
      %masked_sort3A_226, %masked_sort3A_227, %masked_sort3A_228 = tpu.sort %get3A_221, %add3A_224 masked %masked_sort3A_225 {descending = true} : (vector<16xf32>, vector<16xi32>, vector<16xi1>) -> (vector<16xi1>, vector<16xf32>, vector<16xi32>)
      %gt3A_229 = arith.cmpf ogt, %masked_sort3A_227, %masked_sort3A_216 : vector<16xf32>
      %select_n3A_230 = arith.select %gt3A_229, %masked_sort3A_227, %masked_sort3A_216 : vector<16xi1>, vector<16xf32>
      %select_n3A_231 = arith.select %gt3A_229, %masked_sort3A_228, %masked_sort3A_217 : vector<16xi1>, vector<16xi32>
      %masked_sort3A_232 = arith.constant dense<true> : vector<16xi1>
      %masked_sort3A_233, %masked_sort3A_234, %masked_sort3A_235 = tpu.sort %select_n3A_230, %select_n3A_231 masked %masked_sort3A_232 : (vector<16xf32>, vector<16xi32>, vector<16xi1>) -> (vector<16xi1>, vector<16xf32>, vector<16xi32>)
      %get3A_236 = arith.constant 13 : i32
      %get3A_237 = arith.index_cast %get3A_236 : i32 to index
      %get3A_238 = arith.constant 0 : index
      %get3A_239 = tpu.vector_load %arg8[%get3A_237, %get3A_238] {strides = array<i32>} : memref<64x16xf32, #tpu.memory_space<vmem>>, vector<16xf32>,
      %add3A_240 = arith.constant 208 : i32
      %add3A_241 = vector.broadcast %add3A_240 : i32 to vector<16xi32>
      %add3A_242 = arith.addi %add3A_241, %iota3A : vector<16xi32>
      %masked_sort3A_243 = arith.constant dense<true> : vector<16xi1>
      %masked_sort3A_244, %masked_sort3A_245, %masked_sort3A_246 = tpu.sort %get3A_239, %add3A_242 masked %masked_sort3A_243 {descending = true} : (vector<16xf32>, vector<16xi32>, vector<16xi1>) -> (vector<16xi1>, vector<16xf32>, vector<16xi32>)
      %gt3A_247 = arith.cmpf ogt, %masked_sort3A_245, %masked_sort3A_234 : vector<16xf32>
      %select_n3A_248 = arith.select %gt3A_247, %masked_sort3A_245, %masked_sort3A_234 : vector<16xi1>, vector<16xf32>
      %select_n3A_249 = arith.select %gt3A_247, %masked_sort3A_246, %masked_sort3A_235 : vector<16xi1>, vector<16xi32>
      %masked_sort3A_250 = arith.constant dense<true> : vector<16xi1>
      %masked_sort3A_251, %masked_sort3A_252, %masked_sort3A_253 = tpu.sort %select_n3A_248, %select_n3A_249 masked %masked_sort3A_250 : (vector<16xf32>, vector<16xi32>, vector<16xi1>) -> (vector<16xi1>, vector<16xf32>, vector<16xi32>)
      %get3A_254 = arith.constant 14 : i32
      %get3A_255 = arith.index_cast %get3A_254 : i32 to index
      %get3A_256 = arith.constant 0 : index
      %get3A_257 = tpu.vector_load %arg8[%get3A_255, %get3A_256] {strides = array<i32>} : memref<64x16xf32, #tpu.memory_space<vmem>>, vector<16xf32>,
      %add3A_258 = arith.constant 224 : i32
      %add3A_259 = vector.broadcast %add3A_258 : i32 to vector<16xi32>
      %add3A_260 = arith.addi %add3A_259, %iota3A : vector<16xi32>
      %masked_sort3A_261 = arith.constant dense<true> : vector<16xi1>
      %masked_sort3A_262, %masked_sort3A_263, %masked_sort3A_264 = tpu.sort %get3A_257, %add3A_260 masked %masked_sort3A_261 {descending = true} : (vector<16xf32>, vector<16xi32>, vector<16xi1>) -> (vector<16xi1>, vector<16xf32>, vector<16xi32>)
      %gt3A_265 = arith.cmpf ogt, %masked_sort3A_263, %masked_sort3A_252 : vector<16xf32>
      %select_n3A_266 = arith.select %gt3A_265, %masked_sort3A_263, %masked_sort3A_252 : vector<16xi1>, vector<16xf32>
      %select_n3A_267 = arith.select %gt3A_265, %masked_sort3A_264, %masked_sort3A_253 : vector<16xi1>, vector<16xi32>
      %masked_sort3A_268 = arith.constant dense<true> : vector<16xi1>
      %masked_sort3A_269, %masked_sort3A_270, %masked_sort3A_271 = tpu.sort %select_n3A_266, %select_n3A_267 masked %masked_sort3A_268 : (vector<16xf32>, vector<16xi32>, vector<16xi1>) -> (vector<16xi1>, vector<16xf32>, vector<16xi32>)
      %get3A_272 = arith.constant 15 : i32
      %get3A_273 = arith.index_cast %get3A_272 : i32 to index
      %get3A_274 = arith.constant 0 : index
      %get3A_275 = tpu.vector_load %arg8[%get3A_273, %get3A_274] {strides = array<i32>} : memref<64x16xf32, #tpu.memory_space<vmem>>, vector<16xf32>,
      %add3A_276 = arith.constant 240 : i32
      %add3A_277 = vector.broadcast %add3A_276 : i32 to vector<16xi32>
      %add3A_278 = arith.addi %add3A_277, %iota3A : vector<16xi32>
      %masked_sort3A_279 = arith.constant dense<true> : vector<16xi1>
      %masked_sort3A_280, %masked_sort3A_281, %masked_sort3A_282 = tpu.sort %get3A_275, %add3A_278 masked %masked_sort3A_279 {descending = true} : (vector<16xf32>, vector<16xi32>, vector<16xi1>) -> (vector<16xi1>, vector<16xf32>, vector<16xi32>)
      %gt3A_283 = arith.cmpf ogt, %masked_sort3A_281, %masked_sort3A_270 : vector<16xf32>
      %select_n3A_284 = arith.select %gt3A_283, %masked_sort3A_281, %masked_sort3A_270 : vector<16xi1>, vector<16xf32>
      %select_n3A_285 = arith.select %gt3A_283, %masked_sort3A_282, %masked_sort3A_271 : vector<16xi1>, vector<16xi32>
      %masked_sort3A_286 = arith.constant dense<true> : vector<16xi1>
      %masked_sort3A_287, %masked_sort3A_288, %masked_sort3A_289 = tpu.sort %select_n3A_284, %select_n3A_285 masked %masked_sort3A_286 : (vector<16xf32>, vector<16xi32>, vector<16xi1>) -> (vector<16xi1>, vector<16xf32>, vector<16xi32>)
      %get3A_290 = arith.constant 16 : i32
      %get3A_291 = arith.index_cast %get3A_290 : i32 to index
      %get3A_292 = arith.constant 0 : index
      %get3A_293 = tpu.vector_load %arg8[%get3A_291, %get3A_292] {strides = array<i32>} : memref<64x16xf32, #tpu.memory_space<vmem>>, vector<16xf32>,
      %add3A_294 = arith.constant 256 : i32
      %add3A_295 = vector.broadcast %add3A_294 : i32 to vector<16xi32>
      %add3A_296 = arith.addi %add3A_295, %iota3A : vector<16xi32>
      %masked_sort3A_297 = arith.constant dense<true> : vector<16xi1>
      %masked_sort3A_298, %masked_sort3A_299, %masked_sort3A_300 = tpu.sort %get3A_293, %add3A_296 masked %masked_sort3A_297 {descending = true} : (vector<16xf32>, vector<16xi32>, vector<16xi1>) -> (vector<16xi1>, vector<16xf32>, vector<16xi32>)
      %gt3A_301 = arith.cmpf ogt, %masked_sort3A_299, %masked_sort3A_288 : vector<16xf32>
      %select_n3A_302 = arith.select %gt3A_301, %masked_sort3A_299, %masked_sort3A_288 : vector<16xi1>, vector<16xf32>
      %select_n3A_303 = arith.select %gt3A_301, %masked_sort3A_300, %masked_sort3A_289 : vector<16xi1>, vector<16xi32>
      %masked_sort3A_304 = arith.constant dense<true> : vector<16xi1>
      %masked_sort3A_305, %masked_sort3A_306, %masked_sort3A_307 = tpu.sort %select_n3A_302, %select_n3A_303 masked %masked_sort3A_304 : (vector<16xf32>, vector<16xi32>, vector<16xi1>) -> (vector<16xi1>, vector<16xf32>, vector<16xi32>)
      %get3A_308 = arith.constant 17 : i32
      %get3A_309 = arith.index_cast %get3A_308 : i32 to index
      %get3A_310 = arith.constant 0 : index
      %get3A_311 = tpu.vector_load %arg8[%get3A_309, %get3A_310] {strides = array<i32>} : memref<64x16xf32, #tpu.memory_space<vmem>>, vector<16xf32>,
      %add3A_312 = arith.constant 272 : i32
      %add3A_313 = vector.broadcast %add3A_312 : i32 to vector<16xi32>
      %add3A_314 = arith.addi %add3A_313, %iota3A : vector<16xi32>
      %masked_sort3A_315 = arith.constant dense<true> : vector<16xi1>
      %masked_sort3A_316, %masked_sort3A_317, %masked_sort3A_318 = tpu.sort %get3A_311, %add3A_314 masked %masked_sort3A_315 {descending = true} : (vector<16xf32>, vector<16xi32>, vector<16xi1>) -> (vector<16xi1>, vector<16xf32>, vector<16xi32>)
      %gt3A_319 = arith.cmpf ogt, %masked_sort3A_317, %masked_sort3A_306 : vector<16xf32>
      %select_n3A_320 = arith.select %gt3A_319, %masked_sort3A_317, %masked_sort3A_306 : vector<16xi1>, vector<16xf32>
      %select_n3A_321 = arith.select %gt3A_319, %masked_sort3A_318, %masked_sort3A_307 : vector<16xi1>, vector<16xi32>
      %masked_sort3A_322 = arith.constant dense<true> : vector<16xi1>
      %masked_sort3A_323, %masked_sort3A_324, %masked_sort3A_325 = tpu.sort %select_n3A_320, %select_n3A_321 masked %masked_sort3A_322 : (vector<16xf32>, vector<16xi32>, vector<16xi1>) -> (vector<16xi1>, vector<16xf32>, vector<16xi32>)
      %get3A_326 = arith.constant 18 : i32
      %get3A_327 = arith.index_cast %get3A_326 : i32 to index
      %get3A_328 = arith.constant 0 : index
      %get3A_329 = tpu.vector_load %arg8[%get3A_327, %get3A_328] {strides = array<i32>} : memref<64x16xf32, #tpu.memory_space<vmem>>, vector<16xf32>,
      %add3A_330 = arith.constant 288 : i32
      %add3A_331 = vector.broadcast %add3A_330 : i32 to vector<16xi32>
      %add3A_332 = arith.addi %add3A_331, %iota3A : vector<16xi32>
      %masked_sort3A_333 = arith.constant dense<true> : vector<16xi1>
      %masked_sort3A_334, %masked_sort3A_335, %masked_sort3A_336 = tpu.sort %get3A_329, %add3A_332 masked %masked_sort3A_333 {descending = true} : (vector<16xf32>, vector<16xi32>, vector<16xi1>) -> (vector<16xi1>, vector<16xf32>, vector<16xi32>)
      %gt3A_337 = arith.cmpf ogt, %masked_sort3A_335, %masked_sort3A_324 : vector<16xf32>
      %select_n3A_338 = arith.select %gt3A_337, %masked_sort3A_335, %masked_sort3A_324 : vector<16xi1>, vector<16xf32>
      %select_n3A_339 = arith.select %gt3A_337, %masked_sort3A_336, %masked_sort3A_325 : vector<16xi1>, vector<16xi32>
      %masked_sort3A_340 = arith.constant dense<true> : vector<16xi1>
      %masked_sort3A_341, %masked_sort3A_342, %masked_sort3A_343 = tpu.sort %select_n3A_338, %select_n3A_339 masked %masked_sort3A_340 : (vector<16xf32>, vector<16xi32>, vector<16xi1>) -> (vector<16xi1>, vector<16xf32>, vector<16xi32>)
      %get3A_344 = arith.constant 19 : i32
      %get3A_345 = arith.index_cast %get3A_344 : i32 to index
      %get3A_346 = arith.constant 0 : index
      %get3A_347 = tpu.vector_load %arg8[%get3A_345, %get3A_346] {strides = array<i32>} : memref<64x16xf32, #tpu.memory_space<vmem>>, vector<16xf32>,
      %add3A_348 = arith.constant 304 : i32
      %add3A_349 = vector.broadcast %add3A_348 : i32 to vector<16xi32>
      %add3A_350 = arith.addi %add3A_349, %iota3A : vector<16xi32>
      %masked_sort3A_351 = arith.constant dense<true> : vector<16xi1>
      %masked_sort3A_352, %masked_sort3A_353, %masked_sort3A_354 = tpu.sort %get3A_347, %add3A_350 masked %masked_sort3A_351 {descending = true} : (vector<16xf32>, vector<16xi32>, vector<16xi1>) -> (vector<16xi1>, vector<16xf32>, vector<16xi32>)
      %gt3A_355 = arith.cmpf ogt, %masked_sort3A_353, %masked_sort3A_342 : vector<16xf32>
      %select_n3A_356 = arith.select %gt3A_355, %masked_sort3A_353, %masked_sort3A_342 : vector<16xi1>, vector<16xf32>
      %select_n3A_357 = arith.select %gt3A_355, %masked_sort3A_354, %masked_sort3A_343 : vector<16xi1>, vector<16xi32>
      %masked_sort3A_358 = arith.constant dense<true> : vector<16xi1>
      %masked_sort3A_359, %masked_sort3A_360, %masked_sort3A_361 = tpu.sort %select_n3A_356, %select_n3A_357 masked %masked_sort3A_358 : (vector<16xf32>, vector<16xi32>, vector<16xi1>) -> (vector<16xi1>, vector<16xf32>, vector<16xi32>)
      %get3A_362 = arith.constant 20 : i32
      %get3A_363 = arith.index_cast %get3A_362 : i32 to index
      %get3A_364 = arith.constant 0 : index
      %get3A_365 = tpu.vector_load %arg8[%get3A_363, %get3A_364] {strides = array<i32>} : memref<64x16xf32, #tpu.memory_space<vmem>>, vector<16xf32>,
      %add3A_366 = arith.constant 320 : i32
      %add3A_367 = vector.broadcast %add3A_366 : i32 to vector<16xi32>
      %add3A_368 = arith.addi %add3A_367, %iota3A : vector<16xi32>
      %masked_sort3A_369 = arith.constant dense<true> : vector<16xi1>
      %masked_sort3A_370, %masked_sort3A_371, %masked_sort3A_372 = tpu.sort %get3A_365, %add3A_368 masked %masked_sort3A_369 {descending = true} : (vector<16xf32>, vector<16xi32>, vector<16xi1>) -> (vector<16xi1>, vector<16xf32>, vector<16xi32>)
      %gt3A_373 = arith.cmpf ogt, %masked_sort3A_371, %masked_sort3A_360 : vector<16xf32>
      %select_n3A_374 = arith.select %gt3A_373, %masked_sort3A_371, %masked_sort3A_360 : vector<16xi1>, vector<16xf32>
      %select_n3A_375 = arith.select %gt3A_373, %masked_sort3A_372, %masked_sort3A_361 : vector<16xi1>, vector<16xi32>
      %masked_sort3A_376 = arith.constant dense<true> : vector<16xi1>
      %masked_sort3A_377, %masked_sort3A_378, %masked_sort3A_379 = tpu.sort %select_n3A_374, %select_n3A_375 masked %masked_sort3A_376 : (vector<16xf32>, vector<16xi32>, vector<16xi1>) -> (vector<16xi1>, vector<16xf32>, vector<16xi32>)
      %get3A_380 = arith.constant 21 : i32
      %get3A_381 = arith.index_cast %get3A_380 : i32 to index
      %get3A_382 = arith.constant 0 : index
      %get3A_383 = tpu.vector_load %arg8[%get3A_381, %get3A_382] {strides = array<i32>} : memref<64x16xf32, #tpu.memory_space<vmem>>, vector<16xf32>,
      %add3A_384 = arith.constant 336 : i32
      %add3A_385 = vector.broadcast %add3A_384 : i32 to vector<16xi32>
      %add3A_386 = arith.addi %add3A_385, %iota3A : vector<16xi32>
      %masked_sort3A_387 = arith.constant dense<true> : vector<16xi1>
      %masked_sort3A_388, %masked_sort3A_389, %masked_sort3A_390 = tpu.sort %get3A_383, %add3A_386 masked %masked_sort3A_387 {descending = true} : (vector<16xf32>, vector<16xi32>, vector<16xi1>) -> (vector<16xi1>, vector<16xf32>, vector<16xi32>)
      %gt3A_391 = arith.cmpf ogt, %masked_sort3A_389, %masked_sort3A_378 : vector<16xf32>
      %select_n3A_392 = arith.select %gt3A_391, %masked_sort3A_389, %masked_sort3A_378 : vector<16xi1>, vector<16xf32>
      %select_n3A_393 = arith.select %gt3A_391, %masked_sort3A_390, %masked_sort3A_379 : vector<16xi1>, vector<16xi32>
      %masked_sort3A_394 = arith.constant dense<true> : vector<16xi1>
      %masked_sort3A_395, %masked_sort3A_396, %masked_sort3A_397 = tpu.sort %select_n3A_392, %select_n3A_393 masked %masked_sort3A_394 : (vector<16xf32>, vector<16xi32>, vector<16xi1>) -> (vector<16xi1>, vector<16xf32>, vector<16xi32>)
      %get3A_398 = arith.constant 22 : i32
      %get3A_399 = arith.index_cast %get3A_398 : i32 to index
      %get3A_400 = arith.constant 0 : index
      %get3A_401 = tpu.vector_load %arg8[%get3A_399, %get3A_400] {strides = array<i32>} : memref<64x16xf32, #tpu.memory_space<vmem>>, vector<16xf32>,
      %add3A_402 = arith.constant 352 : i32
      %add3A_403 = vector.broadcast %add3A_402 : i32 to vector<16xi32>
      %add3A_404 = arith.addi %add3A_403, %iota3A : vector<16xi32>
      %masked_sort3A_405 = arith.constant dense<true> : vector<16xi1>
      %masked_sort3A_406, %masked_sort3A_407, %masked_sort3A_408 = tpu.sort %get3A_401, %add3A_404 masked %masked_sort3A_405 {descending = true} : (vector<16xf32>, vector<16xi32>, vector<16xi1>) -> (vector<16xi1>, vector<16xf32>, vector<16xi32>)
      %gt3A_409 = arith.cmpf ogt, %masked_sort3A_407, %masked_sort3A_396 : vector<16xf32>
      %select_n3A_410 = arith.select %gt3A_409, %masked_sort3A_407, %masked_sort3A_396 : vector<16xi1>, vector<16xf32>
      %select_n3A_411 = arith.select %gt3A_409, %masked_sort3A_408, %masked_sort3A_397 : vector<16xi1>, vector<16xi32>
      %masked_sort3A_412 = arith.constant dense<true> : vector<16xi1>
      %masked_sort3A_413, %masked_sort3A_414, %masked_sort3A_415 = tpu.sort %select_n3A_410, %select_n3A_411 masked %masked_sort3A_412 : (vector<16xf32>, vector<16xi32>, vector<16xi1>) -> (vector<16xi1>, vector<16xf32>, vector<16xi32>)
      %get3A_416 = arith.constant 23 : i32
      %get3A_417 = arith.index_cast %get3A_416 : i32 to index
      %get3A_418 = arith.constant 0 : index
      %get3A_419 = tpu.vector_load %arg8[%get3A_417, %get3A_418] {strides = array<i32>} : memref<64x16xf32, #tpu.memory_space<vmem>>, vector<16xf32>,
      %add3A_420 = arith.constant 368 : i32
      %add3A_421 = vector.broadcast %add3A_420 : i32 to vector<16xi32>
      %add3A_422 = arith.addi %add3A_421, %iota3A : vector<16xi32>
      %masked_sort3A_423 = arith.constant dense<true> : vector<16xi1>
      %masked_sort3A_424, %masked_sort3A_425, %masked_sort3A_426 = tpu.sort %get3A_419, %add3A_422 masked %masked_sort3A_423 {descending = true} : (vector<16xf32>, vector<16xi32>, vector<16xi1>) -> (vector<16xi1>, vector<16xf32>, vector<16xi32>)
      %gt3A_427 = arith.cmpf ogt, %masked_sort3A_425, %masked_sort3A_414 : vector<16xf32>
      %select_n3A_428 = arith.select %gt3A_427, %masked_sort3A_425, %masked_sort3A_414 : vector<16xi1>, vector<16xf32>
      %select_n3A_429 = arith.select %gt3A_427, %masked_sort3A_426, %masked_sort3A_415 : vector<16xi1>, vector<16xi32>
      %masked_sort3A_430 = arith.constant dense<true> : vector<16xi1>
      %masked_sort3A_431, %masked_sort3A_432, %masked_sort3A_433 = tpu.sort %select_n3A_428, %select_n3A_429 masked %masked_sort3A_430 : (vector<16xf32>, vector<16xi32>, vector<16xi1>) -> (vector<16xi1>, vector<16xf32>, vector<16xi32>)
      %get3A_434 = arith.constant 24 : i32
      %get3A_435 = arith.index_cast %get3A_434 : i32 to index
      %get3A_436 = arith.constant 0 : index
      %get3A_437 = tpu.vector_load %arg8[%get3A_435, %get3A_436] {strides = array<i32>} : memref<64x16xf32, #tpu.memory_space<vmem>>, vector<16xf32>,
      %add3A_438 = arith.constant 384 : i32
      %add3A_439 = vector.broadcast %add3A_438 : i32 to vector<16xi32>
      %add3A_440 = arith.addi %add3A_439, %iota3A : vector<16xi32>
      %masked_sort3A_441 = arith.constant dense<true> : vector<16xi1>
      %masked_sort3A_442, %masked_sort3A_443, %masked_sort3A_444 = tpu.sort %get3A_437, %add3A_440 masked %masked_sort3A_441 {descending = true} : (vector<16xf32>, vector<16xi32>, vector<16xi1>) -> (vector<16xi1>, vector<16xf32>, vector<16xi32>)
      %gt3A_445 = arith.cmpf ogt, %masked_sort3A_443, %masked_sort3A_432 : vector<16xf32>
      %select_n3A_446 = arith.select %gt3A_445, %masked_sort3A_443, %masked_sort3A_432 : vector<16xi1>, vector<16xf32>
      %select_n3A_447 = arith.select %gt3A_445, %masked_sort3A_444, %masked_sort3A_433 : vector<16xi1>, vector<16xi32>
      %masked_sort3A_448 = arith.constant dense<true> : vector<16xi1>
      %masked_sort3A_449, %masked_sort3A_450, %masked_sort3A_451 = tpu.sort %select_n3A_446, %select_n3A_447 masked %masked_sort3A_448 : (vector<16xf32>, vector<16xi32>, vector<16xi1>) -> (vector<16xi1>, vector<16xf32>, vector<16xi32>)
      %get3A_452 = arith.constant 25 : i32
      %get3A_453 = arith.index_cast %get3A_452 : i32 to index
      %get3A_454 = arith.constant 0 : index
      %get3A_455 = tpu.vector_load %arg8[%get3A_453, %get3A_454] {strides = array<i32>} : memref<64x16xf32, #tpu.memory_space<vmem>>, vector<16xf32>,
      %add3A_456 = arith.constant 400 : i32
      %add3A_457 = vector.broadcast %add3A_456 : i32 to vector<16xi32>
      %add3A_458 = arith.addi %add3A_457, %iota3A : vector<16xi32>
      %masked_sort3A_459 = arith.constant dense<true> : vector<16xi1>
      %masked_sort3A_460, %masked_sort3A_461, %masked_sort3A_462 = tpu.sort %get3A_455, %add3A_458 masked %masked_sort3A_459 {descending = true} : (vector<16xf32>, vector<16xi32>, vector<16xi1>) -> (vector<16xi1>, vector<16xf32>, vector<16xi32>)
      %gt3A_463 = arith.cmpf ogt, %masked_sort3A_461, %masked_sort3A_450 : vector<16xf32>
      %select_n3A_464 = arith.select %gt3A_463, %masked_sort3A_461, %masked_sort3A_450 : vector<16xi1>, vector<16xf32>
      %select_n3A_465 = arith.select %gt3A_463, %masked_sort3A_462, %masked_sort3A_451 : vector<16xi1>, vector<16xi32>
      %masked_sort3A_466 = arith.constant dense<true> : vector<16xi1>
      %masked_sort3A_467, %masked_sort3A_468, %masked_sort3A_469 = tpu.sort %select_n3A_464, %select_n3A_465 masked %masked_sort3A_466 : (vector<16xf32>, vector<16xi32>, vector<16xi1>) -> (vector<16xi1>, vector<16xf32>, vector<16xi32>)
      %get3A_470 = arith.constant 26 : i32
      %get3A_471 = arith.index_cast %get3A_470 : i32 to index
      %get3A_472 = arith.constant 0 : index
      %get3A_473 = tpu.vector_load %arg8[%get3A_471, %get3A_472] {strides = array<i32>} : memref<64x16xf32, #tpu.memory_space<vmem>>, vector<16xf32>,
      %add3A_474 = arith.constant 416 : i32
      %add3A_475 = vector.broadcast %add3A_474 : i32 to vector<16xi32>
      %add3A_476 = arith.addi %add3A_475, %iota3A : vector<16xi32>
      %masked_sort3A_477 = arith.constant dense<true> : vector<16xi1>
      %masked_sort3A_478, %masked_sort3A_479, %masked_sort3A_480 = tpu.sort %get3A_473, %add3A_476 masked %masked_sort3A_477 {descending = true} : (vector<16xf32>, vector<16xi32>, vector<16xi1>) -> (vector<16xi1>, vector<16xf32>, vector<16xi32>)
      %gt3A_481 = arith.cmpf ogt, %masked_sort3A_479, %masked_sort3A_468 : vector<16xf32>
      %select_n3A_482 = arith.select %gt3A_481, %masked_sort3A_479, %masked_sort3A_468 : vector<16xi1>, vector<16xf32>
      %select_n3A_483 = arith.select %gt3A_481, %masked_sort3A_480, %masked_sort3A_469 : vector<16xi1>, vector<16xi32>
      %masked_sort3A_484 = arith.constant dense<true> : vector<16xi1>
      %masked_sort3A_485, %masked_sort3A_486, %masked_sort3A_487 = tpu.sort %select_n3A_482, %select_n3A_483 masked %masked_sort3A_484 : (vector<16xf32>, vector<16xi32>, vector<16xi1>) -> (vector<16xi1>, vector<16xf32>, vector<16xi32>)
      %get3A_488 = arith.constant 27 : i32
      %get3A_489 = arith.index_cast %get3A_488 : i32 to index
      %get3A_490 = arith.constant 0 : index
      %get3A_491 = tpu.vector_load %arg8[%get3A_489, %get3A_490] {strides = array<i32>} : memref<64x16xf32, #tpu.memory_space<vmem>>, vector<16xf32>,
      %add3A_492 = arith.constant 432 : i32
      %add3A_493 = vector.broadcast %add3A_492 : i32 to vector<16xi32>
      %add3A_494 = arith.addi %add3A_493, %iota3A : vector<16xi32>
      %masked_sort3A_495 = arith.constant dense<true> : vector<16xi1>
      %masked_sort3A_496, %masked_sort3A_497, %masked_sort3A_498 = tpu.sort %get3A_491, %add3A_494 masked %masked_sort3A_495 {descending = true} : (vector<16xf32>, vector<16xi32>, vector<16xi1>) -> (vector<16xi1>, vector<16xf32>, vector<16xi32>)
      %gt3A_499 = arith.cmpf ogt, %masked_sort3A_497, %masked_sort3A_486 : vector<16xf32>
      %select_n3A_500 = arith.select %gt3A_499, %masked_sort3A_497, %masked_sort3A_486 : vector<16xi1>, vector<16xf32>
      %select_n3A_501 = arith.select %gt3A_499, %masked_sort3A_498, %masked_sort3A_487 : vector<16xi1>, vector<16xi32>
      %masked_sort3A_502 = arith.constant dense<true> : vector<16xi1>
      %masked_sort3A_503, %masked_sort3A_504, %masked_sort3A_505 = tpu.sort %select_n3A_500, %select_n3A_501 masked %masked_sort3A_502 : (vector<16xf32>, vector<16xi32>, vector<16xi1>) -> (vector<16xi1>, vector<16xf32>, vector<16xi32>)
      %get3A_506 = arith.constant 28 : i32
      %get3A_507 = arith.index_cast %get3A_506 : i32 to index
      %get3A_508 = arith.constant 0 : index
      %get3A_509 = tpu.vector_load %arg8[%get3A_507, %get3A_508] {strides = array<i32>} : memref<64x16xf32, #tpu.memory_space<vmem>>, vector<16xf32>,
      %add3A_510 = arith.constant 448 : i32
      %add3A_511 = vector.broadcast %add3A_510 : i32 to vector<16xi32>
      %add3A_512 = arith.addi %add3A_511, %iota3A : vector<16xi32>
      %masked_sort3A_513 = arith.constant dense<true> : vector<16xi1>
      %masked_sort3A_514, %masked_sort3A_515, %masked_sort3A_516 = tpu.sort %get3A_509, %add3A_512 masked %masked_sort3A_513 {descending = true} : (vector<16xf32>, vector<16xi32>, vector<16xi1>) -> (vector<16xi1>, vector<16xf32>, vector<16xi32>)
      %gt3A_517 = arith.cmpf ogt, %masked_sort3A_515, %masked_sort3A_504 : vector<16xf32>
      %select_n3A_518 = arith.select %gt3A_517, %masked_sort3A_515, %masked_sort3A_504 : vector<16xi1>, vector<16xf32>
      %select_n3A_519 = arith.select %gt3A_517, %masked_sort3A_516, %masked_sort3A_505 : vector<16xi1>, vector<16xi32>
      %masked_sort3A_520 = arith.constant dense<true> : vector<16xi1>
      %masked_sort3A_521, %masked_sort3A_522, %masked_sort3A_523 = tpu.sort %select_n3A_518, %select_n3A_519 masked %masked_sort3A_520 : (vector<16xf32>, vector<16xi32>, vector<16xi1>) -> (vector<16xi1>, vector<16xf32>, vector<16xi32>)
      %get3A_524 = arith.constant 29 : i32
      %get3A_525 = arith.index_cast %get3A_524 : i32 to index
      %get3A_526 = arith.constant 0 : index
      %get3A_527 = tpu.vector_load %arg8[%get3A_525, %get3A_526] {strides = array<i32>} : memref<64x16xf32, #tpu.memory_space<vmem>>, vector<16xf32>,
      %add3A_528 = arith.constant 464 : i32
      %add3A_529 = vector.broadcast %add3A_528 : i32 to vector<16xi32>
      %add3A_530 = arith.addi %add3A_529, %iota3A : vector<16xi32>
      %masked_sort3A_531 = arith.constant dense<true> : vector<16xi1>
      %masked_sort3A_532, %masked_sort3A_533, %masked_sort3A_534 = tpu.sort %get3A_527, %add3A_530 masked %masked_sort3A_531 {descending = true} : (vector<16xf32>, vector<16xi32>, vector<16xi1>) -> (vector<16xi1>, vector<16xf32>, vector<16xi32>)
      %gt3A_535 = arith.cmpf ogt, %masked_sort3A_533, %masked_sort3A_522 : vector<16xf32>
      %select_n3A_536 = arith.select %gt3A_535, %masked_sort3A_533, %masked_sort3A_522 : vector<16xi1>, vector<16xf32>
      %select_n3A_537 = arith.select %gt3A_535, %masked_sort3A_534, %masked_sort3A_523 : vector<16xi1>, vector<16xi32>
      %masked_sort3A_538 = arith.constant dense<true> : vector<16xi1>
      %masked_sort3A_539, %masked_sort3A_540, %masked_sort3A_541 = tpu.sort %select_n3A_536, %select_n3A_537 masked %masked_sort3A_538 : (vector<16xf32>, vector<16xi32>, vector<16xi1>) -> (vector<16xi1>, vector<16xf32>, vector<16xi32>)
      %get3A_542 = arith.constant 30 : i32
      %get3A_543 = arith.index_cast %get3A_542 : i32 to index
      %get3A_544 = arith.constant 0 : index
      %get3A_545 = tpu.vector_load %arg8[%get3A_543, %get3A_544] {strides = array<i32>} : memref<64x16xf32, #tpu.memory_space<vmem>>, vector<16xf32>,
      %add3A_546 = arith.constant 480 : i32
      %add3A_547 = vector.broadcast %add3A_546 : i32 to vector<16xi32>
      %add3A_548 = arith.addi %add3A_547, %iota3A : vector<16xi32>
      %masked_sort3A_549 = arith.constant dense<true> : vector<16xi1>
      %masked_sort3A_550, %masked_sort3A_551, %masked_sort3A_552 = tpu.sort %get3A_545, %add3A_548 masked %masked_sort3A_549 {descending = true} : (vector<16xf32>, vector<16xi32>, vector<16xi1>) -> (vector<16xi1>, vector<16xf32>, vector<16xi32>)
      %gt3A_553 = arith.cmpf ogt, %masked_sort3A_551, %masked_sort3A_540 : vector<16xf32>
      %select_n3A_554 = arith.select %gt3A_553, %masked_sort3A_551, %masked_sort3A_540 : vector<16xi1>, vector<16xf32>
      %select_n3A_555 = arith.select %gt3A_553, %masked_sort3A_552, %masked_sort3A_541 : vector<16xi1>, vector<16xi32>
      %masked_sort3A_556 = arith.constant dense<true> : vector<16xi1>
      %masked_sort3A_557, %masked_sort3A_558, %masked_sort3A_559 = tpu.sort %select_n3A_554, %select_n3A_555 masked %masked_sort3A_556 : (vector<16xf32>, vector<16xi32>, vector<16xi1>) -> (vector<16xi1>, vector<16xf32>, vector<16xi32>)
      %get3A_560 = arith.constant 31 : i32
      %get3A_561 = arith.index_cast %get3A_560 : i32 to index
      %get3A_562 = arith.constant 0 : index
      %get3A_563 = tpu.vector_load %arg8[%get3A_561, %get3A_562] {strides = array<i32>} : memref<64x16xf32, #tpu.memory_space<vmem>>, vector<16xf32>,
      %add3A_564 = arith.constant 496 : i32
      %add3A_565 = vector.broadcast %add3A_564 : i32 to vector<16xi32>
      %add3A_566 = arith.addi %add3A_565, %iota3A : vector<16xi32>
      %masked_sort3A_567 = arith.constant dense<true> : vector<16xi1>
      %masked_sort3A_568, %masked_sort3A_569, %masked_sort3A_570 = tpu.sort %get3A_563, %add3A_566 masked %masked_sort3A_567 {descending = true} : (vector<16xf32>, vector<16xi32>, vector<16xi1>) -> (vector<16xi1>, vector<16xf32>, vector<16xi32>)
      %gt3A_571 = arith.cmpf ogt, %masked_sort3A_569, %masked_sort3A_558 : vector<16xf32>
      %select_n3A_572 = arith.select %gt3A_571, %masked_sort3A_569, %masked_sort3A_558 : vector<16xi1>, vector<16xf32>
      %select_n3A_573 = arith.select %gt3A_571, %masked_sort3A_570, %masked_sort3A_559 : vector<16xi1>, vector<16xi32>
      %masked_sort3A_574 = arith.constant dense<true> : vector<16xi1>
      %masked_sort3A_575, %masked_sort3A_576, %masked_sort3A_577 = tpu.sort %select_n3A_572, %select_n3A_573 masked %masked_sort3A_574 : (vector<16xf32>, vector<16xi32>, vector<16xi1>) -> (vector<16xi1>, vector<16xf32>, vector<16xi32>)
      %get3A_578 = arith.constant 32 : i32
      %get3A_579 = arith.index_cast %get3A_578 : i32 to index
      %get3A_580 = arith.constant 0 : index
      %get3A_581 = tpu.vector_load %arg8[%get3A_579, %get3A_580] {strides = array<i32>} : memref<64x16xf32, #tpu.memory_space<vmem>>, vector<16xf32>,
      %add3A_582 = arith.constant 512 : i32
      %add3A_583 = vector.broadcast %add3A_582 : i32 to vector<16xi32>
      %add3A_584 = arith.addi %add3A_583, %iota3A : vector<16xi32>
      %masked_sort3A_585 = arith.constant dense<true> : vector<16xi1>
      %masked_sort3A_586, %masked_sort3A_587, %masked_sort3A_588 = tpu.sort %get3A_581, %add3A_584 masked %masked_sort3A_585 {descending = true} : (vector<16xf32>, vector<16xi32>, vector<16xi1>) -> (vector<16xi1>, vector<16xf32>, vector<16xi32>)
      %gt3A_589 = arith.cmpf ogt, %masked_sort3A_587, %masked_sort3A_576 : vector<16xf32>
      %select_n3A_590 = arith.select %gt3A_589, %masked_sort3A_587, %masked_sort3A_576 : vector<16xi1>, vector<16xf32>
      %select_n3A_591 = arith.select %gt3A_589, %masked_sort3A_588, %masked_sort3A_577 : vector<16xi1>, vector<16xi32>
      %masked_sort3A_592 = arith.constant dense<true> : vector<16xi1>
      %masked_sort3A_593, %masked_sort3A_594, %masked_sort3A_595 = tpu.sort %select_n3A_590, %select_n3A_591 masked %masked_sort3A_592 : (vector<16xf32>, vector<16xi32>, vector<16xi1>) -> (vector<16xi1>, vector<16xf32>, vector<16xi32>)
      %get3A_596 = arith.constant 33 : i32
      %get3A_597 = arith.index_cast %get3A_596 : i32 to index
      %get3A_598 = arith.constant 0 : index
      %get3A_599 = tpu.vector_load %arg8[%get3A_597, %get3A_598] {strides = array<i32>} : memref<64x16xf32, #tpu.memory_space<vmem>>, vector<16xf32>,
      %add3A_600 = arith.constant 528 : i32
      %add3A_601 = vector.broadcast %add3A_600 : i32 to vector<16xi32>
      %add3A_602 = arith.addi %add3A_601, %iota3A : vector<16xi32>
      %masked_sort3A_603 = arith.constant dense<true> : vector<16xi1>
      %masked_sort3A_604, %masked_sort3A_605, %masked_sort3A_606 = tpu.sort %get3A_599, %add3A_602 masked %masked_sort3A_603 {descending = true} : (vector<16xf32>, vector<16xi32>, vector<16xi1>) -> (vector<16xi1>, vector<16xf32>, vector<16xi32>)
      %gt3A_607 = arith.cmpf ogt, %masked_sort3A_605, %masked_sort3A_594 : vector<16xf32>
      %select_n3A_608 = arith.select %gt3A_607, %masked_sort3A_605, %masked_sort3A_594 : vector<16xi1>, vector<16xf32>
      %select_n3A_609 = arith.select %gt3A_607, %masked_sort3A_606, %masked_sort3A_595 : vector<16xi1>, vector<16xi32>
      %masked_sort3A_610 = arith.constant dense<true> : vector<16xi1>
      %masked_sort3A_611, %masked_sort3A_612, %masked_sort3A_613 = tpu.sort %select_n3A_608, %select_n3A_609 masked %masked_sort3A_610 : (vector<16xf32>, vector<16xi32>, vector<16xi1>) -> (vector<16xi1>, vector<16xf32>, vector<16xi32>)
      %get3A_614 = arith.constant 34 : i32
      %get3A_615 = arith.index_cast %get3A_614 : i32 to index
      %get3A_616 = arith.constant 0 : index
      %get3A_617 = tpu.vector_load %arg8[%get3A_615, %get3A_616] {strides = array<i32>} : memref<64x16xf32, #tpu.memory_space<vmem>>, vector<16xf32>,
      %add3A_618 = arith.constant 544 : i32
      %add3A_619 = vector.broadcast %add3A_618 : i32 to vector<16xi32>
      %add3A_620 = arith.addi %add3A_619, %iota3A : vector<16xi32>
      %masked_sort3A_621 = arith.constant dense<true> : vector<16xi1>
      %masked_sort3A_622, %masked_sort3A_623, %masked_sort3A_624 = tpu.sort %get3A_617, %add3A_620 masked %masked_sort3A_621 {descending = true} : (vector<16xf32>, vector<16xi32>, vector<16xi1>) -> (vector<16xi1>, vector<16xf32>, vector<16xi32>)
      %gt3A_625 = arith.cmpf ogt, %masked_sort3A_623, %masked_sort3A_612 : vector<16xf32>
      %select_n3A_626 = arith.select %gt3A_625, %masked_sort3A_623, %masked_sort3A_612 : vector<16xi1>, vector<16xf32>
      %select_n3A_627 = arith.select %gt3A_625, %masked_sort3A_624, %masked_sort3A_613 : vector<16xi1>, vector<16xi32>
      %masked_sort3A_628 = arith.constant dense<true> : vector<16xi1>
      %masked_sort3A_629, %masked_sort3A_630, %masked_sort3A_631 = tpu.sort %select_n3A_626, %select_n3A_627 masked %masked_sort3A_628 : (vector<16xf32>, vector<16xi32>, vector<16xi1>) -> (vector<16xi1>, vector<16xf32>, vector<16xi32>)
      %get3A_632 = arith.constant 35 : i32
      %get3A_633 = arith.index_cast %get3A_632 : i32 to index
      %get3A_634 = arith.constant 0 : index
      %get3A_635 = tpu.vector_load %arg8[%get3A_633, %get3A_634] {strides = array<i32>} : memref<64x16xf32, #tpu.memory_space<vmem>>, vector<16xf32>,
      %add3A_636 = arith.constant 560 : i32
      %add3A_637 = vector.broadcast %add3A_636 : i32 to vector<16xi32>
      %add3A_638 = arith.addi %add3A_637, %iota3A : vector<16xi32>
      %masked_sort3A_639 = arith.constant dense<true> : vector<16xi1>
      %masked_sort3A_640, %masked_sort3A_641, %masked_sort3A_642 = tpu.sort %get3A_635, %add3A_638 masked %masked_sort3A_639 {descending = true} : (vector<16xf32>, vector<16xi32>, vector<16xi1>) -> (vector<16xi1>, vector<16xf32>, vector<16xi32>)
      %gt3A_643 = arith.cmpf ogt, %masked_sort3A_641, %masked_sort3A_630 : vector<16xf32>
      %select_n3A_644 = arith.select %gt3A_643, %masked_sort3A_641, %masked_sort3A_630 : vector<16xi1>, vector<16xf32>
      %select_n3A_645 = arith.select %gt3A_643, %masked_sort3A_642, %masked_sort3A_631 : vector<16xi1>, vector<16xi32>
      %masked_sort3A_646 = arith.constant dense<true> : vector<16xi1>
      %masked_sort3A_647, %masked_sort3A_648, %masked_sort3A_649 = tpu.sort %select_n3A_644, %select_n3A_645 masked %masked_sort3A_646 : (vector<16xf32>, vector<16xi32>, vector<16xi1>) -> (vector<16xi1>, vector<16xf32>, vector<16xi32>)
      %get3A_650 = arith.constant 36 : i32
      %get3A_651 = arith.index_cast %get3A_650 : i32 to index
      %get3A_652 = arith.constant 0 : index
      %get3A_653 = tpu.vector_load %arg8[%get3A_651, %get3A_652] {strides = array<i32>} : memref<64x16xf32, #tpu.memory_space<vmem>>, vector<16xf32>,
      %add3A_654 = arith.constant 576 : i32
      %add3A_655 = vector.broadcast %add3A_654 : i32 to vector<16xi32>
      %add3A_656 = arith.addi %add3A_655, %iota3A : vector<16xi32>
      %masked_sort3A_657 = arith.constant dense<true> : vector<16xi1>
      %masked_sort3A_658, %masked_sort3A_659, %masked_sort3A_660 = tpu.sort %get3A_653, %add3A_656 masked %masked_sort3A_657 {descending = true} : (vector<16xf32>, vector<16xi32>, vector<16xi1>) -> (vector<16xi1>, vector<16xf32>, vector<16xi32>)
      %gt3A_661 = arith.cmpf ogt, %masked_sort3A_659, %masked_sort3A_648 : vector<16xf32>
      %select_n3A_662 = arith.select %gt3A_661, %masked_sort3A_659, %masked_sort3A_648 : vector<16xi1>, vector<16xf32>
      %select_n3A_663 = arith.select %gt3A_661, %masked_sort3A_660, %masked_sort3A_649 : vector<16xi1>, vector<16xi32>
      %masked_sort3A_664 = arith.constant dense<true> : vector<16xi1>
      %masked_sort3A_665, %masked_sort3A_666, %masked_sort3A_667 = tpu.sort %select_n3A_662, %select_n3A_663 masked %masked_sort3A_664 : (vector<16xf32>, vector<16xi32>, vector<16xi1>) -> (vector<16xi1>, vector<16xf32>, vector<16xi32>)
      %get3A_668 = arith.constant 37 : i32
      %get3A_669 = arith.index_cast %get3A_668 : i32 to index
      %get3A_670 = arith.constant 0 : index
      %get3A_671 = tpu.vector_load %arg8[%get3A_669, %get3A_670] {strides = array<i32>} : memref<64x16xf32, #tpu.memory_space<vmem>>, vector<16xf32>,
      %add3A_672 = arith.constant 592 : i32
      %add3A_673 = vector.broadcast %add3A_672 : i32 to vector<16xi32>
      %add3A_674 = arith.addi %add3A_673, %iota3A : vector<16xi32>
      %masked_sort3A_675 = arith.constant dense<true> : vector<16xi1>
      %masked_sort3A_676, %masked_sort3A_677, %masked_sort3A_678 = tpu.sort %get3A_671, %add3A_674 masked %masked_sort3A_675 {descending = true} : (vector<16xf32>, vector<16xi32>, vector<16xi1>) -> (vector<16xi1>, vector<16xf32>, vector<16xi32>)
      %gt3A_679 = arith.cmpf ogt, %masked_sort3A_677, %masked_sort3A_666 : vector<16xf32>
      %select_n3A_680 = arith.select %gt3A_679, %masked_sort3A_677, %masked_sort3A_666 : vector<16xi1>, vector<16xf32>
      %select_n3A_681 = arith.select %gt3A_679, %masked_sort3A_678, %masked_sort3A_667 : vector<16xi1>, vector<16xi32>
      %masked_sort3A_682 = arith.constant dense<true> : vector<16xi1>
      %masked_sort3A_683, %masked_sort3A_684, %masked_sort3A_685 = tpu.sort %select_n3A_680, %select_n3A_681 masked %masked_sort3A_682 : (vector<16xf32>, vector<16xi32>, vector<16xi1>) -> (vector<16xi1>, vector<16xf32>, vector<16xi32>)
      %get3A_686 = arith.constant 38 : i32
      %get3A_687 = arith.index_cast %get3A_686 : i32 to index
      %get3A_688 = arith.constant 0 : index
      %get3A_689 = tpu.vector_load %arg8[%get3A_687, %get3A_688] {strides = array<i32>} : memref<64x16xf32, #tpu.memory_space<vmem>>, vector<16xf32>,
      %add3A_690 = arith.constant 608 : i32
      %add3A_691 = vector.broadcast %add3A_690 : i32 to vector<16xi32>
      %add3A_692 = arith.addi %add3A_691, %iota3A : vector<16xi32>
      %masked_sort3A_693 = arith.constant dense<true> : vector<16xi1>
      %masked_sort3A_694, %masked_sort3A_695, %masked_sort3A_696 = tpu.sort %get3A_689, %add3A_692 masked %masked_sort3A_693 {descending = true} : (vector<16xf32>, vector<16xi32>, vector<16xi1>) -> (vector<16xi1>, vector<16xf32>, vector<16xi32>)
      %gt3A_697 = arith.cmpf ogt, %masked_sort3A_695, %masked_sort3A_684 : vector<16xf32>
      %select_n3A_698 = arith.select %gt3A_697, %masked_sort3A_695, %masked_sort3A_684 : vector<16xi1>, vector<16xf32>
      %select_n3A_699 = arith.select %gt3A_697, %masked_sort3A_696, %masked_sort3A_685 : vector<16xi1>, vector<16xi32>
      %masked_sort3A_700 = arith.constant dense<true> : vector<16xi1>
      %masked_sort3A_701, %masked_sort3A_702, %masked_sort3A_703 = tpu.sort %select_n3A_698, %select_n3A_699 masked %masked_sort3A_700 : (vector<16xf32>, vector<16xi32>, vector<16xi1>) -> (vector<16xi1>, vector<16xf32>, vector<16xi32>)
      %get3A_704 = arith.constant 39 : i32
      %get3A_705 = arith.index_cast %get3A_704 : i32 to index
      %get3A_706 = arith.constant 0 : index
      %get3A_707 = tpu.vector_load %arg8[%get3A_705, %get3A_706] {strides = array<i32>} : memref<64x16xf32, #tpu.memory_space<vmem>>, vector<16xf32>,
      %add3A_708 = arith.constant 624 : i32
      %add3A_709 = vector.broadcast %add3A_708 : i32 to vector<16xi32>
      %add3A_710 = arith.addi %add3A_709, %iota3A : vector<16xi32>
      %masked_sort3A_711 = arith.constant dense<true> : vector<16xi1>
      %masked_sort3A_712, %masked_sort3A_713, %masked_sort3A_714 = tpu.sort %get3A_707, %add3A_710 masked %masked_sort3A_711 {descending = true} : (vector<16xf32>, vector<16xi32>, vector<16xi1>) -> (vector<16xi1>, vector<16xf32>, vector<16xi32>)
      %gt3A_715 = arith.cmpf ogt, %masked_sort3A_713, %masked_sort3A_702 : vector<16xf32>
      %select_n3A_716 = arith.select %gt3A_715, %masked_sort3A_713, %masked_sort3A_702 : vector<16xi1>, vector<16xf32>
      %select_n3A_717 = arith.select %gt3A_715, %masked_sort3A_714, %masked_sort3A_703 : vector<16xi1>, vector<16xi32>
      %masked_sort3A_718 = arith.constant dense<true> : vector<16xi1>
      %masked_sort3A_719, %masked_sort3A_720, %masked_sort3A_721 = tpu.sort %select_n3A_716, %select_n3A_717 masked %masked_sort3A_718 : (vector<16xf32>, vector<16xi32>, vector<16xi1>) -> (vector<16xi1>, vector<16xf32>, vector<16xi32>)
      %get3A_722 = arith.constant 40 : i32
      %get3A_723 = arith.index_cast %get3A_722 : i32 to index
      %get3A_724 = arith.constant 0 : index
      %get3A_725 = tpu.vector_load %arg8[%get3A_723, %get3A_724] {strides = array<i32>} : memref<64x16xf32, #tpu.memory_space<vmem>>, vector<16xf32>,
      %add3A_726 = arith.constant 640 : i32
      %add3A_727 = vector.broadcast %add3A_726 : i32 to vector<16xi32>
      %add3A_728 = arith.addi %add3A_727, %iota3A : vector<16xi32>
      %masked_sort3A_729 = arith.constant dense<true> : vector<16xi1>
      %masked_sort3A_730, %masked_sort3A_731, %masked_sort3A_732 = tpu.sort %get3A_725, %add3A_728 masked %masked_sort3A_729 {descending = true} : (vector<16xf32>, vector<16xi32>, vector<16xi1>) -> (vector<16xi1>, vector<16xf32>, vector<16xi32>)
      %gt3A_733 = arith.cmpf ogt, %masked_sort3A_731, %masked_sort3A_720 : vector<16xf32>
      %select_n3A_734 = arith.select %gt3A_733, %masked_sort3A_731, %masked_sort3A_720 : vector<16xi1>, vector<16xf32>
      %select_n3A_735 = arith.select %gt3A_733, %masked_sort3A_732, %masked_sort3A_721 : vector<16xi1>, vector<16xi32>
      %masked_sort3A_736 = arith.constant dense<true> : vector<16xi1>
      %masked_sort3A_737, %masked_sort3A_738, %masked_sort3A_739 = tpu.sort %select_n3A_734, %select_n3A_735 masked %masked_sort3A_736 : (vector<16xf32>, vector<16xi32>, vector<16xi1>) -> (vector<16xi1>, vector<16xf32>, vector<16xi32>)
      %get3A_740 = arith.constant 41 : i32
      %get3A_741 = arith.index_cast %get3A_740 : i32 to index
      %get3A_742 = arith.constant 0 : index
      %get3A_743 = tpu.vector_load %arg8[%get3A_741, %get3A_742] {strides = array<i32>} : memref<64x16xf32, #tpu.memory_space<vmem>>, vector<16xf32>,
      %add3A_744 = arith.constant 656 : i32
      %add3A_745 = vector.broadcast %add3A_744 : i32 to vector<16xi32>
      %add3A_746 = arith.addi %add3A_745, %iota3A : vector<16xi32>
      %masked_sort3A_747 = arith.constant dense<true> : vector<16xi1>
      %masked_sort3A_748, %masked_sort3A_749, %masked_sort3A_750 = tpu.sort %get3A_743, %add3A_746 masked %masked_sort3A_747 {descending = true} : (vector<16xf32>, vector<16xi32>, vector<16xi1>) -> (vector<16xi1>, vector<16xf32>, vector<16xi32>)
      %gt3A_751 = arith.cmpf ogt, %masked_sort3A_749, %masked_sort3A_738 : vector<16xf32>
      %select_n3A_752 = arith.select %gt3A_751, %masked_sort3A_749, %masked_sort3A_738 : vector<16xi1>, vector<16xf32>
      %select_n3A_753 = arith.select %gt3A_751, %masked_sort3A_750, %masked_sort3A_739 : vector<16xi1>, vector<16xi32>
      %masked_sort3A_754 = arith.constant dense<true> : vector<16xi1>
      %masked_sort3A_755, %masked_sort3A_756, %masked_sort3A_757 = tpu.sort %select_n3A_752, %select_n3A_753 masked %masked_sort3A_754 : (vector<16xf32>, vector<16xi32>, vector<16xi1>) -> (vector<16xi1>, vector<16xf32>, vector<16xi32>)
      %get3A_758 = arith.constant 42 : i32
      %get3A_759 = arith.index_cast %get3A_758 : i32 to index
      %get3A_760 = arith.constant 0 : index
      %get3A_761 = tpu.vector_load %arg8[%get3A_759, %get3A_760] {strides = array<i32>} : memref<64x16xf32, #tpu.memory_space<vmem>>, vector<16xf32>,
      %add3A_762 = arith.constant 672 : i32
      %add3A_763 = vector.broadcast %add3A_762 : i32 to vector<16xi32>
      %add3A_764 = arith.addi %add3A_763, %iota3A : vector<16xi32>
      %masked_sort3A_765 = arith.constant dense<true> : vector<16xi1>
      %masked_sort3A_766, %masked_sort3A_767, %masked_sort3A_768 = tpu.sort %get3A_761, %add3A_764 masked %masked_sort3A_765 {descending = true} : (vector<16xf32>, vector<16xi32>, vector<16xi1>) -> (vector<16xi1>, vector<16xf32>, vector<16xi32>)
      %gt3A_769 = arith.cmpf ogt, %masked_sort3A_767, %masked_sort3A_756 : vector<16xf32>
      %select_n3A_770 = arith.select %gt3A_769, %masked_sort3A_767, %masked_sort3A_756 : vector<16xi1>, vector<16xf32>
      %select_n3A_771 = arith.select %gt3A_769, %masked_sort3A_768, %masked_sort3A_757 : vector<16xi1>, vector<16xi32>
      %masked_sort3A_772 = arith.constant dense<true> : vector<16xi1>
      %masked_sort3A_773, %masked_sort3A_774, %masked_sort3A_775 = tpu.sort %select_n3A_770, %select_n3A_771 masked %masked_sort3A_772 : (vector<16xf32>, vector<16xi32>, vector<16xi1>) -> (vector<16xi1>, vector<16xf32>, vector<16xi32>)
      %get3A_776 = arith.constant 43 : i32
      %get3A_777 = arith.index_cast %get3A_776 : i32 to index
      %get3A_778 = arith.constant 0 : index
      %get3A_779 = tpu.vector_load %arg8[%get3A_777, %get3A_778] {strides = array<i32>} : memref<64x16xf32, #tpu.memory_space<vmem>>, vector<16xf32>,
      %add3A_780 = arith.constant 688 : i32
      %add3A_781 = vector.broadcast %add3A_780 : i32 to vector<16xi32>
      %add3A_782 = arith.addi %add3A_781, %iota3A : vector<16xi32>
      %masked_sort3A_783 = arith.constant dense<true> : vector<16xi1>
      %masked_sort3A_784, %masked_sort3A_785, %masked_sort3A_786 = tpu.sort %get3A_779, %add3A_782 masked %masked_sort3A_783 {descending = true} : (vector<16xf32>, vector<16xi32>, vector<16xi1>) -> (vector<16xi1>, vector<16xf32>, vector<16xi32>)
      %gt3A_787 = arith.cmpf ogt, %masked_sort3A_785, %masked_sort3A_774 : vector<16xf32>
      %select_n3A_788 = arith.select %gt3A_787, %masked_sort3A_785, %masked_sort3A_774 : vector<16xi1>, vector<16xf32>
      %select_n3A_789 = arith.select %gt3A_787, %masked_sort3A_786, %masked_sort3A_775 : vector<16xi1>, vector<16xi32>
      %masked_sort3A_790 = arith.constant dense<true> : vector<16xi1>
      %masked_sort3A_791, %masked_sort3A_792, %masked_sort3A_793 = tpu.sort %select_n3A_788, %select_n3A_789 masked %masked_sort3A_790 : (vector<16xf32>, vector<16xi32>, vector<16xi1>) -> (vector<16xi1>, vector<16xf32>, vector<16xi32>)
      %get3A_794 = arith.constant 44 : i32
      %get3A_795 = arith.index_cast %get3A_794 : i32 to index
      %get3A_796 = arith.constant 0 : index
      %get3A_797 = tpu.vector_load %arg8[%get3A_795, %get3A_796] {strides = array<i32>} : memref<64x16xf32, #tpu.memory_space<vmem>>, vector<16xf32>,
      %add3A_798 = arith.constant 704 : i32
      %add3A_799 = vector.broadcast %add3A_798 : i32 to vector<16xi32>
      %add3A_800 = arith.addi %add3A_799, %iota3A : vector<16xi32>
      %masked_sort3A_801 = arith.constant dense<true> : vector<16xi1>
      %masked_sort3A_802, %masked_sort3A_803, %masked_sort3A_804 = tpu.sort %get3A_797, %add3A_800 masked %masked_sort3A_801 {descending = true} : (vector<16xf32>, vector<16xi32>, vector<16xi1>) -> (vector<16xi1>, vector<16xf32>, vector<16xi32>)
      %gt3A_805 = arith.cmpf ogt, %masked_sort3A_803, %masked_sort3A_792 : vector<16xf32>
      %select_n3A_806 = arith.select %gt3A_805, %masked_sort3A_803, %masked_sort3A_792 : vector<16xi1>, vector<16xf32>
      %select_n3A_807 = arith.select %gt3A_805, %masked_sort3A_804, %masked_sort3A_793 : vector<16xi1>, vector<16xi32>
      %masked_sort3A_808 = arith.constant dense<true> : vector<16xi1>
      %masked_sort3A_809, %masked_sort3A_810, %masked_sort3A_811 = tpu.sort %select_n3A_806, %select_n3A_807 masked %masked_sort3A_808 : (vector<16xf32>, vector<16xi32>, vector<16xi1>) -> (vector<16xi1>, vector<16xf32>, vector<16xi32>)
      %get3A_812 = arith.constant 45 : i32
      %get3A_813 = arith.index_cast %get3A_812 : i32 to index
      %get3A_814 = arith.constant 0 : index
      %get3A_815 = tpu.vector_load %arg8[%get3A_813, %get3A_814] {strides = array<i32>} : memref<64x16xf32, #tpu.memory_space<vmem>>, vector<16xf32>,
      %add3A_816 = arith.constant 720 : i32
      %add3A_817 = vector.broadcast %add3A_816 : i32 to vector<16xi32>
      %add3A_818 = arith.addi %add3A_817, %iota3A : vector<16xi32>
      %masked_sort3A_819 = arith.constant dense<true> : vector<16xi1>
      %masked_sort3A_820, %masked_sort3A_821, %masked_sort3A_822 = tpu.sort %get3A_815, %add3A_818 masked %masked_sort3A_819 {descending = true} : (vector<16xf32>, vector<16xi32>, vector<16xi1>) -> (vector<16xi1>, vector<16xf32>, vector<16xi32>)
      %gt3A_823 = arith.cmpf ogt, %masked_sort3A_821, %masked_sort3A_810 : vector<16xf32>
      %select_n3A_824 = arith.select %gt3A_823, %masked_sort3A_821, %masked_sort3A_810 : vector<16xi1>, vector<16xf32>
      %select_n3A_825 = arith.select %gt3A_823, %masked_sort3A_822, %masked_sort3A_811 : vector<16xi1>, vector<16xi32>
      %masked_sort3A_826 = arith.constant dense<true> : vector<16xi1>
      %masked_sort3A_827, %masked_sort3A_828, %masked_sort3A_829 = tpu.sort %select_n3A_824, %select_n3A_825 masked %masked_sort3A_826 : (vector<16xf32>, vector<16xi32>, vector<16xi1>) -> (vector<16xi1>, vector<16xf32>, vector<16xi32>)
      %get3A_830 = arith.constant 46 : i32
      %get3A_831 = arith.index_cast %get3A_830 : i32 to index
      %get3A_832 = arith.constant 0 : index
      %get3A_833 = tpu.vector_load %arg8[%get3A_831, %get3A_832] {strides = array<i32>} : memref<64x16xf32, #tpu.memory_space<vmem>>, vector<16xf32>,
      %add3A_834 = arith.constant 736 : i32
      %add3A_835 = vector.broadcast %add3A_834 : i32 to vector<16xi32>
      %add3A_836 = arith.addi %add3A_835, %iota3A : vector<16xi32>
      %masked_sort3A_837 = arith.constant dense<true> : vector<16xi1>
      %masked_sort3A_838, %masked_sort3A_839, %masked_sort3A_840 = tpu.sort %get3A_833, %add3A_836 masked %masked_sort3A_837 {descending = true} : (vector<16xf32>, vector<16xi32>, vector<16xi1>) -> (vector<16xi1>, vector<16xf32>, vector<16xi32>)
      %gt3A_841 = arith.cmpf ogt, %masked_sort3A_839, %masked_sort3A_828 : vector<16xf32>
      %select_n3A_842 = arith.select %gt3A_841, %masked_sort3A_839, %masked_sort3A_828 : vector<16xi1>, vector<16xf32>
      %select_n3A_843 = arith.select %gt3A_841, %masked_sort3A_840, %masked_sort3A_829 : vector<16xi1>, vector<16xi32>
      %masked_sort3A_844 = arith.constant dense<true> : vector<16xi1>
      %masked_sort3A_845, %masked_sort3A_846, %masked_sort3A_847 = tpu.sort %select_n3A_842, %select_n3A_843 masked %masked_sort3A_844 : (vector<16xf32>, vector<16xi32>, vector<16xi1>) -> (vector<16xi1>, vector<16xf32>, vector<16xi32>)
      %get3A_848 = arith.constant 47 : i32
      %get3A_849 = arith.index_cast %get3A_848 : i32 to index
      %get3A_850 = arith.constant 0 : index
      %get3A_851 = tpu.vector_load %arg8[%get3A_849, %get3A_850] {strides = array<i32>} : memref<64x16xf32, #tpu.memory_space<vmem>>, vector<16xf32>,
      %add3A_852 = arith.constant 752 : i32
      %add3A_853 = vector.broadcast %add3A_852 : i32 to vector<16xi32>
      %add3A_854 = arith.addi %add3A_853, %iota3A : vector<16xi32>
      %masked_sort3A_855 = arith.constant dense<true> : vector<16xi1>
      %masked_sort3A_856, %masked_sort3A_857, %masked_sort3A_858 = tpu.sort %get3A_851, %add3A_854 masked %masked_sort3A_855 {descending = true} : (vector<16xf32>, vector<16xi32>, vector<16xi1>) -> (vector<16xi1>, vector<16xf32>, vector<16xi32>)
      %gt3A_859 = arith.cmpf ogt, %masked_sort3A_857, %masked_sort3A_846 : vector<16xf32>
      %select_n3A_860 = arith.select %gt3A_859, %masked_sort3A_857, %masked_sort3A_846 : vector<16xi1>, vector<16xf32>
      %select_n3A_861 = arith.select %gt3A_859, %masked_sort3A_858, %masked_sort3A_847 : vector<16xi1>, vector<16xi32>
      %masked_sort3A_862 = arith.constant dense<true> : vector<16xi1>
      %masked_sort3A_863, %masked_sort3A_864, %masked_sort3A_865 = tpu.sort %select_n3A_860, %select_n3A_861 masked %masked_sort3A_862 : (vector<16xf32>, vector<16xi32>, vector<16xi1>) -> (vector<16xi1>, vector<16xf32>, vector<16xi32>)
      %get3A_866 = arith.constant 48 : i32
      %get3A_867 = arith.index_cast %get3A_866 : i32 to index
      %get3A_868 = arith.constant 0 : index
      %get3A_869 = tpu.vector_load %arg8[%get3A_867, %get3A_868] {strides = array<i32>} : memref<64x16xf32, #tpu.memory_space<vmem>>, vector<16xf32>,
      %add3A_870 = arith.constant 768 : i32
      %add3A_871 = vector.broadcast %add3A_870 : i32 to vector<16xi32>
      %add3A_872 = arith.addi %add3A_871, %iota3A : vector<16xi32>
      %masked_sort3A_873 = arith.constant dense<true> : vector<16xi1>
      %masked_sort3A_874, %masked_sort3A_875, %masked_sort3A_876 = tpu.sort %get3A_869, %add3A_872 masked %masked_sort3A_873 {descending = true} : (vector<16xf32>, vector<16xi32>, vector<16xi1>) -> (vector<16xi1>, vector<16xf32>, vector<16xi32>)
      %gt3A_877 = arith.cmpf ogt, %masked_sort3A_875, %masked_sort3A_864 : vector<16xf32>
      %select_n3A_878 = arith.select %gt3A_877, %masked_sort3A_875, %masked_sort3A_864 : vector<16xi1>, vector<16xf32>
      %select_n3A_879 = arith.select %gt3A_877, %masked_sort3A_876, %masked_sort3A_865 : vector<16xi1>, vector<16xi32>
      %masked_sort3A_880 = arith.constant dense<true> : vector<16xi1>
      %masked_sort3A_881, %masked_sort3A_882, %masked_sort3A_883 = tpu.sort %select_n3A_878, %select_n3A_879 masked %masked_sort3A_880 : (vector<16xf32>, vector<16xi32>, vector<16xi1>) -> (vector<16xi1>, vector<16xf32>, vector<16xi32>)
      %get3A_884 = arith.constant 49 : i32
      %get3A_885 = arith.index_cast %get3A_884 : i32 to index
      %get3A_886 = arith.constant 0 : index
      %get3A_887 = tpu.vector_load %arg8[%get3A_885, %get3A_886] {strides = array<i32>} : memref<64x16xf32, #tpu.memory_space<vmem>>, vector<16xf32>,
      %add3A_888 = arith.constant 784 : i32
      %add3A_889 = vector.broadcast %add3A_888 : i32 to vector<16xi32>
      %add3A_890 = arith.addi %add3A_889, %iota3A : vector<16xi32>
      %masked_sort3A_891 = arith.constant dense<true> : vector<16xi1>
      %masked_sort3A_892, %masked_sort3A_893, %masked_sort3A_894 = tpu.sort %get3A_887, %add3A_890 masked %masked_sort3A_891 {descending = true} : (vector<16xf32>, vector<16xi32>, vector<16xi1>) -> (vector<16xi1>, vector<16xf32>, vector<16xi32>)
      %gt3A_895 = arith.cmpf ogt, %masked_sort3A_893, %masked_sort3A_882 : vector<16xf32>
      %select_n3A_896 = arith.select %gt3A_895, %masked_sort3A_893, %masked_sort3A_882 : vector<16xi1>, vector<16xf32>
      %select_n3A_897 = arith.select %gt3A_895, %masked_sort3A_894, %masked_sort3A_883 : vector<16xi1>, vector<16xi32>
      %masked_sort3A_898 = arith.constant dense<true> : vector<16xi1>
      %masked_sort3A_899, %masked_sort3A_900, %masked_sort3A_901 = tpu.sort %select_n3A_896, %select_n3A_897 masked %masked_sort3A_898 : (vector<16xf32>, vector<16xi32>, vector<16xi1>) -> (vector<16xi1>, vector<16xf32>, vector<16xi32>)
      %get3A_902 = arith.constant 50 : i32
      %get3A_903 = arith.index_cast %get3A_902 : i32 to index
      %get3A_904 = arith.constant 0 : index
      %get3A_905 = tpu.vector_load %arg8[%get3A_903, %get3A_904] {strides = array<i32>} : memref<64x16xf32, #tpu.memory_space<vmem>>, vector<16xf32>,
      %add3A_906 = arith.constant 800 : i32
      %add3A_907 = vector.broadcast %add3A_906 : i32 to vector<16xi32>
      %add3A_908 = arith.addi %add3A_907, %iota3A : vector<16xi32>
      %masked_sort3A_909 = arith.constant dense<true> : vector<16xi1>
      %masked_sort3A_910, %masked_sort3A_911, %masked_sort3A_912 = tpu.sort %get3A_905, %add3A_908 masked %masked_sort3A_909 {descending = true} : (vector<16xf32>, vector<16xi32>, vector<16xi1>) -> (vector<16xi1>, vector<16xf32>, vector<16xi32>)
      %gt3A_913 = arith.cmpf ogt, %masked_sort3A_911, %masked_sort3A_900 : vector<16xf32>
      %select_n3A_914 = arith.select %gt3A_913, %masked_sort3A_911, %masked_sort3A_900 : vector<16xi1>, vector<16xf32>
      %select_n3A_915 = arith.select %gt3A_913, %masked_sort3A_912, %masked_sort3A_901 : vector<16xi1>, vector<16xi32>
      %masked_sort3A_916 = arith.constant dense<true> : vector<16xi1>
      %masked_sort3A_917, %masked_sort3A_918, %masked_sort3A_919 = tpu.sort %select_n3A_914, %select_n3A_915 masked %masked_sort3A_916 : (vector<16xf32>, vector<16xi32>, vector<16xi1>) -> (vector<16xi1>, vector<16xf32>, vector<16xi32>)
      %get3A_920 = arith.constant 51 : i32
      %get3A_921 = arith.index_cast %get3A_920 : i32 to index
      %get3A_922 = arith.constant 0 : index
      %get3A_923 = tpu.vector_load %arg8[%get3A_921, %get3A_922] {strides = array<i32>} : memref<64x16xf32, #tpu.memory_space<vmem>>, vector<16xf32>,
      %add3A_924 = arith.constant 816 : i32
      %add3A_925 = vector.broadcast %add3A_924 : i32 to vector<16xi32>
      %add3A_926 = arith.addi %add3A_925, %iota3A : vector<16xi32>
      %masked_sort3A_927 = arith.constant dense<true> : vector<16xi1>
      %masked_sort3A_928, %masked_sort3A_929, %masked_sort3A_930 = tpu.sort %get3A_923, %add3A_926 masked %masked_sort3A_927 {descending = true} : (vector<16xf32>, vector<16xi32>, vector<16xi1>) -> (vector<16xi1>, vector<16xf32>, vector<16xi32>)
      %gt3A_931 = arith.cmpf ogt, %masked_sort3A_929, %masked_sort3A_918 : vector<16xf32>
      %select_n3A_932 = arith.select %gt3A_931, %masked_sort3A_929, %masked_sort3A_918 : vector<16xi1>, vector<16xf32>
      %select_n3A_933 = arith.select %gt3A_931, %masked_sort3A_930, %masked_sort3A_919 : vector<16xi1>, vector<16xi32>
      %masked_sort3A_934 = arith.constant dense<true> : vector<16xi1>
      %masked_sort3A_935, %masked_sort3A_936, %masked_sort3A_937 = tpu.sort %select_n3A_932, %select_n3A_933 masked %masked_sort3A_934 : (vector<16xf32>, vector<16xi32>, vector<16xi1>) -> (vector<16xi1>, vector<16xf32>, vector<16xi32>)
      %get3A_938 = arith.constant 52 : i32
      %get3A_939 = arith.index_cast %get3A_938 : i32 to index
      %get3A_940 = arith.constant 0 : index
      %get3A_941 = tpu.vector_load %arg8[%get3A_939, %get3A_940] {strides = array<i32>} : memref<64x16xf32, #tpu.memory_space<vmem>>, vector<16xf32>,
      %add3A_942 = arith.constant 832 : i32
      %add3A_943 = vector.broadcast %add3A_942 : i32 to vector<16xi32>
      %add3A_944 = arith.addi %add3A_943, %iota3A : vector<16xi32>
      %masked_sort3A_945 = arith.constant dense<true> : vector<16xi1>
      %masked_sort3A_946, %masked_sort3A_947, %masked_sort3A_948 = tpu.sort %get3A_941, %add3A_944 masked %masked_sort3A_945 {descending = true} : (vector<16xf32>, vector<16xi32>, vector<16xi1>) -> (vector<16xi1>, vector<16xf32>, vector<16xi32>)
      %gt3A_949 = arith.cmpf ogt, %masked_sort3A_947, %masked_sort3A_936 : vector<16xf32>
      %select_n3A_950 = arith.select %gt3A_949, %masked_sort3A_947, %masked_sort3A_936 : vector<16xi1>, vector<16xf32>
      %select_n3A_951 = arith.select %gt3A_949, %masked_sort3A_948, %masked_sort3A_937 : vector<16xi1>, vector<16xi32>
      %masked_sort3A_952 = arith.constant dense<true> : vector<16xi1>
      %masked_sort3A_953, %masked_sort3A_954, %masked_sort3A_955 = tpu.sort %select_n3A_950, %select_n3A_951 masked %masked_sort3A_952 : (vector<16xf32>, vector<16xi32>, vector<16xi1>) -> (vector<16xi1>, vector<16xf32>, vector<16xi32>)
      %get3A_956 = arith.constant 53 : i32
      %get3A_957 = arith.index_cast %get3A_956 : i32 to index
      %get3A_958 = arith.constant 0 : index
      %get3A_959 = tpu.vector_load %arg8[%get3A_957, %get3A_958] {strides = array<i32>} : memref<64x16xf32, #tpu.memory_space<vmem>>, vector<16xf32>,
      %add3A_960 = arith.constant 848 : i32
      %add3A_961 = vector.broadcast %add3A_960 : i32 to vector<16xi32>
      %add3A_962 = arith.addi %add3A_961, %iota3A : vector<16xi32>
      %masked_sort3A_963 = arith.constant dense<true> : vector<16xi1>
      %masked_sort3A_964, %masked_sort3A_965, %masked_sort3A_966 = tpu.sort %get3A_959, %add3A_962 masked %masked_sort3A_963 {descending = true} : (vector<16xf32>, vector<16xi32>, vector<16xi1>) -> (vector<16xi1>, vector<16xf32>, vector<16xi32>)
      %gt3A_967 = arith.cmpf ogt, %masked_sort3A_965, %masked_sort3A_954 : vector<16xf32>
      %select_n3A_968 = arith.select %gt3A_967, %masked_sort3A_965, %masked_sort3A_954 : vector<16xi1>, vector<16xf32>
      %select_n3A_969 = arith.select %gt3A_967, %masked_sort3A_966, %masked_sort3A_955 : vector<16xi1>, vector<16xi32>
      %masked_sort3A_970 = arith.constant dense<true> : vector<16xi1>
      %masked_sort3A_971, %masked_sort3A_972, %masked_sort3A_973 = tpu.sort %select_n3A_968, %select_n3A_969 masked %masked_sort3A_970 : (vector<16xf32>, vector<16xi32>, vector<16xi1>) -> (vector<16xi1>, vector<16xf32>, vector<16xi32>)
      %get3A_974 = arith.constant 54 : i32
      %get3A_975 = arith.index_cast %get3A_974 : i32 to index
      %get3A_976 = arith.constant 0 : index
      %get3A_977 = tpu.vector_load %arg8[%get3A_975, %get3A_976] {strides = array<i32>} : memref<64x16xf32, #tpu.memory_space<vmem>>, vector<16xf32>,
      %add3A_978 = arith.constant 864 : i32
      %add3A_979 = vector.broadcast %add3A_978 : i32 to vector<16xi32>
      %add3A_980 = arith.addi %add3A_979, %iota3A : vector<16xi32>
      %masked_sort3A_981 = arith.constant dense<true> : vector<16xi1>
      %masked_sort3A_982, %masked_sort3A_983, %masked_sort3A_984 = tpu.sort %get3A_977, %add3A_980 masked %masked_sort3A_981 {descending = true} : (vector<16xf32>, vector<16xi32>, vector<16xi1>) -> (vector<16xi1>, vector<16xf32>, vector<16xi32>)
      %gt3A_985 = arith.cmpf ogt, %masked_sort3A_983, %masked_sort3A_972 : vector<16xf32>
      %select_n3A_986 = arith.select %gt3A_985, %masked_sort3A_983, %masked_sort3A_972 : vector<16xi1>, vector<16xf32>
      %select_n3A_987 = arith.select %gt3A_985, %masked_sort3A_984, %masked_sort3A_973 : vector<16xi1>, vector<16xi32>
      %masked_sort3A_988 = arith.constant dense<true> : vector<16xi1>
      %masked_sort3A_989, %masked_sort3A_990, %masked_sort3A_991 = tpu.sort %select_n3A_986, %select_n3A_987 masked %masked_sort3A_988 : (vector<16xf32>, vector<16xi32>, vector<16xi1>) -> (vector<16xi1>, vector<16xf32>, vector<16xi32>)
      %get3A_992 = arith.constant 55 : i32
      %get3A_993 = arith.index_cast %get3A_992 : i32 to index
      %get3A_994 = arith.constant 0 : index
      %get3A_995 = tpu.vector_load %arg8[%get3A_993, %get3A_994] {strides = array<i32>} : memref<64x16xf32, #tpu.memory_space<vmem>>, vector<16xf32>,
      %add3A_996 = arith.constant 880 : i32
      %add3A_997 = vector.broadcast %add3A_996 : i32 to vector<16xi32>
      %add3A_998 = arith.addi %add3A_997, %iota3A : vector<16xi32>
      %masked_sort3A_999 = arith.constant dense<true> : vector<16xi1>
      %masked_sort3A_1000, %masked_sort3A_1001, %masked_sort3A_1002 = tpu.sort %get3A_995, %add3A_998 masked %masked_sort3A_999 {descending = true} : (vector<16xf32>, vector<16xi32>, vector<16xi1>) -> (vector<16xi1>, vector<16xf32>, vector<16xi32>)
      %gt3A_1003 = arith.cmpf ogt, %masked_sort3A_1001, %masked_sort3A_990 : vector<16xf32>
      %select_n3A_1004 = arith.select %gt3A_1003, %masked_sort3A_1001, %masked_sort3A_990 : vector<16xi1>, vector<16xf32>
      %select_n3A_1005 = arith.select %gt3A_1003, %masked_sort3A_1002, %masked_sort3A_991 : vector<16xi1>, vector<16xi32>
      %masked_sort3A_1006 = arith.constant dense<true> : vector<16xi1>
      %masked_sort3A_1007, %masked_sort3A_1008, %masked_sort3A_1009 = tpu.sort %select_n3A_1004, %select_n3A_1005 masked %masked_sort3A_1006 : (vector<16xf32>, vector<16xi32>, vector<16xi1>) -> (vector<16xi1>, vector<16xf32>, vector<16xi32>)
      %get3A_1010 = arith.constant 56 : i32
      %get3A_1011 = arith.index_cast %get3A_1010 : i32 to index
      %get3A_1012 = arith.constant 0 : index
      %get3A_1013 = tpu.vector_load %arg8[%get3A_1011, %get3A_1012] {strides = array<i32>} : memref<64x16xf32, #tpu.memory_space<vmem>>, vector<16xf32>,
      %add3A_1014 = arith.constant 896 : i32
      %add3A_1015 = vector.broadcast %add3A_1014 : i32 to vector<16xi32>
      %add3A_1016 = arith.addi %add3A_1015, %iota3A : vector<16xi32>
      %masked_sort3A_1017 = arith.constant dense<true> : vector<16xi1>
      %masked_sort3A_1018, %masked_sort3A_1019, %masked_sort3A_1020 = tpu.sort %get3A_1013, %add3A_1016 masked %masked_sort3A_1017 {descending = true} : (vector<16xf32>, vector<16xi32>, vector<16xi1>) -> (vector<16xi1>, vector<16xf32>, vector<16xi32>)
      %gt3A_1021 = arith.cmpf ogt, %masked_sort3A_1019, %masked_sort3A_1008 : vector<16xf32>
      %select_n3A_1022 = arith.select %gt3A_1021, %masked_sort3A_1019, %masked_sort3A_1008 : vector<16xi1>, vector<16xf32>
      %select_n3A_1023 = arith.select %gt3A_1021, %masked_sort3A_1020, %masked_sort3A_1009 : vector<16xi1>, vector<16xi32>
      %masked_sort3A_1024 = arith.constant dense<true> : vector<16xi1>
      %masked_sort3A_1025, %masked_sort3A_1026, %masked_sort3A_1027 = tpu.sort %select_n3A_1022, %select_n3A_1023 masked %masked_sort3A_1024 : (vector<16xf32>, vector<16xi32>, vector<16xi1>) -> (vector<16xi1>, vector<16xf32>, vector<16xi32>)
      %get3A_1028 = arith.constant 57 : i32
      %get3A_1029 = arith.index_cast %get3A_1028 : i32 to index
      %get3A_1030 = arith.constant 0 : index
      %get3A_1031 = tpu.vector_load %arg8[%get3A_1029, %get3A_1030] {strides = array<i32>} : memref<64x16xf32, #tpu.memory_space<vmem>>, vector<16xf32>,
      %add3A_1032 = arith.constant 912 : i32
      %add3A_1033 = vector.broadcast %add3A_1032 : i32 to vector<16xi32>
      %add3A_1034 = arith.addi %add3A_1033, %iota3A : vector<16xi32>
      %masked_sort3A_1035 = arith.constant dense<true> : vector<16xi1>
      %masked_sort3A_1036, %masked_sort3A_1037, %masked_sort3A_1038 = tpu.sort %get3A_1031, %add3A_1034 masked %masked_sort3A_1035 {descending = true} : (vector<16xf32>, vector<16xi32>, vector<16xi1>) -> (vector<16xi1>, vector<16xf32>, vector<16xi32>)
      %gt3A_1039 = arith.cmpf ogt, %masked_sort3A_1037, %masked_sort3A_1026 : vector<16xf32>
      %select_n3A_1040 = arith.select %gt3A_1039, %masked_sort3A_1037, %masked_sort3A_1026 : vector<16xi1>, vector<16xf32>
      %select_n3A_1041 = arith.select %gt3A_1039, %masked_sort3A_1038, %masked_sort3A_1027 : vector<16xi1>, vector<16xi32>
      %masked_sort3A_1042 = arith.constant dense<true> : vector<16xi1>
      %masked_sort3A_1043, %masked_sort3A_1044, %masked_sort3A_1045 = tpu.sort %select_n3A_1040, %select_n3A_1041 masked %masked_sort3A_1042 : (vector<16xf32>, vector<16xi32>, vector<16xi1>) -> (vector<16xi1>, vector<16xf32>, vector<16xi32>)
      %get3A_1046 = arith.constant 58 : i32
      %get3A_1047 = arith.index_cast %get3A_1046 : i32 to index
      %get3A_1048 = arith.constant 0 : index
      %get3A_1049 = tpu.vector_load %arg8[%get3A_1047, %get3A_1048] {strides = array<i32>} : memref<64x16xf32, #tpu.memory_space<vmem>>, vector<16xf32>,
      %add3A_1050 = arith.constant 928 : i32
      %add3A_1051 = vector.broadcast %add3A_1050 : i32 to vector<16xi32>
      %add3A_1052 = arith.addi %add3A_1051, %iota3A : vector<16xi32>
      %masked_sort3A_1053 = arith.constant dense<true> : vector<16xi1>
      %masked_sort3A_1054, %masked_sort3A_1055, %masked_sort3A_1056 = tpu.sort %get3A_1049, %add3A_1052 masked %masked_sort3A_1053 {descending = true} : (vector<16xf32>, vector<16xi32>, vector<16xi1>) -> (vector<16xi1>, vector<16xf32>, vector<16xi32>)
      %gt3A_1057 = arith.cmpf ogt, %masked_sort3A_1055, %masked_sort3A_1044 : vector<16xf32>
      %select_n3A_1058 = arith.select %gt3A_1057, %masked_sort3A_1055, %masked_sort3A_1044 : vector<16xi1>, vector<16xf32>
      %select_n3A_1059 = arith.select %gt3A_1057, %masked_sort3A_1056, %masked_sort3A_1045 : vector<16xi1>, vector<16xi32>
      %masked_sort3A_1060 = arith.constant dense<true> : vector<16xi1>
      %masked_sort3A_1061, %masked_sort3A_1062, %masked_sort3A_1063 = tpu.sort %select_n3A_1058, %select_n3A_1059 masked %masked_sort3A_1060 : (vector<16xf32>, vector<16xi32>, vector<16xi1>) -> (vector<16xi1>, vector<16xf32>, vector<16xi32>)
      %get3A_1064 = arith.constant 59 : i32
      %get3A_1065 = arith.index_cast %get3A_1064 : i32 to index
      %get3A_1066 = arith.constant 0 : index
      %get3A_1067 = tpu.vector_load %arg8[%get3A_1065, %get3A_1066] {strides = array<i32>} : memref<64x16xf32, #tpu.memory_space<vmem>>, vector<16xf32>,
      %add3A_1068 = arith.constant 944 : i32
      %add3A_1069 = vector.broadcast %add3A_1068 : i32 to vector<16xi32>
      %add3A_1070 = arith.addi %add3A_1069, %iota3A : vector<16xi32>
      %masked_sort3A_1071 = arith.constant dense<true> : vector<16xi1>
      %masked_sort3A_1072, %masked_sort3A_1073, %masked_sort3A_1074 = tpu.sort %get3A_1067, %add3A_1070 masked %masked_sort3A_1071 {descending = true} : (vector<16xf32>, vector<16xi32>, vector<16xi1>) -> (vector<16xi1>, vector<16xf32>, vector<16xi32>)
      %gt3A_1075 = arith.cmpf ogt, %masked_sort3A_1073, %masked_sort3A_1062 : vector<16xf32>
      %select_n3A_1076 = arith.select %gt3A_1075, %masked_sort3A_1073, %masked_sort3A_1062 : vector<16xi1>, vector<16xf32>
      %select_n3A_1077 = arith.select %gt3A_1075, %masked_sort3A_1074, %masked_sort3A_1063 : vector<16xi1>, vector<16xi32>
      %masked_sort3A_1078 = arith.constant dense<true> : vector<16xi1>
      %masked_sort3A_1079, %masked_sort3A_1080, %masked_sort3A_1081 = tpu.sort %select_n3A_1076, %select_n3A_1077 masked %masked_sort3A_1078 : (vector<16xf32>, vector<16xi32>, vector<16xi1>) -> (vector<16xi1>, vector<16xf32>, vector<16xi32>)
      %get3A_1082 = arith.constant 60 : i32
      %get3A_1083 = arith.index_cast %get3A_1082 : i32 to index
      %get3A_1084 = arith.constant 0 : index
      %get3A_1085 = tpu.vector_load %arg8[%get3A_1083, %get3A_1084] {strides = array<i32>} : memref<64x16xf32, #tpu.memory_space<vmem>>, vector<16xf32>,
      %add3A_1086 = arith.constant 960 : i32
      %add3A_1087 = vector.broadcast %add3A_1086 : i32 to vector<16xi32>
      %add3A_1088 = arith.addi %add3A_1087, %iota3A : vector<16xi32>
      %masked_sort3A_1089 = arith.constant dense<true> : vector<16xi1>
      %masked_sort3A_1090, %masked_sort3A_1091, %masked_sort3A_1092 = tpu.sort %get3A_1085, %add3A_1088 masked %masked_sort3A_1089 {descending = true} : (vector<16xf32>, vector<16xi32>, vector<16xi1>) -> (vector<16xi1>, vector<16xf32>, vector<16xi32>)
      %gt3A_1093 = arith.cmpf ogt, %masked_sort3A_1091, %masked_sort3A_1080 : vector<16xf32>
      %select_n3A_1094 = arith.select %gt3A_1093, %masked_sort3A_1091, %masked_sort3A_1080 : vector<16xi1>, vector<16xf32>
      %select_n3A_1095 = arith.select %gt3A_1093, %masked_sort3A_1092, %masked_sort3A_1081 : vector<16xi1>, vector<16xi32>
      %masked_sort3A_1096 = arith.constant dense<true> : vector<16xi1>
      %masked_sort3A_1097, %masked_sort3A_1098, %masked_sort3A_1099 = tpu.sort %select_n3A_1094, %select_n3A_1095 masked %masked_sort3A_1096 : (vector<16xf32>, vector<16xi32>, vector<16xi1>) -> (vector<16xi1>, vector<16xf32>, vector<16xi32>)
      %get3A_1100 = arith.constant 61 : i32
      %get3A_1101 = arith.index_cast %get3A_1100 : i32 to index
      %get3A_1102 = arith.constant 0 : index
      %get3A_1103 = tpu.vector_load %arg8[%get3A_1101, %get3A_1102] {strides = array<i32>} : memref<64x16xf32, #tpu.memory_space<vmem>>, vector<16xf32>,
      %add3A_1104 = arith.constant 976 : i32
      %add3A_1105 = vector.broadcast %add3A_1104 : i32 to vector<16xi32>
      %add3A_1106 = arith.addi %add3A_1105, %iota3A : vector<16xi32>
      %masked_sort3A_1107 = arith.constant dense<true> : vector<16xi1>
      %masked_sort3A_1108, %masked_sort3A_1109, %masked_sort3A_1110 = tpu.sort %get3A_1103, %add3A_1106 masked %masked_sort3A_1107 {descending = true} : (vector<16xf32>, vector<16xi32>, vector<16xi1>) -> (vector<16xi1>, vector<16xf32>, vector<16xi32>)
      %gt3A_1111 = arith.cmpf ogt, %masked_sort3A_1109, %masked_sort3A_1098 : vector<16xf32>
      %select_n3A_1112 = arith.select %gt3A_1111, %masked_sort3A_1109, %masked_sort3A_1098 : vector<16xi1>, vector<16xf32>
      %select_n3A_1113 = arith.select %gt3A_1111, %masked_sort3A_1110, %masked_sort3A_1099 : vector<16xi1>, vector<16xi32>
      %masked_sort3A_1114 = arith.constant dense<true> : vector<16xi1>
      %masked_sort3A_1115, %masked_sort3A_1116, %masked_sort3A_1117 = tpu.sort %select_n3A_1112, %select_n3A_1113 masked %masked_sort3A_1114 : (vector<16xf32>, vector<16xi32>, vector<16xi1>) -> (vector<16xi1>, vector<16xf32>, vector<16xi32>)
      %get3A_1118 = arith.constant 62 : i32
      %get3A_1119 = arith.index_cast %get3A_1118 : i32 to index
      %get3A_1120 = arith.constant 0 : index
      %get3A_1121 = tpu.vector_load %arg8[%get3A_1119, %get3A_1120] {strides = array<i32>} : memref<64x16xf32, #tpu.memory_space<vmem>>, vector<16xf32>,
      %add3A_1122 = arith.constant 992 : i32
      %add3A_1123 = vector.broadcast %add3A_1122 : i32 to vector<16xi32>
      %add3A_1124 = arith.addi %add3A_1123, %iota3A : vector<16xi32>
      %masked_sort3A_1125 = arith.constant dense<true> : vector<16xi1>
      %masked_sort3A_1126, %masked_sort3A_1127, %masked_sort3A_1128 = tpu.sort %get3A_1121, %add3A_1124 masked %masked_sort3A_1125 {descending = true} : (vector<16xf32>, vector<16xi32>, vector<16xi1>) -> (vector<16xi1>, vector<16xf32>, vector<16xi32>)
      %gt3A_1129 = arith.cmpf ogt, %masked_sort3A_1127, %masked_sort3A_1116 : vector<16xf32>
      %select_n3A_1130 = arith.select %gt3A_1129, %masked_sort3A_1127, %masked_sort3A_1116 : vector<16xi1>, vector<16xf32>
      %select_n3A_1131 = arith.select %gt3A_1129, %masked_sort3A_1128, %masked_sort3A_1117 : vector<16xi1>, vector<16xi32>
      %masked_sort3A_1132 = arith.constant dense<true> : vector<16xi1>
      %masked_sort3A_1133, %masked_sort3A_1134, %masked_sort3A_1135 = tpu.sort %select_n3A_1130, %select_n3A_1131 masked %masked_sort3A_1132 : (vector<16xf32>, vector<16xi32>, vector<16xi1>) -> (vector<16xi1>, vector<16xf32>, vector<16xi32>)
      %get3A_1136 = arith.constant 63 : i32
      %get3A_1137 = arith.index_cast %get3A_1136 : i32 to index
      %get3A_1138 = arith.constant 0 : index
      %get3A_1139 = tpu.vector_load %arg8[%get3A_1137, %get3A_1138] {strides = array<i32>} : memref<64x16xf32, #tpu.memory_space<vmem>>, vector<16xf32>,
      %add3A_1140 = arith.constant 1008 : i32
      %add3A_1141 = vector.broadcast %add3A_1140 : i32 to vector<16xi32>
      %add3A_1142 = arith.addi %add3A_1141, %iota3A : vector<16xi32>
      %masked_sort3A_1143 = arith.constant dense<true> : vector<16xi1>
      %masked_sort3A_1144, %masked_sort3A_1145, %masked_sort3A_1146 = tpu.sort %get3A_1139, %add3A_1142 masked %masked_sort3A_1143 {descending = true} : (vector<16xf32>, vector<16xi32>, vector<16xi1>) -> (vector<16xi1>, vector<16xf32>, vector<16xi32>)
      %gt3A_1147 = arith.cmpf ogt, %masked_sort3A_1145, %masked_sort3A_1134 : vector<16xf32>
      %select_n3A_1148 = arith.select %gt3A_1147, %masked_sort3A_1145, %masked_sort3A_1134 : vector<16xi1>, vector<16xf32>
      %select_n3A_1149 = arith.select %gt3A_1147, %masked_sort3A_1146, %masked_sort3A_1135 : vector<16xi1>, vector<16xi32>
      %masked_sort3A_1150 = arith.constant dense<true> : vector<16xi1>
      %masked_sort3A_1151, %masked_sort3A_1152, %masked_sort3A_1153 = tpu.sort %select_n3A_1148, %select_n3A_1149 masked %masked_sort3A_1150 : (vector<16xf32>, vector<16xi32>, vector<16xi1>) -> (vector<16xi1>, vector<16xf32>, vector<16xi32>)
      %jit3A = arith.constant 2 : i32
      %div3A = arith.divsi %add3A, %jit3A : i32
      %sign3A = arith.constant 0 : i32
      %sign3A_1154 = arith.cmpi sgt, %add3A, %sign3A : i32
      %sign3A_1155 = arith.extui %sign3A_1154 : i1 to i32
      %sign3A_1156 = arith.constant 0 : i32
      %sign3A_1157 = arith.cmpi slt, %add3A, %sign3A_1156 : i32
      %sign3A_1158 = arith.extui %sign3A_1157 : i1 to i32
      %sign3A_1159 = arith.subi %sign3A_1155, %sign3A_1158 : i32
      %sign3A_1160 = arith.constant 0 : i32
      %sign3A_1161 = arith.cmpi sgt, %jit3A, %sign3A_1160 : i32
      %sign3A_1162 = arith.extui %sign3A_1161 : i1 to i32
      %sign3A_1163 = arith.constant 0 : i32
      %sign3A_1164 = arith.cmpi slt, %jit3A, %sign3A_1163 : i32
      %sign3A_1165 = arith.extui %sign3A_1164 : i1 to i32
      %sign3A_1166 = arith.subi %sign3A_1162, %sign3A_1165 : i32
      %ne3A = arith.cmpi ne, %sign3A_1159, %sign3A_1166 : i32
      %rem3A = arith.remsi %add3A, %jit3A : i32
      %ne3A_1167 = arith.constant 0 : i32
      %ne3A_1168 = arith.cmpi ne, %rem3A, %ne3A_1167 : i32
      %and3A = arith.andi %ne3A, %ne3A_1168 : i1
      %sub3A = arith.constant 1 : i32
      %sub3A_1169 = arith.subi %div3A, %sub3A : i32
      %select_n3A_1170 = arith.select %and3A, %sub3A_1169, %div3A : i32
      %reduce_max3A = arith.constant true
      %reduce_max3A_1171 = vector.broadcast %reduce_max3A : i1 to vector<16xi1>
      %reduce_max3A_1172 = tpu.scan <max>, %masked_sort3A_1152 masked %reduce_max3A_1171 : vector<16xf32>, vector<16xi1> -> vector<16xf32>
      %reduce_max3A_1173 = vector.extract %reduce_max3A_1172[15] : f32 from vector<16xf32>
      %eq3A = vector.broadcast %reduce_max3A_1173 : f32 to vector<16xf32>
      %eq3A_1174 = arith.cmpf oeq, %masked_sort3A_1152, %eq3A : vector<16xf32>
      %jit3A_1175 = arith.constant 2147483647 : i32
      %broadcast_in_dim3A_1176 = vector.broadcast %jit3A_1175 : i32 to vector<16xi32>
      %select_n3A_1177 = arith.select %eq3A_1174, %masked_sort3A_1153, %broadcast_in_dim3A_1176 : vector<16xi1>, vector<16xi32>
      %reduce_min3A = arith.constant true
      %reduce_min3A_1178 = vector.broadcast %reduce_min3A : i1 to vector<16xi1>
      %reduce_min3A_1179 = arith.constant -2147483648 : i32
      %reduce_min3A_1180 = vector.broadcast %reduce_min3A_1179 : i32 to vector<16xi32>
      %reduce_min3A_1181 = arith.xori %select_n3A_1177, %reduce_min3A_1180 : vector<16xi32>
      %reduce_min3A_1182 = tpu.scan <min>, %reduce_min3A_1181 masked %reduce_min3A_1178 : vector<16xi32>, vector<16xi1> -> vector<16xi32>
      %reduce_min3A_1183 = arith.xori %reduce_min3A_1182, %reduce_min3A_1180 : vector<16xi32>
      %reduce_min3A_1184 = vector.extract %reduce_min3A_1183[15] : i32 from vector<16xi32>
      %eq3A_1185 = arith.constant 0 : i32
      %eq3A_1186 = arith.cmpi eq, %select_n3A_1170, %eq3A_1185 : i32
      %jit3A_1187 = arith.constant 0 : i32
      %select_n3A_1188 = arith.select %eq3A_1186, %reduce_min3A_1184, %jit3A_1187 : i32
      %eq3A_1189 = vector.broadcast %reduce_min3A_1184 : i32 to vector<16xi32>
      %eq3A_1190 = arith.cmpi eq, %masked_sort3A_1153, %eq3A_1189 : vector<16xi32>
      %and3A_1191 = arith.andi %eq3A_1174, %eq3A_1190 : vector<16xi1>
      %jit3A_1192 = arith.constant 0xFF800000 : f32
      %broadcast_in_dim3A_1193 = vector.broadcast %jit3A_1192 : f32 to vector<16xf32>
      %select_n3A_1194 = arith.select %and3A_1191, %broadcast_in_dim3A_1193, %masked_sort3A_1152 : vector<16xi1>, vector<16xf32>
      %reduce_max3A_1195 = arith.constant true
      %reduce_max3A_1196 = vector.broadcast %reduce_max3A_1195 : i1 to vector<16xi1>
      %reduce_max3A_1197 = tpu.scan <max>, %select_n3A_1194 masked %reduce_max3A_1196 : vector<16xf32>, vector<16xi1> -> vector<16xf32>
      %reduce_max3A_1198 = vector.extract %reduce_max3A_1197[15] : f32 from vector<16xf32>
      %eq3A_1199 = vector.broadcast %reduce_max3A_1198 : f32 to vector<16xf32>
      %eq3A_1200 = arith.cmpf oeq, %select_n3A_1194, %eq3A_1199 : vector<16xf32>
      %jit3A_1201 = arith.constant 2147483647 : i32
      %broadcast_in_dim3A_1202 = vector.broadcast %jit3A_1201 : i32 to vector<16xi32>
      %select_n3A_1203 = arith.select %eq3A_1200, %masked_sort3A_1153, %broadcast_in_dim3A_1202 : vector<16xi1>, vector<16xi32>
      %reduce_min3A_1204 = arith.constant true
      %reduce_min3A_1205 = vector.broadcast %reduce_min3A_1204 : i1 to vector<16xi1>
      %reduce_min3A_1206 = arith.constant -2147483648 : i32
      %reduce_min3A_1207 = vector.broadcast %reduce_min3A_1206 : i32 to vector<16xi32>
      %reduce_min3A_1208 = arith.xori %select_n3A_1203, %reduce_min3A_1207 : vector<16xi32>
      %reduce_min3A_1209 = tpu.scan <min>, %reduce_min3A_1208 masked %reduce_min3A_1205 : vector<16xi32>, vector<16xi1> -> vector<16xi32>
      %reduce_min3A_1210 = arith.xori %reduce_min3A_1209, %reduce_min3A_1207 : vector<16xi32>
      %reduce_min3A_1211 = vector.extract %reduce_min3A_1210[15] : i32 from vector<16xi32>
      %eq3A_1212 = arith.constant 1 : i32
      %eq3A_1213 = arith.cmpi eq, %select_n3A_1170, %eq3A_1212 : i32
      %select_n3A_1214 = arith.select %eq3A_1213, %reduce_min3A_1211, %select_n3A_1188 : i32
      %eq3A_1215 = vector.broadcast %reduce_min3A_1211 : i32 to vector<16xi32>
      %eq3A_1216 = arith.cmpi eq, %masked_sort3A_1153, %eq3A_1215 : vector<16xi32>
      %and3A_1217 = arith.andi %eq3A_1200, %eq3A_1216 : vector<16xi1>
      %jit3A_1218 = arith.constant 0xFF800000 : f32
      %broadcast_in_dim3A_1219 = vector.broadcast %jit3A_1218 : f32 to vector<16xf32>
      %select_n3A_1220 = arith.select %and3A_1217, %broadcast_in_dim3A_1219, %select_n3A_1194 : vector<16xi1>, vector<16xf32>
      %reduce_max3A_1221 = arith.constant true
      %reduce_max3A_1222 = vector.broadcast %reduce_max3A_1221 : i1 to vector<16xi1>
      %reduce_max3A_1223 = tpu.scan <max>, %select_n3A_1220 masked %reduce_max3A_1222 : vector<16xf32>, vector<16xi1> -> vector<16xf32>
      %reduce_max3A_1224 = vector.extract %reduce_max3A_1223[15] : f32 from vector<16xf32>
      %eq3A_1225 = vector.broadcast %reduce_max3A_1224 : f32 to vector<16xf32>
      %eq3A_1226 = arith.cmpf oeq, %select_n3A_1220, %eq3A_1225 : vector<16xf32>
      %jit3A_1227 = arith.constant 2147483647 : i32
      %broadcast_in_dim3A_1228 = vector.broadcast %jit3A_1227 : i32 to vector<16xi32>
      %select_n3A_1229 = arith.select %eq3A_1226, %masked_sort3A_1153, %broadcast_in_dim3A_1228 : vector<16xi1>, vector<16xi32>
      %reduce_min3A_1230 = arith.constant true
      %reduce_min3A_1231 = vector.broadcast %reduce_min3A_1230 : i1 to vector<16xi1>
      %reduce_min3A_1232 = arith.constant -2147483648 : i32
      %reduce_min3A_1233 = vector.broadcast %reduce_min3A_1232 : i32 to vector<16xi32>
      %reduce_min3A_1234 = arith.xori %select_n3A_1229, %reduce_min3A_1233 : vector<16xi32>
      %reduce_min3A_1235 = tpu.scan <min>, %reduce_min3A_1234 masked %reduce_min3A_1231 : vector<16xi32>, vector<16xi1> -> vector<16xi32>
      %reduce_min3A_1236 = arith.xori %reduce_min3A_1235, %reduce_min3A_1233 : vector<16xi32>
      %reduce_min3A_1237 = vector.extract %reduce_min3A_1236[15] : i32 from vector<16xi32>
      %eq3A_1238 = arith.constant 2 : i32
      %eq3A_1239 = arith.cmpi eq, %select_n3A_1170, %eq3A_1238 : i32
      %select_n3A_1240 = arith.select %eq3A_1239, %reduce_min3A_1237, %select_n3A_1214 : i32
      %eq3A_1241 = vector.broadcast %reduce_min3A_1237 : i32 to vector<16xi32>
      %eq3A_1242 = arith.cmpi eq, %masked_sort3A_1153, %eq3A_1241 : vector<16xi32>
      %and3A_1243 = arith.andi %eq3A_1226, %eq3A_1242 : vector<16xi1>
      %jit3A_1244 = arith.constant 0xFF800000 : f32
      %broadcast_in_dim3A_1245 = vector.broadcast %jit3A_1244 : f32 to vector<16xf32>
      %select_n3A_1246 = arith.select %and3A_1243, %broadcast_in_dim3A_1245, %select_n3A_1220 : vector<16xi1>, vector<16xf32>
      %reduce_max3A_1247 = arith.constant true
      %reduce_max3A_1248 = vector.broadcast %reduce_max3A_1247 : i1 to vector<16xi1>
      %reduce_max3A_1249 = tpu.scan <max>, %select_n3A_1246 masked %reduce_max3A_1248 : vector<16xf32>, vector<16xi1> -> vector<16xf32>
      %reduce_max3A_1250 = vector.extract %reduce_max3A_1249[15] : f32 from vector<16xf32>
      %eq3A_1251 = vector.broadcast %reduce_max3A_1250 : f32 to vector<16xf32>
      %eq3A_1252 = arith.cmpf oeq, %select_n3A_1246, %eq3A_1251 : vector<16xf32>
      %jit3A_1253 = arith.constant 2147483647 : i32
      %broadcast_in_dim3A_1254 = vector.broadcast %jit3A_1253 : i32 to vector<16xi32>
      %select_n3A_1255 = arith.select %eq3A_1252, %masked_sort3A_1153, %broadcast_in_dim3A_1254 : vector<16xi1>, vector<16xi32>
      %reduce_min3A_1256 = arith.constant true
      %reduce_min3A_1257 = vector.broadcast %reduce_min3A_1256 : i1 to vector<16xi1>
      %reduce_min3A_1258 = arith.constant -2147483648 : i32
      %reduce_min3A_1259 = vector.broadcast %reduce_min3A_1258 : i32 to vector<16xi32>
      %reduce_min3A_1260 = arith.xori %select_n3A_1255, %reduce_min3A_1259 : vector<16xi32>
      %reduce_min3A_1261 = tpu.scan <min>, %reduce_min3A_1260 masked %reduce_min3A_1257 : vector<16xi32>, vector<16xi1> -> vector<16xi32>
      %reduce_min3A_1262 = arith.xori %reduce_min3A_1261, %reduce_min3A_1259 : vector<16xi32>
      %reduce_min3A_1263 = vector.extract %reduce_min3A_1262[15] : i32 from vector<16xi32>
      %eq3A_1264 = arith.constant 3 : i32
      %eq3A_1265 = arith.cmpi eq, %select_n3A_1170, %eq3A_1264 : i32
      %select_n3A_1266 = arith.select %eq3A_1265, %reduce_min3A_1263, %select_n3A_1240 : i32
      %eq3A_1267 = vector.broadcast %reduce_min3A_1263 : i32 to vector<16xi32>
      %eq3A_1268 = arith.cmpi eq, %masked_sort3A_1153, %eq3A_1267 : vector<16xi32>
      %and3A_1269 = arith.andi %eq3A_1252, %eq3A_1268 : vector<16xi1>
      %jit3A_1270 = arith.constant 0xFF800000 : f32
      %broadcast_in_dim3A_1271 = vector.broadcast %jit3A_1270 : f32 to vector<16xf32>
      %select_n3A_1272 = arith.select %and3A_1269, %broadcast_in_dim3A_1271, %select_n3A_1246 : vector<16xi1>, vector<16xf32>
      %reduce_max3A_1273 = arith.constant true
      %reduce_max3A_1274 = vector.broadcast %reduce_max3A_1273 : i1 to vector<16xi1>
      %reduce_max3A_1275 = tpu.scan <max>, %select_n3A_1272 masked %reduce_max3A_1274 : vector<16xf32>, vector<16xi1> -> vector<16xf32>
      %reduce_max3A_1276 = vector.extract %reduce_max3A_1275[15] : f32 from vector<16xf32>
      %eq3A_1277 = vector.broadcast %reduce_max3A_1276 : f32 to vector<16xf32>
      %eq3A_1278 = arith.cmpf oeq, %select_n3A_1272, %eq3A_1277 : vector<16xf32>
      %jit3A_1279 = arith.constant 2147483647 : i32
      %broadcast_in_dim3A_1280 = vector.broadcast %jit3A_1279 : i32 to vector<16xi32>
      %select_n3A_1281 = arith.select %eq3A_1278, %masked_sort3A_1153, %broadcast_in_dim3A_1280 : vector<16xi1>, vector<16xi32>
      %reduce_min3A_1282 = arith.constant true
      %reduce_min3A_1283 = vector.broadcast %reduce_min3A_1282 : i1 to vector<16xi1>
      %reduce_min3A_1284 = arith.constant -2147483648 : i32
      %reduce_min3A_1285 = vector.broadcast %reduce_min3A_1284 : i32 to vector<16xi32>
      %reduce_min3A_1286 = arith.xori %select_n3A_1281, %reduce_min3A_1285 : vector<16xi32>
      %reduce_min3A_1287 = tpu.scan <min>, %reduce_min3A_1286 masked %reduce_min3A_1283 : vector<16xi32>, vector<16xi1> -> vector<16xi32>
      %reduce_min3A_1288 = arith.xori %reduce_min3A_1287, %reduce_min3A_1285 : vector<16xi32>
      %reduce_min3A_1289 = vector.extract %reduce_min3A_1288[15] : i32 from vector<16xi32>
      %eq3A_1290 = arith.constant 4 : i32
      %eq3A_1291 = arith.cmpi eq, %select_n3A_1170, %eq3A_1290 : i32
      %select_n3A_1292 = arith.select %eq3A_1291, %reduce_min3A_1289, %select_n3A_1266 : i32
      %eq3A_1293 = vector.broadcast %reduce_min3A_1289 : i32 to vector<16xi32>
      %eq3A_1294 = arith.cmpi eq, %masked_sort3A_1153, %eq3A_1293 : vector<16xi32>
      %and3A_1295 = arith.andi %eq3A_1278, %eq3A_1294 : vector<16xi1>
      %jit3A_1296 = arith.constant 0xFF800000 : f32
      %broadcast_in_dim3A_1297 = vector.broadcast %jit3A_1296 : f32 to vector<16xf32>
      %select_n3A_1298 = arith.select %and3A_1295, %broadcast_in_dim3A_1297, %select_n3A_1272 : vector<16xi1>, vector<16xf32>
      %reduce_max3A_1299 = arith.constant true
      %reduce_max3A_1300 = vector.broadcast %reduce_max3A_1299 : i1 to vector<16xi1>
      %reduce_max3A_1301 = tpu.scan <max>, %select_n3A_1298 masked %reduce_max3A_1300 : vector<16xf32>, vector<16xi1> -> vector<16xf32>
      %reduce_max3A_1302 = vector.extract %reduce_max3A_1301[15] : f32 from vector<16xf32>
      %eq3A_1303 = vector.broadcast %reduce_max3A_1302 : f32 to vector<16xf32>
      %eq3A_1304 = arith.cmpf oeq, %select_n3A_1298, %eq3A_1303 : vector<16xf32>
      %jit3A_1305 = arith.constant 2147483647 : i32
      %broadcast_in_dim3A_1306 = vector.broadcast %jit3A_1305 : i32 to vector<16xi32>
      %select_n3A_1307 = arith.select %eq3A_1304, %masked_sort3A_1153, %broadcast_in_dim3A_1306 : vector<16xi1>, vector<16xi32>
      %reduce_min3A_1308 = arith.constant true
      %reduce_min3A_1309 = vector.broadcast %reduce_min3A_1308 : i1 to vector<16xi1>
      %reduce_min3A_1310 = arith.constant -2147483648 : i32
      %reduce_min3A_1311 = vector.broadcast %reduce_min3A_1310 : i32 to vector<16xi32>
      %reduce_min3A_1312 = arith.xori %select_n3A_1307, %reduce_min3A_1311 : vector<16xi32>
      %reduce_min3A_1313 = tpu.scan <min>, %reduce_min3A_1312 masked %reduce_min3A_1309 : vector<16xi32>, vector<16xi1> -> vector<16xi32>
      %reduce_min3A_1314 = arith.xori %reduce_min3A_1313, %reduce_min3A_1311 : vector<16xi32>
      %reduce_min3A_1315 = vector.extract %reduce_min3A_1314[15] : i32 from vector<16xi32>
      %eq3A_1316 = arith.constant 5 : i32
      %eq3A_1317 = arith.cmpi eq, %select_n3A_1170, %eq3A_1316 : i32
      %select_n3A_1318 = arith.select %eq3A_1317, %reduce_min3A_1315, %select_n3A_1292 : i32
      %eq3A_1319 = vector.broadcast %reduce_min3A_1315 : i32 to vector<16xi32>
      %eq3A_1320 = arith.cmpi eq, %masked_sort3A_1153, %eq3A_1319 : vector<16xi32>
      %and3A_1321 = arith.andi %eq3A_1304, %eq3A_1320 : vector<16xi1>
      %jit3A_1322 = arith.constant 0xFF800000 : f32
      %broadcast_in_dim3A_1323 = vector.broadcast %jit3A_1322 : f32 to vector<16xf32>
      %select_n3A_1324 = arith.select %and3A_1321, %broadcast_in_dim3A_1323, %select_n3A_1298 : vector<16xi1>, vector<16xf32>
      %reduce_max3A_1325 = arith.constant true
      %reduce_max3A_1326 = vector.broadcast %reduce_max3A_1325 : i1 to vector<16xi1>
      %reduce_max3A_1327 = tpu.scan <max>, %select_n3A_1324 masked %reduce_max3A_1326 : vector<16xf32>, vector<16xi1> -> vector<16xf32>
      %reduce_max3A_1328 = vector.extract %reduce_max3A_1327[15] : f32 from vector<16xf32>
      %eq3A_1329 = vector.broadcast %reduce_max3A_1328 : f32 to vector<16xf32>
      %eq3A_1330 = arith.cmpf oeq, %select_n3A_1324, %eq3A_1329 : vector<16xf32>
      %jit3A_1331 = arith.constant 2147483647 : i32
      %broadcast_in_dim3A_1332 = vector.broadcast %jit3A_1331 : i32 to vector<16xi32>
      %select_n3A_1333 = arith.select %eq3A_1330, %masked_sort3A_1153, %broadcast_in_dim3A_1332 : vector<16xi1>, vector<16xi32>
      %reduce_min3A_1334 = arith.constant true
      %reduce_min3A_1335 = vector.broadcast %reduce_min3A_1334 : i1 to vector<16xi1>
      %reduce_min3A_1336 = arith.constant -2147483648 : i32
      %reduce_min3A_1337 = vector.broadcast %reduce_min3A_1336 : i32 to vector<16xi32>
      %reduce_min3A_1338 = arith.xori %select_n3A_1333, %reduce_min3A_1337 : vector<16xi32>
      %reduce_min3A_1339 = tpu.scan <min>, %reduce_min3A_1338 masked %reduce_min3A_1335 : vector<16xi32>, vector<16xi1> -> vector<16xi32>
      %reduce_min3A_1340 = arith.xori %reduce_min3A_1339, %reduce_min3A_1337 : vector<16xi32>
      %reduce_min3A_1341 = vector.extract %reduce_min3A_1340[15] : i32 from vector<16xi32>
      %eq3A_1342 = arith.constant 6 : i32
      %eq3A_1343 = arith.cmpi eq, %select_n3A_1170, %eq3A_1342 : i32
      %select_n3A_1344 = arith.select %eq3A_1343, %reduce_min3A_1341, %select_n3A_1318 : i32
      %eq3A_1345 = vector.broadcast %reduce_min3A_1341 : i32 to vector<16xi32>
      %eq3A_1346 = arith.cmpi eq, %masked_sort3A_1153, %eq3A_1345 : vector<16xi32>
      %and3A_1347 = arith.andi %eq3A_1330, %eq3A_1346 : vector<16xi1>
      %jit3A_1348 = arith.constant 0xFF800000 : f32
      %broadcast_in_dim3A_1349 = vector.broadcast %jit3A_1348 : f32 to vector<16xf32>
      %select_n3A_1350 = arith.select %and3A_1347, %broadcast_in_dim3A_1349, %select_n3A_1324 : vector<16xi1>, vector<16xf32>
      %reduce_max3A_1351 = arith.constant true
      %reduce_max3A_1352 = vector.broadcast %reduce_max3A_1351 : i1 to vector<16xi1>
      %reduce_max3A_1353 = tpu.scan <max>, %select_n3A_1350 masked %reduce_max3A_1352 : vector<16xf32>, vector<16xi1> -> vector<16xf32>
      %reduce_max3A_1354 = vector.extract %reduce_max3A_1353[15] : f32 from vector<16xf32>
      %eq3A_1355 = vector.broadcast %reduce_max3A_1354 : f32 to vector<16xf32>
      %eq3A_1356 = arith.cmpf oeq, %select_n3A_1350, %eq3A_1355 : vector<16xf32>
      %jit3A_1357 = arith.constant 2147483647 : i32
      %broadcast_in_dim3A_1358 = vector.broadcast %jit3A_1357 : i32 to vector<16xi32>
      %select_n3A_1359 = arith.select %eq3A_1356, %masked_sort3A_1153, %broadcast_in_dim3A_1358 : vector<16xi1>, vector<16xi32>
      %reduce_min3A_1360 = arith.constant true
      %reduce_min3A_1361 = vector.broadcast %reduce_min3A_1360 : i1 to vector<16xi1>
      %reduce_min3A_1362 = arith.constant -2147483648 : i32
      %reduce_min3A_1363 = vector.broadcast %reduce_min3A_1362 : i32 to vector<16xi32>
      %reduce_min3A_1364 = arith.xori %select_n3A_1359, %reduce_min3A_1363 : vector<16xi32>
      %reduce_min3A_1365 = tpu.scan <min>, %reduce_min3A_1364 masked %reduce_min3A_1361 : vector<16xi32>, vector<16xi1> -> vector<16xi32>
      %reduce_min3A_1366 = arith.xori %reduce_min3A_1365, %reduce_min3A_1363 : vector<16xi32>
      %reduce_min3A_1367 = vector.extract %reduce_min3A_1366[15] : i32 from vector<16xi32>
      %eq3A_1368 = arith.constant 7 : i32
      %eq3A_1369 = arith.cmpi eq, %select_n3A_1170, %eq3A_1368 : i32
      %select_n3A_1370 = arith.select %eq3A_1369, %reduce_min3A_1367, %select_n3A_1344 : i32
      %eq3A_1371 = vector.broadcast %reduce_min3A_1367 : i32 to vector<16xi32>
      %eq3A_1372 = arith.cmpi eq, %masked_sort3A_1153, %eq3A_1371 : vector<16xi32>
      %and3A_1373 = arith.andi %eq3A_1356, %eq3A_1372 : vector<16xi1>
      %jit3A_1374 = arith.constant 0xFF800000 : f32
      %broadcast_in_dim3A_1375 = vector.broadcast %jit3A_1374 : f32 to vector<16xf32>
      %select_n3A_1376 = arith.select %and3A_1373, %broadcast_in_dim3A_1375, %select_n3A_1350 : vector<16xi1>, vector<16xf32>
      %jit3A_1377 = arith.constant 16 : i32
      %div3A_1378 = arith.divsi %select_n3A_1370, %jit3A_1377 : i32
      %sign3A_1379 = arith.constant 0 : i32
      %sign3A_1380 = arith.cmpi sgt, %select_n3A_1370, %sign3A_1379 : i32
      %sign3A_1381 = arith.extui %sign3A_1380 : i1 to i32
      %sign3A_1382 = arith.constant 0 : i32
      %sign3A_1383 = arith.cmpi slt, %select_n3A_1370, %sign3A_1382 : i32
      %sign3A_1384 = arith.extui %sign3A_1383 : i1 to i32
      %sign3A_1385 = arith.subi %sign3A_1381, %sign3A_1384 : i32
      %sign3A_1386 = arith.constant 0 : i32
      %sign3A_1387 = arith.cmpi sgt, %jit3A_1377, %sign3A_1386 : i32
      %sign3A_1388 = arith.extui %sign3A_1387 : i1 to i32
      %sign3A_1389 = arith.constant 0 : i32
      %sign3A_1390 = arith.cmpi slt, %jit3A_1377, %sign3A_1389 : i32
      %sign3A_1391 = arith.extui %sign3A_1390 : i1 to i32
      %sign3A_1392 = arith.subi %sign3A_1388, %sign3A_1391 : i32
      %ne3A_1393 = arith.cmpi ne, %sign3A_1385, %sign3A_1392 : i32
      %rem3A_1394 = arith.remsi %select_n3A_1370, %jit3A_1377 : i32
      %ne3A_1395 = arith.constant 0 : i32
      %ne3A_1396 = arith.cmpi ne, %rem3A_1394, %ne3A_1395 : i32
      %and3A_1397 = arith.andi %ne3A_1393, %ne3A_1396 : i1
      %sub3A_1398 = arith.constant 1 : i32
      %sub3A_1399 = arith.subi %div3A_1378, %sub3A_1398 : i32
      %select_n3A_1400 = arith.select %and3A_1397, %sub3A_1399, %div3A_1378 : i32
      %jit3A_1401 = arith.constant 16 : i32
      %eq3A_1402 = arith.constant 0 : i32
      %eq3A_1403 = arith.cmpi eq, %jit3A_1401, %eq3A_1402 : i32
      %jit3A_1404 = arith.constant 1 : i32
      %select_n3A_1405 = arith.select %eq3A_1403, %jit3A_1404, %jit3A_1401 : i32
      %rem3A_1406 = arith.remsi %select_n3A_1370, %select_n3A_1405 : i32
      %ne3A_1407 = arith.constant 0 : i32
      %ne3A_1408 = arith.cmpi ne, %rem3A_1406, %ne3A_1407 : i32
      %lt3A_1409 = arith.constant 0 : i32
      %lt3A_1410 = arith.cmpi slt, %rem3A_1406, %lt3A_1409 : i32
      %lt3A_1411 = arith.constant 0 : i32
      %lt3A_1412 = arith.cmpi slt, %select_n3A_1405, %lt3A_1411 : i32
      %ne3A_1413 = arith.xori %lt3A_1410, %lt3A_1412 : i1
      %and3A_1414 = arith.andi %ne3A_1413, %ne3A_1408 : i1
      %add3A_1415 = arith.addi %rem3A_1406, %select_n3A_1405 : i32
      %select_n3A_1416 = arith.select %and3A_1414, %add3A_1415, %rem3A_1406 : i32
      %jit3A_1417 = arith.constant 8 : i32
      %div3A_1418 = arith.divsi %select_n3A_1400, %jit3A_1417 : i32
      %sign3A_1419 = arith.constant 0 : i32
      %sign3A_1420 = arith.cmpi sgt, %select_n3A_1400, %sign3A_1419 : i32
      %sign3A_1421 = arith.extui %sign3A_1420 : i1 to i32
      %sign3A_1422 = arith.constant 0 : i32
      %sign3A_1423 = arith.cmpi slt, %select_n3A_1400, %sign3A_1422 : i32
      %sign3A_1424 = arith.extui %sign3A_1423 : i1 to i32
      %sign3A_1425 = arith.subi %sign3A_1421, %sign3A_1424 : i32
      %sign3A_1426 = arith.constant 0 : i32
      %sign3A_1427 = arith.cmpi sgt, %jit3A_1417, %sign3A_1426 : i32
      %sign3A_1428 = arith.extui %sign3A_1427 : i1 to i32
      %sign3A_1429 = arith.constant 0 : i32
      %sign3A_1430 = arith.cmpi slt, %jit3A_1417, %sign3A_1429 : i32
      %sign3A_1431 = arith.extui %sign3A_1430 : i1 to i32
      %sign3A_1432 = arith.subi %sign3A_1428, %sign3A_1431 : i32
      %ne3A_1433 = arith.cmpi ne, %sign3A_1425, %sign3A_1432 : i32
      %rem3A_1434 = arith.remsi %select_n3A_1400, %jit3A_1417 : i32
      %ne3A_1435 = arith.constant 0 : i32
      %ne3A_1436 = arith.cmpi ne, %rem3A_1434, %ne3A_1435 : i32
      %and3A_1437 = arith.andi %ne3A_1433, %ne3A_1436 : i1
      %sub3A_1438 = arith.constant 1 : i32
      %sub3A_1439 = arith.subi %div3A_1418, %sub3A_1438 : i32
      %select_n3A_1440 = arith.select %and3A_1437, %sub3A_1439, %div3A_1418 : i32
      %mul3A_1441 = arith.constant 8 : i32
      %mul3A_1442 = arith.muli %select_n3A_1440, %mul3A_1441 : i32
      %multiple_of3A = tpu.assume_multiple %mul3A_1442, 8 : i32
      %jit3A_1443 = arith.constant 8 : i32
      %eq3A_1444 = arith.constant 0 : i32
      %eq3A_1445 = arith.cmpi eq, %jit3A_1443, %eq3A_1444 : i32
      %jit3A_1446 = arith.constant 1 : i32
      %select_n3A_1447 = arith.select %eq3A_1445, %jit3A_1446, %jit3A_1443 : i32
      %rem3A_1448 = arith.remsi %select_n3A_1400, %select_n3A_1447 : i32
      %ne3A_1449 = arith.constant 0 : i32
      %ne3A_1450 = arith.cmpi ne, %rem3A_1448, %ne3A_1449 : i32
      %lt3A_1451 = arith.constant 0 : i32
      %lt3A_1452 = arith.cmpi slt, %rem3A_1448, %lt3A_1451 : i32
      %lt3A_1453 = arith.constant 0 : i32
      %lt3A_1454 = arith.cmpi slt, %select_n3A_1447, %lt3A_1453 : i32
      %ne3A_1455 = arith.xori %lt3A_1452, %lt3A_1454 : i1
      %and3A_1456 = arith.andi %ne3A_1455, %ne3A_1450 : i1
      %add3A_1457 = arith.addi %rem3A_1448, %select_n3A_1447 : i32
      %select_n3A_1458 = arith.select %and3A_1456, %add3A_1457, %rem3A_1448 : i32
      %broadcast_in_dim3A_1459 = arith.constant 0xFF800000 : f32
      %broadcast_in_dim3A_1460 = vector.broadcast %broadcast_in_dim3A_1459 : f32 to vector<16xf32>
      %get3A_1461 = arith.constant 0 : index
      %get3A_1462 = tpu.vector_load %arg9[%get3A_1461] {strides = array<i32>} : memref<64xf32, #tpu.memory_space<vmem>>, vector<16xf32>,
      %add3A_1463 = arith.constant 0 : i32
      %add3A_1464 = vector.broadcast %add3A_1463 : i32 to vector<16xi32>
      %add3A_1465 = arith.addi %iota3A, %add3A_1464 : vector<16xi32>
      %eq3A_1466 = vector.broadcast %select_n3A_1400 : i32 to vector<16xi32>
      %eq3A_1467 = arith.cmpi eq, %add3A_1465, %eq3A_1466 : vector<16xi32>
      %jit3A_1468 = arith.constant 0xFF800000 : f32
      %broadcast_in_dim3A_1469 = vector.broadcast %jit3A_1468 : f32 to vector<16xf32>
      %select_n3A_1470 = arith.select %eq3A_1467, %get3A_1462, %broadcast_in_dim3A_1469 : vector<16xi1>, vector<16xf32>
      %max3A = arith.maximumf %broadcast_in_dim3A_1460, %select_n3A_1470 : vector<16xf32>
      %get3A_1471 = arith.constant 16 : index
      %get3A_1472 = tpu.vector_load %arg9[%get3A_1471] {strides = array<i32>} : memref<64xf32, #tpu.memory_space<vmem>>, vector<16xf32>,
      %add3A_1473 = arith.constant 16 : i32
      %add3A_1474 = vector.broadcast %add3A_1473 : i32 to vector<16xi32>
      %add3A_1475 = arith.addi %iota3A, %add3A_1474 : vector<16xi32>
      %eq3A_1476 = vector.broadcast %select_n3A_1400 : i32 to vector<16xi32>
      %eq3A_1477 = arith.cmpi eq, %add3A_1475, %eq3A_1476 : vector<16xi32>
      %jit3A_1478 = arith.constant 0xFF800000 : f32
      %broadcast_in_dim3A_1479 = vector.broadcast %jit3A_1478 : f32 to vector<16xf32>
      %select_n3A_1480 = arith.select %eq3A_1477, %get3A_1472, %broadcast_in_dim3A_1479 : vector<16xi1>, vector<16xf32>
      %max3A_1481 = arith.maximumf %max3A, %select_n3A_1480 : vector<16xf32>
      %get3A_1482 = arith.constant 32 : index
      %get3A_1483 = tpu.vector_load %arg9[%get3A_1482] {strides = array<i32>} : memref<64xf32, #tpu.memory_space<vmem>>, vector<16xf32>,
      %add3A_1484 = arith.constant 32 : i32
      %add3A_1485 = vector.broadcast %add3A_1484 : i32 to vector<16xi32>
      %add3A_1486 = arith.addi %iota3A, %add3A_1485 : vector<16xi32>
      %eq3A_1487 = vector.broadcast %select_n3A_1400 : i32 to vector<16xi32>
      %eq3A_1488 = arith.cmpi eq, %add3A_1486, %eq3A_1487 : vector<16xi32>
      %jit3A_1489 = arith.constant 0xFF800000 : f32
      %broadcast_in_dim3A_1490 = vector.broadcast %jit3A_1489 : f32 to vector<16xf32>
      %select_n3A_1491 = arith.select %eq3A_1488, %get3A_1483, %broadcast_in_dim3A_1490 : vector<16xi1>, vector<16xf32>
      %max3A_1492 = arith.maximumf %max3A_1481, %select_n3A_1491 : vector<16xf32>
      %get3A_1493 = arith.constant 48 : index
      %get3A_1494 = tpu.vector_load %arg9[%get3A_1493] {strides = array<i32>} : memref<64xf32, #tpu.memory_space<vmem>>, vector<16xf32>,
      %add3A_1495 = arith.constant 48 : i32
      %add3A_1496 = vector.broadcast %add3A_1495 : i32 to vector<16xi32>
      %add3A_1497 = arith.addi %iota3A, %add3A_1496 : vector<16xi32>
      %eq3A_1498 = vector.broadcast %select_n3A_1400 : i32 to vector<16xi32>
      %eq3A_1499 = arith.cmpi eq, %add3A_1497, %eq3A_1498 : vector<16xi32>
      %jit3A_1500 = arith.constant 0xFF800000 : f32
      %broadcast_in_dim3A_1501 = vector.broadcast %jit3A_1500 : f32 to vector<16xf32>
      %select_n3A_1502 = arith.select %eq3A_1499, %get3A_1494, %broadcast_in_dim3A_1501 : vector<16xi1>, vector<16xf32>
      %max3A_1503 = arith.maximumf %max3A_1492, %select_n3A_1502 : vector<16xf32>
      %reduce_max3A_1504 = arith.constant true
      %reduce_max3A_1505 = vector.broadcast %reduce_max3A_1504 : i1 to vector<16xi1>
      %reduce_max3A_1506 = tpu.scan <max>, %max3A_1503 masked %reduce_max3A_1505 : vector<16xf32>, vector<16xi1> -> vector<16xf32>
      %reduce_max3A_1507 = vector.extract %reduce_max3A_1506[15] : f32 from vector<16xf32>
      %eq3A_1508 = arith.constant 12 : i32
      %eq3A_1509 = arith.cmpi eq, %select_n3A_1416, %eq3A_1508 : i32
      %broadcast_in_dim3A_1510 = arith.constant 0xFF800000 : f32
      %broadcast_in_dim3A_1511 = vector.broadcast %broadcast_in_dim3A_1510 : f32 to vector<16xf32>
      %broadcast_in_dim3A_1512 = arith.constant 0 : i32
      %broadcast_in_dim3A_1513 = vector.broadcast %broadcast_in_dim3A_1512 : i32 to vector<16xi32>
      %jit3A_1514 = arith.constant 2 : i32
      %eq3A_1515 = arith.constant 0 : i32
      %eq3A_1516 = arith.cmpi eq, %jit3A_1514, %eq3A_1515 : i32
      %jit3A_1517 = arith.constant 1 : i32
      %select_n3A_1518 = arith.select %eq3A_1516, %jit3A_1517, %jit3A_1514 : i32
      %rem3A_1519 = arith.remsi %add3A, %select_n3A_1518 : i32
      %ne3A_1520 = arith.constant 0 : i32
      %ne3A_1521 = arith.cmpi ne, %rem3A_1519, %ne3A_1520 : i32
      %lt3A_1522 = arith.constant 0 : i32
      %lt3A_1523 = arith.cmpi slt, %rem3A_1519, %lt3A_1522 : i32
      %lt3A_1524 = arith.constant 0 : i32
      %lt3A_1525 = arith.cmpi slt, %select_n3A_1518, %lt3A_1524 : i32
      %ne3A_1526 = arith.xori %lt3A_1523, %lt3A_1525 : i1
      %and3A_1527 = arith.andi %ne3A_1526, %ne3A_1521 : i1
      %add3A_1528 = arith.addi %rem3A_1519, %select_n3A_1518 : i32
      %select_n3A_1529 = arith.select %and3A_1527, %add3A_1528, %rem3A_1519 : i32
      %eq3A_1530 = arith.constant 1 : i32
      %eq3A_1531 = arith.cmpi eq, %select_n3A_1529, %eq3A_1530 : i32
      %and3A_1532 = arith.andi %eq3A_1509, %eq3A_1531 : i1
      %convert_element_type3A_1533 = arith.extui %and3A_1532 : i1 to i32
      %cond3A_1534 = arith.constant 0 : i32
      %cond3A_1535 = arith.cmpi ne, %convert_element_type3A_1533, %cond3A_1534 : i32
      %cond3A_1536:2 = scf.if %cond3A_1535 -> (vector<16xf32>, vector<16xi32>) {
        %mul3A_1540 = arith.constant 100000 : i32
        %mul3A_1541 = arith.muli %select_n3A_1400, %mul3A_1540 : i32
        %add3A_1542 = arith.constant 99968 : i32
        %add3A_1543 = arith.addi %mul3A_1541, %add3A_1542 : i32
        "tpu.region"() ({
          %run_scoped3A = tpu.sem_alloc : memref<!tpu.dma_semaphore, #tpu.memory_space<semaphore_mem>>
          %dma_start3A = arith.constant 0 : i32
          %dma_start3A_1704 = arith.constant 0 : i32
          %dma_start3A_1705 = tpu.memref_slice %arg10[%dma_start3A, %dma_start3A_1704] : memref<8x4096xf32, #tpu.memory_space<vmem>> -> memref<8x128xf32, #tpu.memory_space<vmem>>
          %dma_start3A_1706 = arith.constant 0 : i32
          %dma_start3A_1707 = tpu.memref_slice %arg5[%multiple_of3A, %dma_start3A_1706] : memref<64x128xf32, #tpu.memory_space<hbm>> -> memref<8x128xf32, #tpu.memory_space<hbm>>
          %dma_start3A_1708 = arith.constant 0 : i32
          %dma_start3A_1709 = arith.constant 0 : i32
          %dma_start3A_1710 = tpu.memref_slice %arg10[%dma_start3A_1708, %dma_start3A_1709] : memref<8x4096xf32, #tpu.memory_space<vmem>> -> memref<8x128xf32, #tpu.memory_space<vmem>>
          %dma_start3A_1711 = arith.constant 0 : i32
          %dma_start3A_1712 = tpu.memref_slice %arg5[%multiple_of3A, %dma_start3A_1711] : memref<64x128xf32, #tpu.memory_space<hbm>> -> memref<8x128xf32, #tpu.memory_space<hbm>>
          tpu.enqueue_dma source(%dma_start3A_1712 : memref<8x128xf32, #tpu.memory_space<hbm>>) target(%dma_start3A_1710 : memref<8x128xf32, #tpu.memory_space<vmem>>) target_semaphore(%run_scoped3A : memref<!tpu.dma_semaphore, #tpu.memory_space<semaphore_mem>>)
          %dma_wait3A = arith.constant 0 : i32
          %dma_wait3A_1713 = arith.constant 0 : i32
          %dma_wait3A_1714 = tpu.memref_slice %arg10[%dma_wait3A, %dma_wait3A_1713] : memref<8x4096xf32, #tpu.memory_space<vmem>> -> memref<8x128xf32, #tpu.memory_space<vmem>>
          %dma_wait3A_1715 = arith.constant 0 : i32
          %dma_wait3A_1716 = tpu.memref_slice %arg5[%multiple_of3A, %dma_wait3A_1715] : memref<64x128xf32, #tpu.memory_space<hbm>> -> memref<8x128xf32, #tpu.memory_space<hbm>>
          %dma_wait3A_1717 = arith.constant 0 : i32
          %dma_wait3A_1718 = arith.constant 0 : i32
          %dma_wait3A_1719 = tpu.memref_slice %arg10[%dma_wait3A_1717, %dma_wait3A_1718] : memref<8x4096xf32, #tpu.memory_space<vmem>> -> memref<8x128xf32, #tpu.memory_space<vmem>>
          %dma_wait3A_1720 = arith.constant 0 : i32
          %dma_wait3A_1721 = tpu.memref_slice %arg5[%multiple_of3A, %dma_wait3A_1720] : memref<64x128xf32, #tpu.memory_space<hbm>> -> memref<8x128xf32, #tpu.memory_space<hbm>>
          tpu.wait_dma2 semaphore(%run_scoped3A : memref<!tpu.dma_semaphore, #tpu.memory_space<semaphore_mem>>) src(%dma_wait3A_1721 : memref<8x128xf32, #tpu.memory_space<hbm>>) dst(%dma_wait3A_1719 : memref<8x128xf32, #tpu.memory_space<vmem>>)
          tpu.yield
        }) : () -> ()
        %get3A_1544 = arith.index_cast %select_n3A_1458 : i32 to index
        %get3A_1545 = arith.constant 0 : index
        %get3A_1546 = tpu.vector_load %arg10[%get3A_1544, %get3A_1545] {strides = array<i32>} : memref<8x4096xf32, #tpu.memory_space<vmem>>, vector<16xf32>,
        %add3A_1547 = vector.broadcast %reduce_max3A_1507 : f32 to vector<16xf32>
        %add3A_1548 = arith.addf %get3A_1546, %add3A_1547 : vector<16xf32>
        %add3A_1549 = arith.constant 0 : i32
        %add3A_1550 = arith.addi %add3A_1543, %add3A_1549 : i32
        %add3A_1551 = vector.broadcast %add3A_1550 : i32 to vector<16xi32>
        %add3A_1552 = arith.addi %add3A_1551, %iota3A : vector<16xi32>
        %masked_sort3A_1553 = arith.constant dense<true> : vector<16xi1>
        %masked_sort3A_1554, %masked_sort3A_1555, %masked_sort3A_1556 = tpu.sort %add3A_1548, %add3A_1552 masked %masked_sort3A_1553 {descending = true} : (vector<16xf32>, vector<16xi32>, vector<16xi1>) -> (vector<16xi1>, vector<16xf32>, vector<16xi32>)
        %gt3A_1557 = arith.cmpf ogt, %masked_sort3A_1555, %broadcast_in_dim3A_1511 : vector<16xf32>
        %select_n3A_1558 = arith.select %gt3A_1557, %masked_sort3A_1555, %broadcast_in_dim3A_1511 : vector<16xi1>, vector<16xf32>
        %select_n3A_1559 = arith.select %gt3A_1557, %masked_sort3A_1556, %broadcast_in_dim3A_1513 : vector<16xi1>, vector<16xi32>
        %masked_sort3A_1560 = arith.constant dense<true> : vector<16xi1>
        %masked_sort3A_1561, %masked_sort3A_1562, %masked_sort3A_1563 = tpu.sort %select_n3A_1558, %select_n3A_1559 masked %masked_sort3A_1560 : (vector<16xf32>, vector<16xi32>, vector<16xi1>) -> (vector<16xi1>, vector<16xf32>, vector<16xi32>)
        %get3A_1564 = arith.index_cast %select_n3A_1458 : i32 to index
        %get3A_1565 = arith.constant 16 : index
        %get3A_1566 = tpu.vector_load %arg10[%get3A_1564, %get3A_1565] {strides = array<i32>} : memref<8x4096xf32, #tpu.memory_space<vmem>>, vector<16xf32>,
        %add3A_1567 = vector.broadcast %reduce_max3A_1507 : f32 to vector<16xf32>
        %add3A_1568 = arith.addf %get3A_1566, %add3A_1567 : vector<16xf32>
        %add3A_1569 = arith.constant 16 : i32
        %add3A_1570 = arith.addi %add3A_1543, %add3A_1569 : i32
        %add3A_1571 = vector.broadcast %add3A_1570 : i32 to vector<16xi32>
        %add3A_1572 = arith.addi %add3A_1571, %iota3A : vector<16xi32>
        %masked_sort3A_1573 = arith.constant dense<true> : vector<16xi1>
        %masked_sort3A_1574, %masked_sort3A_1575, %masked_sort3A_1576 = tpu.sort %add3A_1568, %add3A_1572 masked %masked_sort3A_1573 {descending = true} : (vector<16xf32>, vector<16xi32>, vector<16xi1>) -> (vector<16xi1>, vector<16xf32>, vector<16xi32>)
        %gt3A_1577 = arith.cmpf ogt, %masked_sort3A_1575, %masked_sort3A_1562 : vector<16xf32>
        %select_n3A_1578 = arith.select %gt3A_1577, %masked_sort3A_1575, %masked_sort3A_1562 : vector<16xi1>, vector<16xf32>
        %select_n3A_1579 = arith.select %gt3A_1577, %masked_sort3A_1576, %masked_sort3A_1563 : vector<16xi1>, vector<16xi32>
        %masked_sort3A_1580 = arith.constant dense<true> : vector<16xi1>
        %masked_sort3A_1581, %masked_sort3A_1582, %masked_sort3A_1583 = tpu.sort %select_n3A_1578, %select_n3A_1579 masked %masked_sort3A_1580 : (vector<16xf32>, vector<16xi32>, vector<16xi1>) -> (vector<16xi1>, vector<16xf32>, vector<16xi32>)
        %get3A_1584 = arith.index_cast %select_n3A_1458 : i32 to index
        %get3A_1585 = arith.constant 32 : index
        %get3A_1586 = tpu.vector_load %arg10[%get3A_1584, %get3A_1585] {strides = array<i32>} : memref<8x4096xf32, #tpu.memory_space<vmem>>, vector<16xf32>,
        %add3A_1587 = vector.broadcast %reduce_max3A_1507 : f32 to vector<16xf32>
        %add3A_1588 = arith.addf %get3A_1586, %add3A_1587 : vector<16xf32>
        %add3A_1589 = arith.constant 32 : i32
        %add3A_1590 = arith.addi %add3A_1543, %add3A_1589 : i32
        %add3A_1591 = vector.broadcast %add3A_1590 : i32 to vector<16xi32>
        %add3A_1592 = arith.addi %add3A_1591, %iota3A : vector<16xi32>
        %masked_sort3A_1593 = arith.constant dense<true> : vector<16xi1>
        %masked_sort3A_1594, %masked_sort3A_1595, %masked_sort3A_1596 = tpu.sort %add3A_1588, %add3A_1592 masked %masked_sort3A_1593 {descending = true} : (vector<16xf32>, vector<16xi32>, vector<16xi1>) -> (vector<16xi1>, vector<16xf32>, vector<16xi32>)
        %gt3A_1597 = arith.cmpf ogt, %masked_sort3A_1595, %masked_sort3A_1582 : vector<16xf32>
        %select_n3A_1598 = arith.select %gt3A_1597, %masked_sort3A_1595, %masked_sort3A_1582 : vector<16xi1>, vector<16xf32>
        %select_n3A_1599 = arith.select %gt3A_1597, %masked_sort3A_1596, %masked_sort3A_1583 : vector<16xi1>, vector<16xi32>
        %masked_sort3A_1600 = arith.constant dense<true> : vector<16xi1>
        %masked_sort3A_1601, %masked_sort3A_1602, %masked_sort3A_1603 = tpu.sort %select_n3A_1598, %select_n3A_1599 masked %masked_sort3A_1600 : (vector<16xf32>, vector<16xi32>, vector<16xi1>) -> (vector<16xi1>, vector<16xf32>, vector<16xi32>)
        %get3A_1604 = arith.index_cast %select_n3A_1458 : i32 to index
        %get3A_1605 = arith.constant 48 : index
        %get3A_1606 = tpu.vector_load %arg10[%get3A_1604, %get3A_1605] {strides = array<i32>} : memref<8x4096xf32, #tpu.memory_space<vmem>>, vector<16xf32>,
        %add3A_1607 = vector.broadcast %reduce_max3A_1507 : f32 to vector<16xf32>
        %add3A_1608 = arith.addf %get3A_1606, %add3A_1607 : vector<16xf32>
        %add3A_1609 = arith.constant 48 : i32
        %add3A_1610 = arith.addi %add3A_1543, %add3A_1609 : i32
        %add3A_1611 = vector.broadcast %add3A_1610 : i32 to vector<16xi32>
        %add3A_1612 = arith.addi %add3A_1611, %iota3A : vector<16xi32>
        %masked_sort3A_1613 = arith.constant dense<true> : vector<16xi1>
        %masked_sort3A_1614, %masked_sort3A_1615, %masked_sort3A_1616 = tpu.sort %add3A_1608, %add3A_1612 masked %masked_sort3A_1613 {descending = true} : (vector<16xf32>, vector<16xi32>, vector<16xi1>) -> (vector<16xi1>, vector<16xf32>, vector<16xi32>)
        %gt3A_1617 = arith.cmpf ogt, %masked_sort3A_1615, %masked_sort3A_1602 : vector<16xf32>
        %select_n3A_1618 = arith.select %gt3A_1617, %masked_sort3A_1615, %masked_sort3A_1602 : vector<16xi1>, vector<16xf32>
        %select_n3A_1619 = arith.select %gt3A_1617, %masked_sort3A_1616, %masked_sort3A_1603 : vector<16xi1>, vector<16xi32>
        %masked_sort3A_1620 = arith.constant dense<true> : vector<16xi1>
        %masked_sort3A_1621, %masked_sort3A_1622, %masked_sort3A_1623 = tpu.sort %select_n3A_1618, %select_n3A_1619 masked %masked_sort3A_1620 : (vector<16xf32>, vector<16xi32>, vector<16xi1>) -> (vector<16xi1>, vector<16xf32>, vector<16xi32>)
        %get3A_1624 = arith.index_cast %select_n3A_1458 : i32 to index
        %get3A_1625 = arith.constant 64 : index
        %get3A_1626 = tpu.vector_load %arg10[%get3A_1624, %get3A_1625] {strides = array<i32>} : memref<8x4096xf32, #tpu.memory_space<vmem>>, vector<16xf32>,
        %add3A_1627 = vector.broadcast %reduce_max3A_1507 : f32 to vector<16xf32>
        %add3A_1628 = arith.addf %get3A_1626, %add3A_1627 : vector<16xf32>
        %add3A_1629 = arith.constant 64 : i32
        %add3A_1630 = arith.addi %add3A_1543, %add3A_1629 : i32
        %add3A_1631 = vector.broadcast %add3A_1630 : i32 to vector<16xi32>
        %add3A_1632 = arith.addi %add3A_1631, %iota3A : vector<16xi32>
        %masked_sort3A_1633 = arith.constant dense<true> : vector<16xi1>
        %masked_sort3A_1634, %masked_sort3A_1635, %masked_sort3A_1636 = tpu.sort %add3A_1628, %add3A_1632 masked %masked_sort3A_1633 {descending = true} : (vector<16xf32>, vector<16xi32>, vector<16xi1>) -> (vector<16xi1>, vector<16xf32>, vector<16xi32>)
        %gt3A_1637 = arith.cmpf ogt, %masked_sort3A_1635, %masked_sort3A_1622 : vector<16xf32>
        %select_n3A_1638 = arith.select %gt3A_1637, %masked_sort3A_1635, %masked_sort3A_1622 : vector<16xi1>, vector<16xf32>
        %select_n3A_1639 = arith.select %gt3A_1637, %masked_sort3A_1636, %masked_sort3A_1623 : vector<16xi1>, vector<16xi32>
        %masked_sort3A_1640 = arith.constant dense<true> : vector<16xi1>
        %masked_sort3A_1641, %masked_sort3A_1642, %masked_sort3A_1643 = tpu.sort %select_n3A_1638, %select_n3A_1639 masked %masked_sort3A_1640 : (vector<16xf32>, vector<16xi32>, vector<16xi1>) -> (vector<16xi1>, vector<16xf32>, vector<16xi32>)
        %get3A_1644 = arith.index_cast %select_n3A_1458 : i32 to index
        %get3A_1645 = arith.constant 80 : index
        %get3A_1646 = tpu.vector_load %arg10[%get3A_1644, %get3A_1645] {strides = array<i32>} : memref<8x4096xf32, #tpu.memory_space<vmem>>, vector<16xf32>,
        %add3A_1647 = vector.broadcast %reduce_max3A_1507 : f32 to vector<16xf32>
        %add3A_1648 = arith.addf %get3A_1646, %add3A_1647 : vector<16xf32>
        %add3A_1649 = arith.constant 80 : i32
        %add3A_1650 = arith.addi %add3A_1543, %add3A_1649 : i32
        %add3A_1651 = vector.broadcast %add3A_1650 : i32 to vector<16xi32>
        %add3A_1652 = arith.addi %add3A_1651, %iota3A : vector<16xi32>
        %masked_sort3A_1653 = arith.constant dense<true> : vector<16xi1>
        %masked_sort3A_1654, %masked_sort3A_1655, %masked_sort3A_1656 = tpu.sort %add3A_1648, %add3A_1652 masked %masked_sort3A_1653 {descending = true} : (vector<16xf32>, vector<16xi32>, vector<16xi1>) -> (vector<16xi1>, vector<16xf32>, vector<16xi32>)
        %gt3A_1657 = arith.cmpf ogt, %masked_sort3A_1655, %masked_sort3A_1642 : vector<16xf32>
        %select_n3A_1658 = arith.select %gt3A_1657, %masked_sort3A_1655, %masked_sort3A_1642 : vector<16xi1>, vector<16xf32>
        %select_n3A_1659 = arith.select %gt3A_1657, %masked_sort3A_1656, %masked_sort3A_1643 : vector<16xi1>, vector<16xi32>
        %masked_sort3A_1660 = arith.constant dense<true> : vector<16xi1>
        %masked_sort3A_1661, %masked_sort3A_1662, %masked_sort3A_1663 = tpu.sort %select_n3A_1658, %select_n3A_1659 masked %masked_sort3A_1660 : (vector<16xf32>, vector<16xi32>, vector<16xi1>) -> (vector<16xi1>, vector<16xf32>, vector<16xi32>)
        %get3A_1664 = arith.index_cast %select_n3A_1458 : i32 to index
        %get3A_1665 = arith.constant 96 : index
        %get3A_1666 = tpu.vector_load %arg10[%get3A_1664, %get3A_1665] {strides = array<i32>} : memref<8x4096xf32, #tpu.memory_space<vmem>>, vector<16xf32>,
        %add3A_1667 = vector.broadcast %reduce_max3A_1507 : f32 to vector<16xf32>
        %add3A_1668 = arith.addf %get3A_1666, %add3A_1667 : vector<16xf32>
        %add3A_1669 = arith.constant 96 : i32
        %add3A_1670 = arith.addi %add3A_1543, %add3A_1669 : i32
        %add3A_1671 = vector.broadcast %add3A_1670 : i32 to vector<16xi32>
        %add3A_1672 = arith.addi %add3A_1671, %iota3A : vector<16xi32>
        %masked_sort3A_1673 = arith.constant dense<true> : vector<16xi1>
        %masked_sort3A_1674, %masked_sort3A_1675, %masked_sort3A_1676 = tpu.sort %add3A_1668, %add3A_1672 masked %masked_sort3A_1673 {descending = true} : (vector<16xf32>, vector<16xi32>, vector<16xi1>) -> (vector<16xi1>, vector<16xf32>, vector<16xi32>)
        %gt3A_1677 = arith.cmpf ogt, %masked_sort3A_1675, %masked_sort3A_1662 : vector<16xf32>
        %select_n3A_1678 = arith.select %gt3A_1677, %masked_sort3A_1675, %masked_sort3A_1662 : vector<16xi1>, vector<16xf32>
        %select_n3A_1679 = arith.select %gt3A_1677, %masked_sort3A_1676, %masked_sort3A_1663 : vector<16xi1>, vector<16xi32>
        %masked_sort3A_1680 = arith.constant dense<true> : vector<16xi1>
        %masked_sort3A_1681, %masked_sort3A_1682, %masked_sort3A_1683 = tpu.sort %select_n3A_1678, %select_n3A_1679 masked %masked_sort3A_1680 : (vector<16xf32>, vector<16xi32>, vector<16xi1>) -> (vector<16xi1>, vector<16xf32>, vector<16xi32>)
        %get3A_1684 = arith.index_cast %select_n3A_1458 : i32 to index
        %get3A_1685 = arith.constant 112 : index
        %get3A_1686 = tpu.vector_load %arg10[%get3A_1684, %get3A_1685] {strides = array<i32>} : memref<8x4096xf32, #tpu.memory_space<vmem>>, vector<16xf32>,
        %add3A_1687 = vector.broadcast %reduce_max3A_1507 : f32 to vector<16xf32>
        %add3A_1688 = arith.addf %get3A_1686, %add3A_1687 : vector<16xf32>
        %add3A_1689 = arith.constant 112 : i32
        %add3A_1690 = arith.addi %add3A_1543, %add3A_1689 : i32
        %add3A_1691 = vector.broadcast %add3A_1690 : i32 to vector<16xi32>
        %add3A_1692 = arith.addi %add3A_1691, %iota3A : vector<16xi32>
        %masked_sort3A_1693 = arith.constant dense<true> : vector<16xi1>
        %masked_sort3A_1694, %masked_sort3A_1695, %masked_sort3A_1696 = tpu.sort %add3A_1688, %add3A_1692 masked %masked_sort3A_1693 {descending = true} : (vector<16xf32>, vector<16xi32>, vector<16xi1>) -> (vector<16xi1>, vector<16xf32>, vector<16xi32>)
        %gt3A_1697 = arith.cmpf ogt, %masked_sort3A_1695, %masked_sort3A_1682 : vector<16xf32>
        %select_n3A_1698 = arith.select %gt3A_1697, %masked_sort3A_1695, %masked_sort3A_1682 : vector<16xi1>, vector<16xf32>
        %select_n3A_1699 = arith.select %gt3A_1697, %masked_sort3A_1696, %masked_sort3A_1683 : vector<16xi1>, vector<16xi32>
        %masked_sort3A_1700 = arith.constant dense<true> : vector<16xi1>
        %masked_sort3A_1701, %masked_sort3A_1702, %masked_sort3A_1703 = tpu.sort %select_n3A_1698, %select_n3A_1699 masked %masked_sort3A_1700 : (vector<16xf32>, vector<16xi32>, vector<16xi1>) -> (vector<16xi1>, vector<16xf32>, vector<16xi32>)
        scf.yield %masked_sort3A_1702, %masked_sort3A_1703 : vector<16xf32>, vector<16xi32>
      } else {
        %mul3A_1540 = arith.constant 8192 : i32
        %mul3A_1541 = arith.muli %select_n3A_1416, %mul3A_1540 : i32
        %jit3A_1542 = arith.constant 2 : i32
        %eq3A_1543 = arith.constant 0 : i32
        %eq3A_1544 = arith.cmpi eq, %jit3A_1542, %eq3A_1543 : i32
        %jit3A_1545 = arith.constant 1 : i32
        %select_n3A_1546 = arith.select %eq3A_1544, %jit3A_1545, %jit3A_1542 : i32
        %rem3A_1547 = arith.remsi %add3A, %select_n3A_1546 : i32
        %ne3A_1548 = arith.constant 0 : i32
        %ne3A_1549 = arith.cmpi ne, %rem3A_1547, %ne3A_1548 : i32
        %lt3A_1550 = arith.constant 0 : i32
        %lt3A_1551 = arith.cmpi slt, %rem3A_1547, %lt3A_1550 : i32
        %lt3A_1552 = arith.constant 0 : i32
        %lt3A_1553 = arith.cmpi slt, %select_n3A_1546, %lt3A_1552 : i32
        %ne3A_1554 = arith.xori %lt3A_1551, %lt3A_1553 : i1
        %and3A_1555 = arith.andi %ne3A_1554, %ne3A_1549 : i1
        %add3A_1556 = arith.addi %rem3A_1547, %select_n3A_1546 : i32
        %select_n3A_1557 = arith.select %and3A_1555, %add3A_1556, %rem3A_1547 : i32
        %mul3A_1558 = arith.constant 4096 : i32
        %mul3A_1559 = arith.muli %select_n3A_1557, %mul3A_1558 : i32
        %add3A_1560 = arith.addi %mul3A_1541, %mul3A_1559 : i32
        %jit3A_1561 = arith.constant 95872 : i32
        %select_n3A_1562 = arith.select %eq3A_1509, %jit3A_1561, %add3A_1560 : i32
        %multiple_of3A_1563 = tpu.assume_multiple %select_n3A_1562, 128 : i32
        %mul3A_1564 = arith.constant 100000 : i32
        %mul3A_1565 = arith.muli %select_n3A_1400, %mul3A_1564 : i32
        %add3A_1566 = arith.addi %mul3A_1565, %multiple_of3A_1563 : i32
        "tpu.region"() ({
          %run_scoped3A = tpu.sem_alloc : memref<!tpu.dma_semaphore, #tpu.memory_space<semaphore_mem>>
          %dma_start3A = tpu.memref_slice %arg2[%multiple_of3A, %multiple_of3A_1563] : memref<64x100000xf32, #tpu.memory_space<hbm>> -> memref<8x4096xf32, #tpu.memory_space<hbm>>
          %dma_start3A_1572 = tpu.memref_slice %arg2[%multiple_of3A, %multiple_of3A_1563] : memref<64x100000xf32, #tpu.memory_space<hbm>> -> memref<8x4096xf32, #tpu.memory_space<hbm>>
          tpu.enqueue_dma source(%dma_start3A_1572 : memref<8x4096xf32, #tpu.memory_space<hbm>>) target(%arg10 : memref<8x4096xf32, #tpu.memory_space<vmem>>) target_semaphore(%run_scoped3A : memref<!tpu.dma_semaphore, #tpu.memory_space<semaphore_mem>>)
          %dma_wait3A = tpu.memref_slice %arg2[%multiple_of3A, %multiple_of3A_1563] : memref<64x100000xf32, #tpu.memory_space<hbm>> -> memref<8x4096xf32, #tpu.memory_space<hbm>>
          %dma_wait3A_1573 = tpu.memref_slice %arg2[%multiple_of3A, %multiple_of3A_1563] : memref<64x100000xf32, #tpu.memory_space<hbm>> -> memref<8x4096xf32, #tpu.memory_space<hbm>>
          tpu.wait_dma2 semaphore(%run_scoped3A : memref<!tpu.dma_semaphore, #tpu.memory_space<semaphore_mem>>) src(%dma_wait3A_1573 : memref<8x4096xf32, #tpu.memory_space<hbm>>) dst(%arg10 : memref<8x4096xf32, #tpu.memory_space<vmem>>)
          tpu.yield
        }) : () -> ()
        %scan3A = arith.constant 0 : i32
        %scan3A_1567 = arith.constant 16 : i32
        %scan3A_1568 = arith.addi %scan3A, %scan3A_1567 : i32
        %scan3A_1569 = arith.constant 1 : i32
        %scan3A_1570:2 = scf.for %scan3A_1572 = %scan3A to %scan3A_1568 step %scan3A_1569 iter_args(%scan3A_1573 = %broadcast_in_dim3A_1511, %scan3A_1574 = %broadcast_in_dim3A_1513) -> (vector<16xf32>, vector<16xi32>)  : i32 {
          %mul3A_1575 = arith.constant 256 : i32
          %mul3A_1576 = arith.muli %scan3A_1572, %mul3A_1575 : i32
          %get3A_1577 = arith.index_cast %select_n3A_1458 : i32 to index
          %get3A_1578 = arith.index_cast %mul3A_1576 : i32 to index
          %get3A_1579 = tpu.vector_load %arg10[%get3A_1577, %get3A_1578] {strides = array<i32>} : memref<8x4096xf32, #tpu.memory_space<vmem>>, vector<16xf32>,
          %add3A_1580 = arith.constant 16 : i32
          %add3A_1581 = arith.addi %mul3A_1576, %add3A_1580 : i32
          %get3A_1582 = arith.index_cast %select_n3A_1458 : i32 to index
          %get3A_1583 = arith.index_cast %add3A_1581 : i32 to index
          %get3A_1584 = tpu.vector_load %arg10[%get3A_1582, %get3A_1583] {strides = array<i32>} : memref<8x4096xf32, #tpu.memory_space<vmem>>, vector<16xf32>,
          %max3A_1585 = arith.maximumf %get3A_1579, %get3A_1584 : vector<16xf32>
          %add3A_1586 = arith.constant 32 : i32
          %add3A_1587 = arith.addi %mul3A_1576, %add3A_1586 : i32
          %get3A_1588 = arith.index_cast %select_n3A_1458 : i32 to index
          %get3A_1589 = arith.index_cast %add3A_1587 : i32 to index
          %get3A_1590 = tpu.vector_load %arg10[%get3A_1588, %get3A_1589] {strides = array<i32>} : memref<8x4096xf32, #tpu.memory_space<vmem>>, vector<16xf32>,
          %max3A_1591 = arith.maximumf %max3A_1585, %get3A_1590 : vector<16xf32>
          %add3A_1592 = arith.constant 48 : i32
          %add3A_1593 = arith.addi %mul3A_1576, %add3A_1592 : i32
          %get3A_1594 = arith.index_cast %select_n3A_1458 : i32 to index
          %get3A_1595 = arith.index_cast %add3A_1593 : i32 to index
          %get3A_1596 = tpu.vector_load %arg10[%get3A_1594, %get3A_1595] {strides = array<i32>} : memref<8x4096xf32, #tpu.memory_space<vmem>>, vector<16xf32>,
          %max3A_1597 = arith.maximumf %max3A_1591, %get3A_1596 : vector<16xf32>
          %add3A_1598 = arith.constant 64 : i32
          %add3A_1599 = arith.addi %mul3A_1576, %add3A_1598 : i32
          %get3A_1600 = arith.index_cast %select_n3A_1458 : i32 to index
          %get3A_1601 = arith.index_cast %add3A_1599 : i32 to index
          %get3A_1602 = tpu.vector_load %arg10[%get3A_1600, %get3A_1601] {strides = array<i32>} : memref<8x4096xf32, #tpu.memory_space<vmem>>, vector<16xf32>,
          %max3A_1603 = arith.maximumf %max3A_1597, %get3A_1602 : vector<16xf32>
          %add3A_1604 = arith.constant 80 : i32
          %add3A_1605 = arith.addi %mul3A_1576, %add3A_1604 : i32
          %get3A_1606 = arith.index_cast %select_n3A_1458 : i32 to index
          %get3A_1607 = arith.index_cast %add3A_1605 : i32 to index
          %get3A_1608 = tpu.vector_load %arg10[%get3A_1606, %get3A_1607] {strides = array<i32>} : memref<8x4096xf32, #tpu.memory_space<vmem>>, vector<16xf32>,
          %max3A_1609 = arith.maximumf %max3A_1603, %get3A_1608 : vector<16xf32>
          %add3A_1610 = arith.constant 96 : i32
          %add3A_1611 = arith.addi %mul3A_1576, %add3A_1610 : i32
          %get3A_1612 = arith.index_cast %select_n3A_1458 : i32 to index
          %get3A_1613 = arith.index_cast %add3A_1611 : i32 to index
          %get3A_1614 = tpu.vector_load %arg10[%get3A_1612, %get3A_1613] {strides = array<i32>} : memref<8x4096xf32, #tpu.memory_space<vmem>>, vector<16xf32>,
          %max3A_1615 = arith.maximumf %max3A_1609, %get3A_1614 : vector<16xf32>
          %add3A_1616 = arith.constant 112 : i32
          %add3A_1617 = arith.addi %mul3A_1576, %add3A_1616 : i32
          %get3A_1618 = arith.index_cast %select_n3A_1458 : i32 to index
          %get3A_1619 = arith.index_cast %add3A_1617 : i32 to index
          %get3A_1620 = tpu.vector_load %arg10[%get3A_1618, %get3A_1619] {strides = array<i32>} : memref<8x4096xf32, #tpu.memory_space<vmem>>, vector<16xf32>,
          %max3A_1621 = arith.maximumf %max3A_1615, %get3A_1620 : vector<16xf32>
          %add3A_1622 = arith.constant 128 : i32
          %add3A_1623 = arith.addi %mul3A_1576, %add3A_1622 : i32
          %get3A_1624 = arith.index_cast %select_n3A_1458 : i32 to index
          %get3A_1625 = arith.index_cast %add3A_1623 : i32 to index
          %get3A_1626 = tpu.vector_load %arg10[%get3A_1624, %get3A_1625] {strides = array<i32>} : memref<8x4096xf32, #tpu.memory_space<vmem>>, vector<16xf32>,
          %max3A_1627 = arith.maximumf %max3A_1621, %get3A_1626 : vector<16xf32>
          %add3A_1628 = arith.constant 144 : i32
          %add3A_1629 = arith.addi %mul3A_1576, %add3A_1628 : i32
          %get3A_1630 = arith.index_cast %select_n3A_1458 : i32 to index
          %get3A_1631 = arith.index_cast %add3A_1629 : i32 to index
          %get3A_1632 = tpu.vector_load %arg10[%get3A_1630, %get3A_1631] {strides = array<i32>} : memref<8x4096xf32, #tpu.memory_space<vmem>>, vector<16xf32>,
          %max3A_1633 = arith.maximumf %max3A_1627, %get3A_1632 : vector<16xf32>
          %add3A_1634 = arith.constant 160 : i32
          %add3A_1635 = arith.addi %mul3A_1576, %add3A_1634 : i32
          %get3A_1636 = arith.index_cast %select_n3A_1458 : i32 to index
          %get3A_1637 = arith.index_cast %add3A_1635 : i32 to index
          %get3A_1638 = tpu.vector_load %arg10[%get3A_1636, %get3A_1637] {strides = array<i32>} : memref<8x4096xf32, #tpu.memory_space<vmem>>, vector<16xf32>,
          %max3A_1639 = arith.maximumf %max3A_1633, %get3A_1638 : vector<16xf32>
          %add3A_1640 = arith.constant 176 : i32
          %add3A_1641 = arith.addi %mul3A_1576, %add3A_1640 : i32
          %get3A_1642 = arith.index_cast %select_n3A_1458 : i32 to index
          %get3A_1643 = arith.index_cast %add3A_1641 : i32 to index
          %get3A_1644 = tpu.vector_load %arg10[%get3A_1642, %get3A_1643] {strides = array<i32>} : memref<8x4096xf32, #tpu.memory_space<vmem>>, vector<16xf32>,
          %max3A_1645 = arith.maximumf %max3A_1639, %get3A_1644 : vector<16xf32>
          %add3A_1646 = arith.constant 192 : i32
          %add3A_1647 = arith.addi %mul3A_1576, %add3A_1646 : i32
          %get3A_1648 = arith.index_cast %select_n3A_1458 : i32 to index
          %get3A_1649 = arith.index_cast %add3A_1647 : i32 to index
          %get3A_1650 = tpu.vector_load %arg10[%get3A_1648, %get3A_1649] {strides = array<i32>} : memref<8x4096xf32, #tpu.memory_space<vmem>>, vector<16xf32>,
          %max3A_1651 = arith.maximumf %max3A_1645, %get3A_1650 : vector<16xf32>
          %add3A_1652 = arith.constant 208 : i32
          %add3A_1653 = arith.addi %mul3A_1576, %add3A_1652 : i32
          %get3A_1654 = arith.index_cast %select_n3A_1458 : i32 to index
          %get3A_1655 = arith.index_cast %add3A_1653 : i32 to index
          %get3A_1656 = tpu.vector_load %arg10[%get3A_1654, %get3A_1655] {strides = array<i32>} : memref<8x4096xf32, #tpu.memory_space<vmem>>, vector<16xf32>,
          %max3A_1657 = arith.maximumf %max3A_1651, %get3A_1656 : vector<16xf32>
          %add3A_1658 = arith.constant 224 : i32
          %add3A_1659 = arith.addi %mul3A_1576, %add3A_1658 : i32
          %get3A_1660 = arith.index_cast %select_n3A_1458 : i32 to index
          %get3A_1661 = arith.index_cast %add3A_1659 : i32 to index
          %get3A_1662 = tpu.vector_load %arg10[%get3A_1660, %get3A_1661] {strides = array<i32>} : memref<8x4096xf32, #tpu.memory_space<vmem>>, vector<16xf32>,
          %max3A_1663 = arith.maximumf %max3A_1657, %get3A_1662 : vector<16xf32>
          %add3A_1664 = arith.constant 240 : i32
          %add3A_1665 = arith.addi %mul3A_1576, %add3A_1664 : i32
          %get3A_1666 = arith.index_cast %select_n3A_1458 : i32 to index
          %get3A_1667 = arith.index_cast %add3A_1665 : i32 to index
          %get3A_1668 = tpu.vector_load %arg10[%get3A_1666, %get3A_1667] {strides = array<i32>} : memref<8x4096xf32, #tpu.memory_space<vmem>>, vector<16xf32>,
          %max3A_1669 = arith.maximumf %max3A_1663, %get3A_1668 : vector<16xf32>
          %reduce_max3A_1670 = arith.constant true
          %reduce_max3A_1671 = vector.broadcast %reduce_max3A_1670 : i1 to vector<16xi1>
          %reduce_max3A_1672 = tpu.scan <max>, %max3A_1669 masked %reduce_max3A_1671 : vector<16xf32>, vector<16xi1> -> vector<16xf32>
          %reduce_max3A_1673 = vector.extract %reduce_max3A_1672[15] : f32 from vector<16xf32>
          %add3A_1674 = arith.addf %reduce_max3A_1673, %reduce_max3A_1507 : f32
          %ge3A = arith.cmpf oge, %add3A_1674, %reduce_max3A_1354 : f32
          %convert_element_type3A_1675 = arith.extui %ge3A : i1 to i32
          %cond3A_1676 = arith.constant 0 : i32
          %cond3A_1677 = arith.cmpi ne, %convert_element_type3A_1675, %cond3A_1676 : i32
          %cond3A_1678:2 = scf.if %cond3A_1677 -> (vector<16xf32>, vector<16xi32>) {
            %add3A_1679 = arith.constant 0 : i32
            %add3A_1680 = arith.addi %mul3A_1576, %add3A_1679 : i32
            %get3A_1681 = arith.index_cast %select_n3A_1458 : i32 to index
            %get3A_1682 = arith.index_cast %add3A_1680 : i32 to index
            %get3A_1683 = tpu.vector_load %arg10[%get3A_1681, %get3A_1682] {strides = array<i32>} : memref<8x4096xf32, #tpu.memory_space<vmem>>, vector<16xf32>,
            %add3A_1684 = vector.broadcast %reduce_max3A_1507 : f32 to vector<16xf32>
            %add3A_1685 = arith.addf %get3A_1683, %add3A_1684 : vector<16xf32>
            %add3A_1686 = arith.addi %add3A_1566, %mul3A_1576 : i32
            %add3A_1687 = arith.constant 0 : i32
            %add3A_1688 = arith.addi %add3A_1686, %add3A_1687 : i32
            %add3A_1689 = vector.broadcast %add3A_1688 : i32 to vector<16xi32>
            %add3A_1690 = arith.addi %add3A_1689, %iota3A : vector<16xi32>
            %masked_sort3A_1691 = arith.constant dense<true> : vector<16xi1>
            %masked_sort3A_1692, %masked_sort3A_1693, %masked_sort3A_1694 = tpu.sort %add3A_1685, %add3A_1690 masked %masked_sort3A_1691 {descending = true} : (vector<16xf32>, vector<16xi32>, vector<16xi1>) -> (vector<16xi1>, vector<16xf32>, vector<16xi32>)
            %gt3A_1695 = arith.cmpf ogt, %masked_sort3A_1693, %scan3A_1573 : vector<16xf32>
            %select_n3A_1696 = arith.select %gt3A_1695, %masked_sort3A_1693, %scan3A_1573 : vector<16xi1>, vector<16xf32>
            %select_n3A_1697 = arith.select %gt3A_1695, %masked_sort3A_1694, %scan3A_1574 : vector<16xi1>, vector<16xi32>
            %masked_sort3A_1698 = arith.constant dense<true> : vector<16xi1>
            %masked_sort3A_1699, %masked_sort3A_1700, %masked_sort3A_1701 = tpu.sort %select_n3A_1696, %select_n3A_1697 masked %masked_sort3A_1698 : (vector<16xf32>, vector<16xi32>, vector<16xi1>) -> (vector<16xi1>, vector<16xf32>, vector<16xi32>)
            %add3A_1702 = arith.constant 16 : i32
            %add3A_1703 = arith.addi %mul3A_1576, %add3A_1702 : i32
            %get3A_1704 = arith.index_cast %select_n3A_1458 : i32 to index
            %get3A_1705 = arith.index_cast %add3A_1703 : i32 to index
            %get3A_1706 = tpu.vector_load %arg10[%get3A_1704, %get3A_1705] {strides = array<i32>} : memref<8x4096xf32, #tpu.memory_space<vmem>>, vector<16xf32>,
            %add3A_1707 = vector.broadcast %reduce_max3A_1507 : f32 to vector<16xf32>
            %add3A_1708 = arith.addf %get3A_1706, %add3A_1707 : vector<16xf32>
            %add3A_1709 = arith.addi %add3A_1566, %mul3A_1576 : i32
            %add3A_1710 = arith.constant 16 : i32
            %add3A_1711 = arith.addi %add3A_1709, %add3A_1710 : i32
            %add3A_1712 = vector.broadcast %add3A_1711 : i32 to vector<16xi32>
            %add3A_1713 = arith.addi %add3A_1712, %iota3A : vector<16xi32>
            %masked_sort3A_1714 = arith.constant dense<true> : vector<16xi1>
            %masked_sort3A_1715, %masked_sort3A_1716, %masked_sort3A_1717 = tpu.sort %add3A_1708, %add3A_1713 masked %masked_sort3A_1714 {descending = true} : (vector<16xf32>, vector<16xi32>, vector<16xi1>) -> (vector<16xi1>, vector<16xf32>, vector<16xi32>)
            %gt3A_1718 = arith.cmpf ogt, %masked_sort3A_1716, %masked_sort3A_1700 : vector<16xf32>
            %select_n3A_1719 = arith.select %gt3A_1718, %masked_sort3A_1716, %masked_sort3A_1700 : vector<16xi1>, vector<16xf32>
            %select_n3A_1720 = arith.select %gt3A_1718, %masked_sort3A_1717, %masked_sort3A_1701 : vector<16xi1>, vector<16xi32>
            %masked_sort3A_1721 = arith.constant dense<true> : vector<16xi1>
            %masked_sort3A_1722, %masked_sort3A_1723, %masked_sort3A_1724 = tpu.sort %select_n3A_1719, %select_n3A_1720 masked %masked_sort3A_1721 : (vector<16xf32>, vector<16xi32>, vector<16xi1>) -> (vector<16xi1>, vector<16xf32>, vector<16xi32>)
            %add3A_1725 = arith.constant 32 : i32
            %add3A_1726 = arith.addi %mul3A_1576, %add3A_1725 : i32
            %get3A_1727 = arith.index_cast %select_n3A_1458 : i32 to index
            %get3A_1728 = arith.index_cast %add3A_1726 : i32 to index
            %get3A_1729 = tpu.vector_load %arg10[%get3A_1727, %get3A_1728] {strides = array<i32>} : memref<8x4096xf32, #tpu.memory_space<vmem>>, vector<16xf32>,
            %add3A_1730 = vector.broadcast %reduce_max3A_1507 : f32 to vector<16xf32>
            %add3A_1731 = arith.addf %get3A_1729, %add3A_1730 : vector<16xf32>
            %add3A_1732 = arith.addi %add3A_1566, %mul3A_1576 : i32
            %add3A_1733 = arith.constant 32 : i32
            %add3A_1734 = arith.addi %add3A_1732, %add3A_1733 : i32
            %add3A_1735 = vector.broadcast %add3A_1734 : i32 to vector<16xi32>
            %add3A_1736 = arith.addi %add3A_1735, %iota3A : vector<16xi32>
            %masked_sort3A_1737 = arith.constant dense<true> : vector<16xi1>
            %masked_sort3A_1738, %masked_sort3A_1739, %masked_sort3A_1740 = tpu.sort %add3A_1731, %add3A_1736 masked %masked_sort3A_1737 {descending = true} : (vector<16xf32>, vector<16xi32>, vector<16xi1>) -> (vector<16xi1>, vector<16xf32>, vector<16xi32>)
            %gt3A_1741 = arith.cmpf ogt, %masked_sort3A_1739, %masked_sort3A_1723 : vector<16xf32>
            %select_n3A_1742 = arith.select %gt3A_1741, %masked_sort3A_1739, %masked_sort3A_1723 : vector<16xi1>, vector<16xf32>
            %select_n3A_1743 = arith.select %gt3A_1741, %masked_sort3A_1740, %masked_sort3A_1724 : vector<16xi1>, vector<16xi32>
            %masked_sort3A_1744 = arith.constant dense<true> : vector<16xi1>
            %masked_sort3A_1745, %masked_sort3A_1746, %masked_sort3A_1747 = tpu.sort %select_n3A_1742, %select_n3A_1743 masked %masked_sort3A_1744 : (vector<16xf32>, vector<16xi32>, vector<16xi1>) -> (vector<16xi1>, vector<16xf32>, vector<16xi32>)
            %add3A_1748 = arith.constant 48 : i32
            %add3A_1749 = arith.addi %mul3A_1576, %add3A_1748 : i32
            %get3A_1750 = arith.index_cast %select_n3A_1458 : i32 to index
            %get3A_1751 = arith.index_cast %add3A_1749 : i32 to index
            %get3A_1752 = tpu.vector_load %arg10[%get3A_1750, %get3A_1751] {strides = array<i32>} : memref<8x4096xf32, #tpu.memory_space<vmem>>, vector<16xf32>,
            %add3A_1753 = vector.broadcast %reduce_max3A_1507 : f32 to vector<16xf32>
            %add3A_1754 = arith.addf %get3A_1752, %add3A_1753 : vector<16xf32>
            %add3A_1755 = arith.addi %add3A_1566, %mul3A_1576 : i32
            %add3A_1756 = arith.constant 48 : i32
            %add3A_1757 = arith.addi %add3A_1755, %add3A_1756 : i32
            %add3A_1758 = vector.broadcast %add3A_1757 : i32 to vector<16xi32>
            %add3A_1759 = arith.addi %add3A_1758, %iota3A : vector<16xi32>
            %masked_sort3A_1760 = arith.constant dense<true> : vector<16xi1>
            %masked_sort3A_1761, %masked_sort3A_1762, %masked_sort3A_1763 = tpu.sort %add3A_1754, %add3A_1759 masked %masked_sort3A_1760 {descending = true} : (vector<16xf32>, vector<16xi32>, vector<16xi1>) -> (vector<16xi1>, vector<16xf32>, vector<16xi32>)
            %gt3A_1764 = arith.cmpf ogt, %masked_sort3A_1762, %masked_sort3A_1746 : vector<16xf32>
            %select_n3A_1765 = arith.select %gt3A_1764, %masked_sort3A_1762, %masked_sort3A_1746 : vector<16xi1>, vector<16xf32>
            %select_n3A_1766 = arith.select %gt3A_1764, %masked_sort3A_1763, %masked_sort3A_1747 : vector<16xi1>, vector<16xi32>
            %masked_sort3A_1767 = arith.constant dense<true> : vector<16xi1>
            %masked_sort3A_1768, %masked_sort3A_1769, %masked_sort3A_1770 = tpu.sort %select_n3A_1765, %select_n3A_1766 masked %masked_sort3A_1767 : (vector<16xf32>, vector<16xi32>, vector<16xi1>) -> (vector<16xi1>, vector<16xf32>, vector<16xi32>)
            %add3A_1771 = arith.constant 64 : i32
            %add3A_1772 = arith.addi %mul3A_1576, %add3A_1771 : i32
            %get3A_1773 = arith.index_cast %select_n3A_1458 : i32 to index
            %get3A_1774 = arith.index_cast %add3A_1772 : i32 to index
            %get3A_1775 = tpu.vector_load %arg10[%get3A_1773, %get3A_1774] {strides = array<i32>} : memref<8x4096xf32, #tpu.memory_space<vmem>>, vector<16xf32>,
            %add3A_1776 = vector.broadcast %reduce_max3A_1507 : f32 to vector<16xf32>
            %add3A_1777 = arith.addf %get3A_1775, %add3A_1776 : vector<16xf32>
            %add3A_1778 = arith.addi %add3A_1566, %mul3A_1576 : i32
            %add3A_1779 = arith.constant 64 : i32
            %add3A_1780 = arith.addi %add3A_1778, %add3A_1779 : i32
            %add3A_1781 = vector.broadcast %add3A_1780 : i32 to vector<16xi32>
            %add3A_1782 = arith.addi %add3A_1781, %iota3A : vector<16xi32>
            %masked_sort3A_1783 = arith.constant dense<true> : vector<16xi1>
            %masked_sort3A_1784, %masked_sort3A_1785, %masked_sort3A_1786 = tpu.sort %add3A_1777, %add3A_1782 masked %masked_sort3A_1783 {descending = true} : (vector<16xf32>, vector<16xi32>, vector<16xi1>) -> (vector<16xi1>, vector<16xf32>, vector<16xi32>)
            %gt3A_1787 = arith.cmpf ogt, %masked_sort3A_1785, %masked_sort3A_1769 : vector<16xf32>
            %select_n3A_1788 = arith.select %gt3A_1787, %masked_sort3A_1785, %masked_sort3A_1769 : vector<16xi1>, vector<16xf32>
            %select_n3A_1789 = arith.select %gt3A_1787, %masked_sort3A_1786, %masked_sort3A_1770 : vector<16xi1>, vector<16xi32>
            %masked_sort3A_1790 = arith.constant dense<true> : vector<16xi1>
            %masked_sort3A_1791, %masked_sort3A_1792, %masked_sort3A_1793 = tpu.sort %select_n3A_1788, %select_n3A_1789 masked %masked_sort3A_1790 : (vector<16xf32>, vector<16xi32>, vector<16xi1>) -> (vector<16xi1>, vector<16xf32>, vector<16xi32>)
            %add3A_1794 = arith.constant 80 : i32
            %add3A_1795 = arith.addi %mul3A_1576, %add3A_1794 : i32
            %get3A_1796 = arith.index_cast %select_n3A_1458 : i32 to index
            %get3A_1797 = arith.index_cast %add3A_1795 : i32 to index
            %get3A_1798 = tpu.vector_load %arg10[%get3A_1796, %get3A_1797] {strides = array<i32>} : memref<8x4096xf32, #tpu.memory_space<vmem>>, vector<16xf32>,
            %add3A_1799 = vector.broadcast %reduce_max3A_1507 : f32 to vector<16xf32>
            %add3A_1800 = arith.addf %get3A_1798, %add3A_1799 : vector<16xf32>
            %add3A_1801 = arith.addi %add3A_1566, %mul3A_1576 : i32
            %add3A_1802 = arith.constant 80 : i32
            %add3A_1803 = arith.addi %add3A_1801, %add3A_1802 : i32
            %add3A_1804 = vector.broadcast %add3A_1803 : i32 to vector<16xi32>
            %add3A_1805 = arith.addi %add3A_1804, %iota3A : vector<16xi32>
            %masked_sort3A_1806 = arith.constant dense<true> : vector<16xi1>
            %masked_sort3A_1807, %masked_sort3A_1808, %masked_sort3A_1809 = tpu.sort %add3A_1800, %add3A_1805 masked %masked_sort3A_1806 {descending = true} : (vector<16xf32>, vector<16xi32>, vector<16xi1>) -> (vector<16xi1>, vector<16xf32>, vector<16xi32>)
            %gt3A_1810 = arith.cmpf ogt, %masked_sort3A_1808, %masked_sort3A_1792 : vector<16xf32>
            %select_n3A_1811 = arith.select %gt3A_1810, %masked_sort3A_1808, %masked_sort3A_1792 : vector<16xi1>, vector<16xf32>
            %select_n3A_1812 = arith.select %gt3A_1810, %masked_sort3A_1809, %masked_sort3A_1793 : vector<16xi1>, vector<16xi32>
            %masked_sort3A_1813 = arith.constant dense<true> : vector<16xi1>
            %masked_sort3A_1814, %masked_sort3A_1815, %masked_sort3A_1816 = tpu.sort %select_n3A_1811, %select_n3A_1812 masked %masked_sort3A_1813 : (vector<16xf32>, vector<16xi32>, vector<16xi1>) -> (vector<16xi1>, vector<16xf32>, vector<16xi32>)
            %add3A_1817 = arith.constant 96 : i32
            %add3A_1818 = arith.addi %mul3A_1576, %add3A_1817 : i32
            %get3A_1819 = arith.index_cast %select_n3A_1458 : i32 to index
            %get3A_1820 = arith.index_cast %add3A_1818 : i32 to index
            %get3A_1821 = tpu.vector_load %arg10[%get3A_1819, %get3A_1820] {strides = array<i32>} : memref<8x4096xf32, #tpu.memory_space<vmem>>, vector<16xf32>,
            %add3A_1822 = vector.broadcast %reduce_max3A_1507 : f32 to vector<16xf32>
            %add3A_1823 = arith.addf %get3A_1821, %add3A_1822 : vector<16xf32>
            %add3A_1824 = arith.addi %add3A_1566, %mul3A_1576 : i32
            %add3A_1825 = arith.constant 96 : i32
            %add3A_1826 = arith.addi %add3A_1824, %add3A_1825 : i32
            %add3A_1827 = vector.broadcast %add3A_1826 : i32 to vector<16xi32>
            %add3A_1828 = arith.addi %add3A_1827, %iota3A : vector<16xi32>
            %masked_sort3A_1829 = arith.constant dense<true> : vector<16xi1>
            %masked_sort3A_1830, %masked_sort3A_1831, %masked_sort3A_1832 = tpu.sort %add3A_1823, %add3A_1828 masked %masked_sort3A_1829 {descending = true} : (vector<16xf32>, vector<16xi32>, vector<16xi1>) -> (vector<16xi1>, vector<16xf32>, vector<16xi32>)
            %gt3A_1833 = arith.cmpf ogt, %masked_sort3A_1831, %masked_sort3A_1815 : vector<16xf32>
            %select_n3A_1834 = arith.select %gt3A_1833, %masked_sort3A_1831, %masked_sort3A_1815 : vector<16xi1>, vector<16xf32>
            %select_n3A_1835 = arith.select %gt3A_1833, %masked_sort3A_1832, %masked_sort3A_1816 : vector<16xi1>, vector<16xi32>
            %masked_sort3A_1836 = arith.constant dense<true> : vector<16xi1>
            %masked_sort3A_1837, %masked_sort3A_1838, %masked_sort3A_1839 = tpu.sort %select_n3A_1834, %select_n3A_1835 masked %masked_sort3A_1836 : (vector<16xf32>, vector<16xi32>, vector<16xi1>) -> (vector<16xi1>, vector<16xf32>, vector<16xi32>)
            %add3A_1840 = arith.constant 112 : i32
            %add3A_1841 = arith.addi %mul3A_1576, %add3A_1840 : i32
            %get3A_1842 = arith.index_cast %select_n3A_1458 : i32 to index
            %get3A_1843 = arith.index_cast %add3A_1841 : i32 to index
            %get3A_1844 = tpu.vector_load %arg10[%get3A_1842, %get3A_1843] {strides = array<i32>} : memref<8x4096xf32, #tpu.memory_space<vmem>>, vector<16xf32>,
            %add3A_1845 = vector.broadcast %reduce_max3A_1507 : f32 to vector<16xf32>
            %add3A_1846 = arith.addf %get3A_1844, %add3A_1845 : vector<16xf32>
            %add3A_1847 = arith.addi %add3A_1566, %mul3A_1576 : i32
            %add3A_1848 = arith.constant 112 : i32
            %add3A_1849 = arith.addi %add3A_1847, %add3A_1848 : i32
            %add3A_1850 = vector.broadcast %add3A_1849 : i32 to vector<16xi32>
            %add3A_1851 = arith.addi %add3A_1850, %iota3A : vector<16xi32>
            %masked_sort3A_1852 = arith.constant dense<true> : vector<16xi1>
            %masked_sort3A_1853, %masked_sort3A_1854, %masked_sort3A_1855 = tpu.sort %add3A_1846, %add3A_1851 masked %masked_sort3A_1852 {descending = true} : (vector<16xf32>, vector<16xi32>, vector<16xi1>) -> (vector<16xi1>, vector<16xf32>, vector<16xi32>)
            %gt3A_1856 = arith.cmpf ogt, %masked_sort3A_1854, %masked_sort3A_1838 : vector<16xf32>
            %select_n3A_1857 = arith.select %gt3A_1856, %masked_sort3A_1854, %masked_sort3A_1838 : vector<16xi1>, vector<16xf32>
            %select_n3A_1858 = arith.select %gt3A_1856, %masked_sort3A_1855, %masked_sort3A_1839 : vector<16xi1>, vector<16xi32>
            %masked_sort3A_1859 = arith.constant dense<true> : vector<16xi1>
            %masked_sort3A_1860, %masked_sort3A_1861, %masked_sort3A_1862 = tpu.sort %select_n3A_1857, %select_n3A_1858 masked %masked_sort3A_1859 : (vector<16xf32>, vector<16xi32>, vector<16xi1>) -> (vector<16xi1>, vector<16xf32>, vector<16xi32>)
            %add3A_1863 = arith.constant 128 : i32
            %add3A_1864 = arith.addi %mul3A_1576, %add3A_1863 : i32
            %get3A_1865 = arith.index_cast %select_n3A_1458 : i32 to index
            %get3A_1866 = arith.index_cast %add3A_1864 : i32 to index
            %get3A_1867 = tpu.vector_load %arg10[%get3A_1865, %get3A_1866] {strides = array<i32>} : memref<8x4096xf32, #tpu.memory_space<vmem>>, vector<16xf32>,
            %add3A_1868 = vector.broadcast %reduce_max3A_1507 : f32 to vector<16xf32>
            %add3A_1869 = arith.addf %get3A_1867, %add3A_1868 : vector<16xf32>
            %add3A_1870 = arith.addi %add3A_1566, %mul3A_1576 : i32
            %add3A_1871 = arith.constant 128 : i32
            %add3A_1872 = arith.addi %add3A_1870, %add3A_1871 : i32
            %add3A_1873 = vector.broadcast %add3A_1872 : i32 to vector<16xi32>
            %add3A_1874 = arith.addi %add3A_1873, %iota3A : vector<16xi32>
            %masked_sort3A_1875 = arith.constant dense<true> : vector<16xi1>
            %masked_sort3A_1876, %masked_sort3A_1877, %masked_sort3A_1878 = tpu.sort %add3A_1869, %add3A_1874 masked %masked_sort3A_1875 {descending = true} : (vector<16xf32>, vector<16xi32>, vector<16xi1>) -> (vector<16xi1>, vector<16xf32>, vector<16xi32>)
            %gt3A_1879 = arith.cmpf ogt, %masked_sort3A_1877, %masked_sort3A_1861 : vector<16xf32>
            %select_n3A_1880 = arith.select %gt3A_1879, %masked_sort3A_1877, %masked_sort3A_1861 : vector<16xi1>, vector<16xf32>
            %select_n3A_1881 = arith.select %gt3A_1879, %masked_sort3A_1878, %masked_sort3A_1862 : vector<16xi1>, vector<16xi32>
            %masked_sort3A_1882 = arith.constant dense<true> : vector<16xi1>
            %masked_sort3A_1883, %masked_sort3A_1884, %masked_sort3A_1885 = tpu.sort %select_n3A_1880, %select_n3A_1881 masked %masked_sort3A_1882 : (vector<16xf32>, vector<16xi32>, vector<16xi1>) -> (vector<16xi1>, vector<16xf32>, vector<16xi32>)
            %add3A_1886 = arith.constant 144 : i32
            %add3A_1887 = arith.addi %mul3A_1576, %add3A_1886 : i32
            %get3A_1888 = arith.index_cast %select_n3A_1458 : i32 to index
            %get3A_1889 = arith.index_cast %add3A_1887 : i32 to index
            %get3A_1890 = tpu.vector_load %arg10[%get3A_1888, %get3A_1889] {strides = array<i32>} : memref<8x4096xf32, #tpu.memory_space<vmem>>, vector<16xf32>,
            %add3A_1891 = vector.broadcast %reduce_max3A_1507 : f32 to vector<16xf32>
            %add3A_1892 = arith.addf %get3A_1890, %add3A_1891 : vector<16xf32>
            %add3A_1893 = arith.addi %add3A_1566, %mul3A_1576 : i32
            %add3A_1894 = arith.constant 144 : i32
            %add3A_1895 = arith.addi %add3A_1893, %add3A_1894 : i32
            %add3A_1896 = vector.broadcast %add3A_1895 : i32 to vector<16xi32>
            %add3A_1897 = arith.addi %add3A_1896, %iota3A : vector<16xi32>
            %masked_sort3A_1898 = arith.constant dense<true> : vector<16xi1>
            %masked_sort3A_1899, %masked_sort3A_1900, %masked_sort3A_1901 = tpu.sort %add3A_1892, %add3A_1897 masked %masked_sort3A_1898 {descending = true} : (vector<16xf32>, vector<16xi32>, vector<16xi1>) -> (vector<16xi1>, vector<16xf32>, vector<16xi32>)
            %gt3A_1902 = arith.cmpf ogt, %masked_sort3A_1900, %masked_sort3A_1884 : vector<16xf32>
            %select_n3A_1903 = arith.select %gt3A_1902, %masked_sort3A_1900, %masked_sort3A_1884 : vector<16xi1>, vector<16xf32>
            %select_n3A_1904 = arith.select %gt3A_1902, %masked_sort3A_1901, %masked_sort3A_1885 : vector<16xi1>, vector<16xi32>
            %masked_sort3A_1905 = arith.constant dense<true> : vector<16xi1>
            %masked_sort3A_1906, %masked_sort3A_1907, %masked_sort3A_1908 = tpu.sort %select_n3A_1903, %select_n3A_1904 masked %masked_sort3A_1905 : (vector<16xf32>, vector<16xi32>, vector<16xi1>) -> (vector<16xi1>, vector<16xf32>, vector<16xi32>)
            %add3A_1909 = arith.constant 160 : i32
            %add3A_1910 = arith.addi %mul3A_1576, %add3A_1909 : i32
            %get3A_1911 = arith.index_cast %select_n3A_1458 : i32 to index
            %get3A_1912 = arith.index_cast %add3A_1910 : i32 to index
            %get3A_1913 = tpu.vector_load %arg10[%get3A_1911, %get3A_1912] {strides = array<i32>} : memref<8x4096xf32, #tpu.memory_space<vmem>>, vector<16xf32>,
            %add3A_1914 = vector.broadcast %reduce_max3A_1507 : f32 to vector<16xf32>
            %add3A_1915 = arith.addf %get3A_1913, %add3A_1914 : vector<16xf32>
            %add3A_1916 = arith.addi %add3A_1566, %mul3A_1576 : i32
            %add3A_1917 = arith.constant 160 : i32
            %add3A_1918 = arith.addi %add3A_1916, %add3A_1917 : i32
            %add3A_1919 = vector.broadcast %add3A_1918 : i32 to vector<16xi32>
            %add3A_1920 = arith.addi %add3A_1919, %iota3A : vector<16xi32>
            %masked_sort3A_1921 = arith.constant dense<true> : vector<16xi1>
            %masked_sort3A_1922, %masked_sort3A_1923, %masked_sort3A_1924 = tpu.sort %add3A_1915, %add3A_1920 masked %masked_sort3A_1921 {descending = true} : (vector<16xf32>, vector<16xi32>, vector<16xi1>) -> (vector<16xi1>, vector<16xf32>, vector<16xi32>)
            %gt3A_1925 = arith.cmpf ogt, %masked_sort3A_1923, %masked_sort3A_1907 : vector<16xf32>
            %select_n3A_1926 = arith.select %gt3A_1925, %masked_sort3A_1923, %masked_sort3A_1907 : vector<16xi1>, vector<16xf32>
            %select_n3A_1927 = arith.select %gt3A_1925, %masked_sort3A_1924, %masked_sort3A_1908 : vector<16xi1>, vector<16xi32>
            %masked_sort3A_1928 = arith.constant dense<true> : vector<16xi1>
            %masked_sort3A_1929, %masked_sort3A_1930, %masked_sort3A_1931 = tpu.sort %select_n3A_1926, %select_n3A_1927 masked %masked_sort3A_1928 : (vector<16xf32>, vector<16xi32>, vector<16xi1>) -> (vector<16xi1>, vector<16xf32>, vector<16xi32>)
            %add3A_1932 = arith.constant 176 : i32
            %add3A_1933 = arith.addi %mul3A_1576, %add3A_1932 : i32
            %get3A_1934 = arith.index_cast %select_n3A_1458 : i32 to index
            %get3A_1935 = arith.index_cast %add3A_1933 : i32 to index
            %get3A_1936 = tpu.vector_load %arg10[%get3A_1934, %get3A_1935] {strides = array<i32>} : memref<8x4096xf32, #tpu.memory_space<vmem>>, vector<16xf32>,
            %add3A_1937 = vector.broadcast %reduce_max3A_1507 : f32 to vector<16xf32>
            %add3A_1938 = arith.addf %get3A_1936, %add3A_1937 : vector<16xf32>
            %add3A_1939 = arith.addi %add3A_1566, %mul3A_1576 : i32
            %add3A_1940 = arith.constant 176 : i32
            %add3A_1941 = arith.addi %add3A_1939, %add3A_1940 : i32
            %add3A_1942 = vector.broadcast %add3A_1941 : i32 to vector<16xi32>
            %add3A_1943 = arith.addi %add3A_1942, %iota3A : vector<16xi32>
            %masked_sort3A_1944 = arith.constant dense<true> : vector<16xi1>
            %masked_sort3A_1945, %masked_sort3A_1946, %masked_sort3A_1947 = tpu.sort %add3A_1938, %add3A_1943 masked %masked_sort3A_1944 {descending = true} : (vector<16xf32>, vector<16xi32>, vector<16xi1>) -> (vector<16xi1>, vector<16xf32>, vector<16xi32>)
            %gt3A_1948 = arith.cmpf ogt, %masked_sort3A_1946, %masked_sort3A_1930 : vector<16xf32>
            %select_n3A_1949 = arith.select %gt3A_1948, %masked_sort3A_1946, %masked_sort3A_1930 : vector<16xi1>, vector<16xf32>
            %select_n3A_1950 = arith.select %gt3A_1948, %masked_sort3A_1947, %masked_sort3A_1931 : vector<16xi1>, vector<16xi32>
            %masked_sort3A_1951 = arith.constant dense<true> : vector<16xi1>
            %masked_sort3A_1952, %masked_sort3A_1953, %masked_sort3A_1954 = tpu.sort %select_n3A_1949, %select_n3A_1950 masked %masked_sort3A_1951 : (vector<16xf32>, vector<16xi32>, vector<16xi1>) -> (vector<16xi1>, vector<16xf32>, vector<16xi32>)
            %add3A_1955 = arith.constant 192 : i32
            %add3A_1956 = arith.addi %mul3A_1576, %add3A_1955 : i32
            %get3A_1957 = arith.index_cast %select_n3A_1458 : i32 to index
            %get3A_1958 = arith.index_cast %add3A_1956 : i32 to index
            %get3A_1959 = tpu.vector_load %arg10[%get3A_1957, %get3A_1958] {strides = array<i32>} : memref<8x4096xf32, #tpu.memory_space<vmem>>, vector<16xf32>,
            %add3A_1960 = vector.broadcast %reduce_max3A_1507 : f32 to vector<16xf32>
            %add3A_1961 = arith.addf %get3A_1959, %add3A_1960 : vector<16xf32>
            %add3A_1962 = arith.addi %add3A_1566, %mul3A_1576 : i32
            %add3A_1963 = arith.constant 192 : i32
            %add3A_1964 = arith.addi %add3A_1962, %add3A_1963 : i32
            %add3A_1965 = vector.broadcast %add3A_1964 : i32 to vector<16xi32>
            %add3A_1966 = arith.addi %add3A_1965, %iota3A : vector<16xi32>
            %masked_sort3A_1967 = arith.constant dense<true> : vector<16xi1>
            %masked_sort3A_1968, %masked_sort3A_1969, %masked_sort3A_1970 = tpu.sort %add3A_1961, %add3A_1966 masked %masked_sort3A_1967 {descending = true} : (vector<16xf32>, vector<16xi32>, vector<16xi1>) -> (vector<16xi1>, vector<16xf32>, vector<16xi32>)
            %gt3A_1971 = arith.cmpf ogt, %masked_sort3A_1969, %masked_sort3A_1953 : vector<16xf32>
            %select_n3A_1972 = arith.select %gt3A_1971, %masked_sort3A_1969, %masked_sort3A_1953 : vector<16xi1>, vector<16xf32>
            %select_n3A_1973 = arith.select %gt3A_1971, %masked_sort3A_1970, %masked_sort3A_1954 : vector<16xi1>, vector<16xi32>
            %masked_sort3A_1974 = arith.constant dense<true> : vector<16xi1>
            %masked_sort3A_1975, %masked_sort3A_1976, %masked_sort3A_1977 = tpu.sort %select_n3A_1972, %select_n3A_1973 masked %masked_sort3A_1974 : (vector<16xf32>, vector<16xi32>, vector<16xi1>) -> (vector<16xi1>, vector<16xf32>, vector<16xi32>)
            %add3A_1978 = arith.constant 208 : i32
            %add3A_1979 = arith.addi %mul3A_1576, %add3A_1978 : i32
            %get3A_1980 = arith.index_cast %select_n3A_1458 : i32 to index
            %get3A_1981 = arith.index_cast %add3A_1979 : i32 to index
            %get3A_1982 = tpu.vector_load %arg10[%get3A_1980, %get3A_1981] {strides = array<i32>} : memref<8x4096xf32, #tpu.memory_space<vmem>>, vector<16xf32>,
            %add3A_1983 = vector.broadcast %reduce_max3A_1507 : f32 to vector<16xf32>
            %add3A_1984 = arith.addf %get3A_1982, %add3A_1983 : vector<16xf32>
            %add3A_1985 = arith.addi %add3A_1566, %mul3A_1576 : i32
            %add3A_1986 = arith.constant 208 : i32
            %add3A_1987 = arith.addi %add3A_1985, %add3A_1986 : i32
            %add3A_1988 = vector.broadcast %add3A_1987 : i32 to vector<16xi32>
            %add3A_1989 = arith.addi %add3A_1988, %iota3A : vector<16xi32>
            %masked_sort3A_1990 = arith.constant dense<true> : vector<16xi1>
            %masked_sort3A_1991, %masked_sort3A_1992, %masked_sort3A_1993 = tpu.sort %add3A_1984, %add3A_1989 masked %masked_sort3A_1990 {descending = true} : (vector<16xf32>, vector<16xi32>, vector<16xi1>) -> (vector<16xi1>, vector<16xf32>, vector<16xi32>)
            %gt3A_1994 = arith.cmpf ogt, %masked_sort3A_1992, %masked_sort3A_1976 : vector<16xf32>
            %select_n3A_1995 = arith.select %gt3A_1994, %masked_sort3A_1992, %masked_sort3A_1976 : vector<16xi1>, vector<16xf32>
            %select_n3A_1996 = arith.select %gt3A_1994, %masked_sort3A_1993, %masked_sort3A_1977 : vector<16xi1>, vector<16xi32>
            %masked_sort3A_1997 = arith.constant dense<true> : vector<16xi1>
            %masked_sort3A_1998, %masked_sort3A_1999, %masked_sort3A_2000 = tpu.sort %select_n3A_1995, %select_n3A_1996 masked %masked_sort3A_1997 : (vector<16xf32>, vector<16xi32>, vector<16xi1>) -> (vector<16xi1>, vector<16xf32>, vector<16xi32>)
            %add3A_2001 = arith.constant 224 : i32
            %add3A_2002 = arith.addi %mul3A_1576, %add3A_2001 : i32
            %get3A_2003 = arith.index_cast %select_n3A_1458 : i32 to index
            %get3A_2004 = arith.index_cast %add3A_2002 : i32 to index
            %get3A_2005 = tpu.vector_load %arg10[%get3A_2003, %get3A_2004] {strides = array<i32>} : memref<8x4096xf32, #tpu.memory_space<vmem>>, vector<16xf32>,
            %add3A_2006 = vector.broadcast %reduce_max3A_1507 : f32 to vector<16xf32>
            %add3A_2007 = arith.addf %get3A_2005, %add3A_2006 : vector<16xf32>
            %add3A_2008 = arith.addi %add3A_1566, %mul3A_1576 : i32
            %add3A_2009 = arith.constant 224 : i32
            %add3A_2010 = arith.addi %add3A_2008, %add3A_2009 : i32
            %add3A_2011 = vector.broadcast %add3A_2010 : i32 to vector<16xi32>
            %add3A_2012 = arith.addi %add3A_2011, %iota3A : vector<16xi32>
            %masked_sort3A_2013 = arith.constant dense<true> : vector<16xi1>
            %masked_sort3A_2014, %masked_sort3A_2015, %masked_sort3A_2016 = tpu.sort %add3A_2007, %add3A_2012 masked %masked_sort3A_2013 {descending = true} : (vector<16xf32>, vector<16xi32>, vector<16xi1>) -> (vector<16xi1>, vector<16xf32>, vector<16xi32>)
            %gt3A_2017 = arith.cmpf ogt, %masked_sort3A_2015, %masked_sort3A_1999 : vector<16xf32>
            %select_n3A_2018 = arith.select %gt3A_2017, %masked_sort3A_2015, %masked_sort3A_1999 : vector<16xi1>, vector<16xf32>
            %select_n3A_2019 = arith.select %gt3A_2017, %masked_sort3A_2016, %masked_sort3A_2000 : vector<16xi1>, vector<16xi32>
            %masked_sort3A_2020 = arith.constant dense<true> : vector<16xi1>
            %masked_sort3A_2021, %masked_sort3A_2022, %masked_sort3A_2023 = tpu.sort %select_n3A_2018, %select_n3A_2019 masked %masked_sort3A_2020 : (vector<16xf32>, vector<16xi32>, vector<16xi1>) -> (vector<16xi1>, vector<16xf32>, vector<16xi32>)
            %add3A_2024 = arith.constant 240 : i32
            %add3A_2025 = arith.addi %mul3A_1576, %add3A_2024 : i32
            %get3A_2026 = arith.index_cast %select_n3A_1458 : i32 to index
            %get3A_2027 = arith.index_cast %add3A_2025 : i32 to index
            %get3A_2028 = tpu.vector_load %arg10[%get3A_2026, %get3A_2027] {strides = array<i32>} : memref<8x4096xf32, #tpu.memory_space<vmem>>, vector<16xf32>,
            %add3A_2029 = vector.broadcast %reduce_max3A_1507 : f32 to vector<16xf32>
            %add3A_2030 = arith.addf %get3A_2028, %add3A_2029 : vector<16xf32>
            %add3A_2031 = arith.addi %add3A_1566, %mul3A_1576 : i32
            %add3A_2032 = arith.constant 240 : i32
            %add3A_2033 = arith.addi %add3A_2031, %add3A_2032 : i32
            %add3A_2034 = vector.broadcast %add3A_2033 : i32 to vector<16xi32>
            %add3A_2035 = arith.addi %add3A_2034, %iota3A : vector<16xi32>
            %masked_sort3A_2036 = arith.constant dense<true> : vector<16xi1>
            %masked_sort3A_2037, %masked_sort3A_2038, %masked_sort3A_2039 = tpu.sort %add3A_2030, %add3A_2035 masked %masked_sort3A_2036 {descending = true} : (vector<16xf32>, vector<16xi32>, vector<16xi1>) -> (vector<16xi1>, vector<16xf32>, vector<16xi32>)
            %gt3A_2040 = arith.cmpf ogt, %masked_sort3A_2038, %masked_sort3A_2022 : vector<16xf32>
            %select_n3A_2041 = arith.select %gt3A_2040, %masked_sort3A_2038, %masked_sort3A_2022 : vector<16xi1>, vector<16xf32>
            %select_n3A_2042 = arith.select %gt3A_2040, %masked_sort3A_2039, %masked_sort3A_2023 : vector<16xi1>, vector<16xi32>
            %masked_sort3A_2043 = arith.constant dense<true> : vector<16xi1>
            %masked_sort3A_2044, %masked_sort3A_2045, %masked_sort3A_2046 = tpu.sort %select_n3A_2041, %select_n3A_2042 masked %masked_sort3A_2043 : (vector<16xf32>, vector<16xi32>, vector<16xi1>) -> (vector<16xi1>, vector<16xf32>, vector<16xi32>)
            scf.yield %masked_sort3A_2045, %masked_sort3A_2046 : vector<16xf32>, vector<16xi32>
          } else {
            scf.yield %scan3A_1573, %scan3A_1574 : vector<16xf32>, vector<16xi32>
          }
          scf.yield %cond3A_1678#0, %cond3A_1678#1 : vector<16xf32>, vector<16xi32>
        }
        %scan3A_1571 = arith.constant 16 : i32
        scf.yield %scan3A_1570#0, %scan3A_1570#1 : vector<16xf32>, vector<16xi32>
      }
      %swap3A = arith.constant 0 : index
      %swap3A_1537 = tpu.vector_load %arg11[%swap3A] {strides = array<i32>} : memref<16xf32, #tpu.memory_space<vmem>>, vector<16xf32>,
      tpu.vector_store %arg11[%swap3A], %cond3A_1536#0 {strides = array<i32>} : memref<16xf32, #tpu.memory_space<vmem>>, vector<16xf32>,
      %swap3A_1538 = arith.constant 0 : index
      %swap3A_1539 = tpu.vector_load %arg12[%swap3A_1538] {strides = array<i32>} : memref<16xi32, #tpu.memory_space<vmem>>, vector<16xi32>,
      tpu.vector_store %arg12[%swap3A_1538], %cond3A_1536#1 {strides = array<i32>} : memref<16xi32, #tpu.memory_space<vmem>>, vector<16xi32>,
      "tpu.region"() ({
        %run_scoped3A = tpu.sem_alloc : memref<!tpu.dma_semaphore, #tpu.memory_space<semaphore_mem>>
        %dma_start3A = arith.constant 0 : i32
        %dma_start3A_1540 = tpu.memref_slice %arg6[%add3A, %dma_start3A] : memref<16x16xf32, #tpu.memory_space<hbm>> -> memref<1x16xf32, #tpu.memory_space<hbm>>
        %dma_start3A_1541 = tpu.memref_squeeze %dma_start3A_1540 : memref<1x16xf32, #tpu.memory_space<hbm>> -> memref<16xf32, #tpu.memory_space<hbm>>
        %dma_start3A_1542 = arith.constant 0 : i32
        %dma_start3A_1543 = tpu.memref_slice %arg6[%add3A, %dma_start3A_1542] : memref<16x16xf32, #tpu.memory_space<hbm>> -> memref<1x16xf32, #tpu.memory_space<hbm>>
        %dma_start3A_1544 = tpu.memref_squeeze %dma_start3A_1543 : memref<1x16xf32, #tpu.memory_space<hbm>> -> memref<16xf32, #tpu.memory_space<hbm>>
        tpu.enqueue_dma source(%arg11 : memref<16xf32, #tpu.memory_space<vmem>>) target(%dma_start3A_1544 : memref<16xf32, #tpu.memory_space<hbm>>) target_semaphore(%run_scoped3A : memref<!tpu.dma_semaphore, #tpu.memory_space<semaphore_mem>>)
        %dma_wait3A = arith.constant 0 : i32
        %dma_wait3A_1545 = tpu.memref_slice %arg6[%add3A, %dma_wait3A] : memref<16x16xf32, #tpu.memory_space<hbm>> -> memref<1x16xf32, #tpu.memory_space<hbm>>
        %dma_wait3A_1546 = tpu.memref_squeeze %dma_wait3A_1545 : memref<1x16xf32, #tpu.memory_space<hbm>> -> memref<16xf32, #tpu.memory_space<hbm>>
        %dma_wait3A_1547 = arith.constant 0 : i32
        %dma_wait3A_1548 = tpu.memref_slice %arg6[%add3A, %dma_wait3A_1547] : memref<16x16xf32, #tpu.memory_space<hbm>> -> memref<1x16xf32, #tpu.memory_space<hbm>>
        %dma_wait3A_1549 = tpu.memref_squeeze %dma_wait3A_1548 : memref<1x16xf32, #tpu.memory_space<hbm>> -> memref<16xf32, #tpu.memory_space<hbm>>
        tpu.wait_dma2 semaphore(%run_scoped3A : memref<!tpu.dma_semaphore, #tpu.memory_space<semaphore_mem>>) src(%arg11 : memref<16xf32, #tpu.memory_space<vmem>>) dst(%dma_wait3A_1549 : memref<16xf32, #tpu.memory_space<hbm>>)
        tpu.yield
      }) : () -> ()
      "tpu.region"() ({
        %run_scoped3A = tpu.sem_alloc : memref<!tpu.dma_semaphore, #tpu.memory_space<semaphore_mem>>
        %dma_start3A = arith.constant 0 : i32
        %dma_start3A_1540 = tpu.memref_slice %arg7[%add3A, %dma_start3A] : memref<16x16xi32, #tpu.memory_space<hbm>> -> memref<1x16xi32, #tpu.memory_space<hbm>>
        %dma_start3A_1541 = tpu.memref_squeeze %dma_start3A_1540 : memref<1x16xi32, #tpu.memory_space<hbm>> -> memref<16xi32, #tpu.memory_space<hbm>>
        %dma_start3A_1542 = arith.constant 0 : i32
        %dma_start3A_1543 = tpu.memref_slice %arg7[%add3A, %dma_start3A_1542] : memref<16x16xi32, #tpu.memory_space<hbm>> -> memref<1x16xi32, #tpu.memory_space<hbm>>
        %dma_start3A_1544 = tpu.memref_squeeze %dma_start3A_1543 : memref<1x16xi32, #tpu.memory_space<hbm>> -> memref<16xi32, #tpu.memory_space<hbm>>
        tpu.enqueue_dma source(%arg12 : memref<16xi32, #tpu.memory_space<vmem>>) target(%dma_start3A_1544 : memref<16xi32, #tpu.memory_space<hbm>>) target_semaphore(%run_scoped3A : memref<!tpu.dma_semaphore, #tpu.memory_space<semaphore_mem>>)
        %dma_wait3A = arith.constant 0 : i32
        %dma_wait3A_1545 = tpu.memref_slice %arg7[%add3A, %dma_wait3A] : memref<16x16xi32, #tpu.memory_space<hbm>> -> memref<1x16xi32, #tpu.memory_space<hbm>>
        %dma_wait3A_1546 = tpu.memref_squeeze %dma_wait3A_1545 : memref<1x16xi32, #tpu.memory_space<hbm>> -> memref<16xi32, #tpu.memory_space<hbm>>
        %dma_wait3A_1547 = arith.constant 0 : i32
        %dma_wait3A_1548 = tpu.memref_slice %arg7[%add3A, %dma_wait3A_1547] : memref<16x16xi32, #tpu.memory_space<hbm>> -> memref<1x16xi32, #tpu.memory_space<hbm>>
        %dma_wait3A_1549 = tpu.memref_squeeze %dma_wait3A_1548 : memref<1x16xi32, #tpu.memory_space<hbm>> -> memref<16xi32, #tpu.memory_space<hbm>>
        tpu.wait_dma2 semaphore(%run_scoped3A : memref<!tpu.dma_semaphore, #tpu.memory_space<semaphore_mem>>) src(%arg12 : memref<16xi32, #tpu.memory_space<vmem>>) dst(%dma_wait3A_1549 : memref<16xi32, #tpu.memory_space<hbm>>)
        tpu.yield
      }) : () -> ()
    } else {
    }
    return
  }
}

module attributes {stable_mosaic.version = 14 : i64} {
  func.func @_p1_body(%arg0: i32, %arg1: memref<64x1xf32, #tpu.memory_space<vmem>>, %arg2: memref<64x8192xf32, #tpu.memory_space<vmem>>, %arg3: memref<64x16xf32, #tpu.memory_space<vmem>>, %arg4: memref<64x1xf32, #tpu.memory_space<vmem>>, %arg5: memref<64x128xf32, #tpu.memory_space<vmem>>, %arg6: memref<64x128xf32, #tpu.memory_space<vmem>>, %arg7: memref<64x16xf32, #tpu.memory_space<vmem>>) attributes {dimension_semantics = [#tpu.dimension_semantics<arbitrary>], iteration_bounds = array<i64: 13>, scalar_prefetch = 0 : i64, scratch_operands = 2 : i64, tpu.core_type = #tpu.core_type<tc>, window_params = [{pipeline_mode = #tpu.pipeline_mode<synchronous>, transform_indices = @transform_0, window_bounds = array<i64: 64, 1>}, {transform_indices = @transform_1, window_bounds = array<i64: 64, 8192>}, {pipeline_mode = #tpu.pipeline_mode<synchronous>, transform_indices = @transform_2, window_bounds = array<i64: 64, 16>}, {pipeline_mode = #tpu.pipeline_mode<synchronous>, transform_indices = @transform_3, window_bounds = array<i64: 64, 1>}, {pipeline_mode = #tpu.pipeline_mode<synchronous>, transform_indices = @transform_4, window_bounds = array<i64: 64, 128>}]} {
    %iota3A = tpu.iota {dimensions = array<i32: 1>} : vector<64x16xi32>
    %eq3A = arith.constant 0 : i32
    %eq3A_0 = arith.cmpi eq, %arg0, %eq3A : i32
    %convert_element_type3A = arith.extui %eq3A_0 : i1 to i32
    %cond3A = arith.constant 0 : i32
    %cond3A_1 = arith.cmpi ne, %convert_element_type3A, %cond3A : i32
    scf.if %cond3A_1 {
      %broadcast_in_dim3A = arith.constant 0.000000e+00 : f32
      %broadcast_in_dim3A_11 = vector.broadcast %broadcast_in_dim3A : f32 to vector<64x128xf32>
      %swap3A = arith.constant 0 : index
      %swap3A_12 = arith.constant 0 : index
      %swap3A_13 = vector.load %arg6[%swap3A, %swap3A_12] : memref<64x128xf32, #tpu.memory_space<vmem>>, vector<64x128xf32>
      tpu.vector_store %arg6[%swap3A, %swap3A_12], %broadcast_in_dim3A_11 {strides = array<i32>} : memref<64x128xf32, #tpu.memory_space<vmem>>, vector<64x128xf32>,
      %broadcast_in_dim3A_14 = arith.constant 0xFF800000 : f32
      %broadcast_in_dim3A_15 = vector.broadcast %broadcast_in_dim3A_14 : f32 to vector<64x16xf32>
      %swap3A_16 = arith.constant 0 : index
      %swap3A_17 = arith.constant 0 : index
      %swap3A_18 = vector.load %arg7[%swap3A_16, %swap3A_17] : memref<64x16xf32, #tpu.memory_space<vmem>>, vector<64x16xf32>
      tpu.vector_store %arg7[%swap3A_16, %swap3A_17], %broadcast_in_dim3A_15 {strides = array<i32>} : memref<64x16xf32, #tpu.memory_space<vmem>>, vector<64x16xf32>,
    } else {
    }
    %lt3A = arith.constant 12 : i32
    %lt3A_2 = arith.cmpi slt, %arg0, %lt3A : i32
    %convert_element_type3A_3 = arith.extui %lt3A_2 : i1 to i32
    %cond3A_4 = arith.constant 0 : i32
    %cond3A_5 = arith.cmpi ne, %convert_element_type3A_3, %cond3A_4 : i32
    scf.if %cond3A_5 {
      %get3A = arith.constant 0 : index
      %get3A_11 = arith.constant 0 : index
      %get3A_12 = vector.load %arg2[%get3A, %get3A_11] : memref<64x8192xf32, #tpu.memory_space<vmem>>, vector<64x8192xf32>
      %reduce_max3A = arith.constant dense<0xFF800000> : vector<64xf32>
      %reduce_max3A_13 = vector.multi_reduction <maximumf>, %get3A_12, %reduce_max3A [1] : vector<64x8192xf32> to vector<64xf32>
      %broadcast_in_dim3A = vector.shape_cast %reduce_max3A_13 : vector<64xf32> to vector<64x1xf32>
      %exp3A = math.exp %get3A_12 : vector<64x8192xf32>
      %reshape3A = vector.shape_cast %exp3A : vector<64x8192xf32> to vector<64x64x128xf32>
      %reduce_sum3A = arith.constant dense<0.000000e+00> : vector<64x128xf32>
      %reduce_sum3A_14 = vector.multi_reduction <add>, %reshape3A, %reduce_sum3A [1] : vector<64x64x128xf32> to vector<64x128xf32>
      %get3A_15 = arith.constant 0 : index
      %get3A_16 = arith.constant 0 : index
      %get3A_17 = vector.load %arg6[%get3A_15, %get3A_16] : memref<64x128xf32, #tpu.memory_space<vmem>>, vector<64x128xf32>
      %add3A = arith.addf %get3A_17, %reduce_sum3A_14 : vector<64x128xf32>
      %swap3A = arith.constant 0 : index
      %swap3A_18 = arith.constant 0 : index
      %swap3A_19 = vector.load %arg6[%swap3A, %swap3A_18] : memref<64x128xf32, #tpu.memory_space<vmem>>, vector<64x128xf32>
      tpu.vector_store %arg6[%swap3A, %swap3A_18], %add3A {strides = array<i32>} : memref<64x128xf32, #tpu.memory_space<vmem>>, vector<64x128xf32>,
      %eq3A_20 = vector.broadcast %arg0 : i32 to vector<64x16xi32>
      %eq3A_21 = arith.cmpi eq, %iota3A, %eq3A_20 : vector<64x16xi32>
      %get3A_22 = arith.constant 0 : index
      %get3A_23 = arith.constant 0 : index
      %get3A_24 = vector.load %arg7[%get3A_22, %get3A_23] : memref<64x16xf32, #tpu.memory_space<vmem>>, vector<64x16xf32>
      %broadcast_in_dim3A_25 = vector.shape_cast %broadcast_in_dim3A : vector<64x1xf32> to vector<64x1xf32>
      %broadcast_in_dim3A_26 = vector.broadcast %broadcast_in_dim3A_25 : vector<64x1xf32> to vector<64x16xf32>
      %select_n3A = arith.select %eq3A_21, %broadcast_in_dim3A_26, %get3A_24 : vector<64x16xi1>, vector<64x16xf32>
      %swap3A_27 = arith.constant 0 : index
      %swap3A_28 = arith.constant 0 : index
      %swap3A_29 = vector.load %arg7[%swap3A_27, %swap3A_28] : memref<64x16xf32, #tpu.memory_space<vmem>>, vector<64x16xf32>
      tpu.vector_store %arg7[%swap3A_27, %swap3A_28], %select_n3A {strides = array<i32>} : memref<64x16xf32, #tpu.memory_space<vmem>>, vector<64x16xf32>,
    } else {
    }
    %eq3A_6 = arith.constant 12 : i32
    %eq3A_7 = arith.cmpi eq, %arg0, %eq3A_6 : i32
    %convert_element_type3A_8 = arith.extui %eq3A_7 : i1 to i32
    %cond3A_9 = arith.constant 0 : i32
    %cond3A_10 = arith.cmpi ne, %convert_element_type3A_8, %cond3A_9 : i32
    scf.if %cond3A_10 {
      %mul3A = arith.constant 8192 : i32
      %mul3A_11 = arith.muli %arg0, %mul3A : i32
      %iota3A_12 = tpu.iota {dimensions = array<i32: 1>} : vector<64x8192xi32>
      %add3A = vector.broadcast %mul3A_11 : i32 to vector<64x8192xi32>
      %add3A_13 = arith.addi %add3A, %iota3A_12 : vector<64x8192xi32>
      %lt3A_14 = arith.constant 100000 : i32
      %lt3A_15 = vector.broadcast %lt3A_14 : i32 to vector<64x8192xi32>
      %lt3A_16 = arith.cmpi slt, %add3A_13, %lt3A_15 : vector<64x8192xi32>
      %get3A = arith.constant 0 : index
      %get3A_17 = arith.constant 0 : index
      %get3A_18 = vector.load %arg2[%get3A, %get3A_17] : memref<64x8192xf32, #tpu.memory_space<vmem>>, vector<64x8192xf32>
      %jit3A = arith.constant 0xFF800000 : f32
      %broadcast_in_dim3A = vector.broadcast %jit3A : f32 to vector<64x8192xf32>
      %select_n3A = arith.select %lt3A_16, %get3A_18, %broadcast_in_dim3A : vector<64x8192xi1>, vector<64x8192xf32>
      %reduce_max3A = arith.constant dense<0xFF800000> : vector<64xf32>
      %reduce_max3A_19 = vector.multi_reduction <maximumf>, %select_n3A, %reduce_max3A [1] : vector<64x8192xf32> to vector<64xf32>
      %broadcast_in_dim3A_20 = vector.shape_cast %reduce_max3A_19 : vector<64xf32> to vector<64x1xf32>
      %exp3A = math.exp %select_n3A : vector<64x8192xf32>
      %reshape3A = vector.shape_cast %exp3A : vector<64x8192xf32> to vector<64x64x128xf32>
      %reduce_sum3A = arith.constant dense<0.000000e+00> : vector<64x128xf32>
      %reduce_sum3A_21 = vector.multi_reduction <add>, %reshape3A, %reduce_sum3A [1] : vector<64x64x128xf32> to vector<64x128xf32>
      %get3A_22 = arith.constant 0 : index
      %get3A_23 = arith.constant 0 : index
      %get3A_24 = vector.load %arg6[%get3A_22, %get3A_23] : memref<64x128xf32, #tpu.memory_space<vmem>>, vector<64x128xf32>
      %add3A_25 = arith.addf %get3A_24, %reduce_sum3A_21 : vector<64x128xf32>
      %swap3A = arith.constant 0 : index
      %swap3A_26 = arith.constant 0 : index
      %swap3A_27 = vector.load %arg6[%swap3A, %swap3A_26] : memref<64x128xf32, #tpu.memory_space<vmem>>, vector<64x128xf32>
      tpu.vector_store %arg6[%swap3A, %swap3A_26], %add3A_25 {strides = array<i32>} : memref<64x128xf32, #tpu.memory_space<vmem>>, vector<64x128xf32>,
      %eq3A_28 = vector.broadcast %arg0 : i32 to vector<64x16xi32>
      %eq3A_29 = arith.cmpi eq, %iota3A, %eq3A_28 : vector<64x16xi32>
      %get3A_30 = arith.constant 0 : index
      %get3A_31 = arith.constant 0 : index
      %get3A_32 = vector.load %arg7[%get3A_30, %get3A_31] : memref<64x16xf32, #tpu.memory_space<vmem>>, vector<64x16xf32>
      %broadcast_in_dim3A_33 = vector.shape_cast %broadcast_in_dim3A_20 : vector<64x1xf32> to vector<64x1xf32>
      %broadcast_in_dim3A_34 = vector.broadcast %broadcast_in_dim3A_33 : vector<64x1xf32> to vector<64x16xf32>
      %select_n3A_35 = arith.select %eq3A_29, %broadcast_in_dim3A_34, %get3A_32 : vector<64x16xi1>, vector<64x16xf32>
      %swap3A_36 = arith.constant 0 : index
      %swap3A_37 = arith.constant 0 : index
      %swap3A_38 = vector.load %arg7[%swap3A_36, %swap3A_37] : memref<64x16xf32, #tpu.memory_space<vmem>>, vector<64x16xf32>
      tpu.vector_store %arg7[%swap3A_36, %swap3A_37], %select_n3A_35 {strides = array<i32>} : memref<64x16xf32, #tpu.memory_space<vmem>>, vector<64x16xf32>,
      %slice3A = vector.extract_strided_slice %select_n3A {offsets = [0, 1664], sizes = [64, 128], strides = [1, 1]} : vector<64x8192xf32> to vector<64x128xf32>
      %swap3A_39 = arith.constant 0 : index
      %swap3A_40 = arith.constant 0 : index
      %swap3A_41 = vector.load %arg5[%swap3A_39, %swap3A_40] : memref<64x128xf32, #tpu.memory_space<vmem>>, vector<64x128xf32>
      tpu.vector_store %arg5[%swap3A_39, %swap3A_40], %slice3A {strides = array<i32>} : memref<64x128xf32, #tpu.memory_space<vmem>>, vector<64x128xf32>,
      %get3A_42 = arith.constant 0 : index
      %get3A_43 = arith.constant 0 : index
      %get3A_44 = vector.load %arg6[%get3A_42, %get3A_43] : memref<64x128xf32, #tpu.memory_space<vmem>>, vector<64x128xf32>
      %reduce_sum3A_45 = arith.constant dense<0.000000e+00> : vector<64xf32>
      %reduce_sum3A_46 = vector.multi_reduction <add>, %get3A_44, %reduce_sum3A_45 [1] : vector<64x128xf32> to vector<64xf32>
      %broadcast_in_dim3A_47 = vector.shape_cast %reduce_sum3A_46 : vector<64xf32> to vector<64x1xf32>
      %get3A_48 = arith.constant 0 : index
      %get3A_49 = arith.constant 0 : index
      %get3A_50 = vector.load %arg1[%get3A_48, %get3A_49] : memref<64x1xf32, #tpu.memory_space<vmem>>, vector<64x1xf32>
      %log3A = math.log %broadcast_in_dim3A_47 : vector<64x1xf32>
      %sub3A = arith.subf %get3A_50, %log3A : vector<64x1xf32>
      %swap3A_51 = arith.constant 0 : index
      %swap3A_52 = arith.constant 0 : index
      %swap3A_53 = vector.load %arg4[%swap3A_51, %swap3A_52] : memref<64x1xf32, #tpu.memory_space<vmem>>, vector<64x1xf32>
      tpu.vector_store %arg4[%swap3A_51, %swap3A_52], %sub3A {strides = array<i32>} : memref<64x1xf32, #tpu.memory_space<vmem>>, vector<64x1xf32>,
      %get3A_54 = arith.constant 0 : index
      %get3A_55 = arith.constant 0 : index
      %get3A_56 = vector.load %arg7[%get3A_54, %get3A_55] : memref<64x16xf32, #tpu.memory_space<vmem>>, vector<64x16xf32>
      %add3A_57 = vector.broadcast %sub3A : vector<64x1xf32> to vector<64x16xf32>
      %add3A_58 = arith.addf %get3A_56, %add3A_57 : vector<64x16xf32>
      %swap3A_59 = arith.constant 0 : index
      %swap3A_60 = arith.constant 0 : index
      %swap3A_61 = vector.load %arg3[%swap3A_59, %swap3A_60] : memref<64x16xf32, #tpu.memory_space<vmem>>, vector<64x16xf32>
      tpu.vector_store %arg3[%swap3A_59, %swap3A_60], %add3A_58 {strides = array<i32>} : memref<64x16xf32, #tpu.memory_space<vmem>>, vector<64x16xf32>,
    } else {
    }
    return
  }
  func.func @transform_0(%arg0: i32) -> (i32, i32) {
    %c0_i32 = arith.constant 0 : i32
    %c0_i32_0 = arith.constant 0 : i32
    %c0_i32_1 = arith.constant 0 : i32
    return %c0_i32, %c0_i32_0 : i32, i32
  }
  func.func @transform_1(%arg0: i32) -> (i32, i32) {
    %c0_i32 = arith.constant 0 : i32
    %c0_i32_0 = arith.constant 0 : i32
    return %c0_i32, %arg0 : i32, i32
  }
  func.func @transform_2(%arg0: i32) -> (i32, i32) {
    %c0_i32 = arith.constant 0 : i32
    %c0_i32_0 = arith.constant 0 : i32
    %c0_i32_1 = arith.constant 0 : i32
    return %c0_i32, %c0_i32_0 : i32, i32
  }
  func.func @transform_3(%arg0: i32) -> (i32, i32) {
    %c0_i32 = arith.constant 0 : i32
    %c0_i32_0 = arith.constant 0 : i32
    %c0_i32_1 = arith.constant 0 : i32
    return %c0_i32, %c0_i32_0 : i32, i32
  }
  func.func @transform_4(%arg0: i32) -> (i32, i32) {
    %c0_i32 = arith.constant 0 : i32
    %c0_i32_0 = arith.constant 0 : i32
    %c0_i32_1 = arith.constant 0 : i32
    return %c0_i32, %c0_i32_0 : i32, i32
  }
}

module attributes {stable_mosaic.version = 14 : i64} {
  func.func @_p3_body(%arg0: memref<16x16xf32, #tpu.memory_space<vmem>>, %arg1: memref<16x16xi32, #tpu.memory_space<vmem>>, %arg2: memref<1x16xf32, #tpu.memory_space<vmem>>, %arg3: memref<1x16xi32, #tpu.memory_space<vmem>>, %arg4: memref<1x16xi32, #tpu.memory_space<vmem>>) attributes {dimension_semantics = [], scalar_prefetch = 0 : i64, scratch_operands = 0 : i64, tpu.core_type = #tpu.core_type<tc>} {
    %get3A = arith.constant 0 : index
    %get3A_0 = arith.constant 0 : index
    %get3A_1 = vector.load %arg0[%get3A, %get3A_0] : memref<16x16xf32, #tpu.memory_space<vmem>>, vector<16x16xf32>
    %get3A_2 = arith.constant 0 : index
    %get3A_3 = arith.constant 0 : index
    %get3A_4 = vector.load %arg1[%get3A_2, %get3A_3] : memref<16x16xi32, #tpu.memory_space<vmem>>, vector<16x16xi32>
    %iota3A = tpu.iota {dimensions = array<i32: 1>} : vector<1x16xi32>
    %broadcast_in_dim3A = arith.constant 0.000000e+00 : f32
    %broadcast_in_dim3A_5 = vector.broadcast %broadcast_in_dim3A : f32 to vector<1x16xf32>
    %broadcast_in_dim3A_6 = arith.constant 0 : i32
    %broadcast_in_dim3A_7 = vector.broadcast %broadcast_in_dim3A_6 : i32 to vector<1x16xi32>
    %broadcast_in_dim3A_8 = arith.constant 0 : i32
    %broadcast_in_dim3A_9 = vector.broadcast %broadcast_in_dim3A_8 : i32 to vector<1x16xi32>
    %reduce_max3A = vector.shape_cast %get3A_1 : vector<16x16xf32> to vector<1x16x16xf32>
    %reduce_max3A_10 = arith.constant dense<0xFF800000> : vector<1xf32>
    %reduce_max3A_11 = vector.multi_reduction <maximumf>, %reduce_max3A, %reduce_max3A_10 [1, 2] : vector<1x16x16xf32> to vector<1xf32>
    %reduce_max3A_12 = vector.shape_cast %reduce_max3A_11 : vector<1xf32> to vector<1x1x1xf32>
    %reduce_max3A_13 = vector.extract %reduce_max3A_12[0, 0, 0] : f32 from vector<1x1x1xf32>
    %eq3A = vector.broadcast %reduce_max3A_13 : f32 to vector<16x16xf32>
    %eq3A_14 = arith.cmpf oeq, %get3A_1, %eq3A : vector<16x16xf32>
    %jit3A = arith.constant 2147483647 : i32
    %broadcast_in_dim3A_15 = vector.broadcast %jit3A : i32 to vector<16x16xi32>
    %select_n3A = arith.select %eq3A_14, %get3A_4, %broadcast_in_dim3A_15 : vector<16x16xi1>, vector<16x16xi32>
    %reduce_min3A = vector.shape_cast %select_n3A : vector<16x16xi32> to vector<1x16x16xi32>
    %reduce_min3A_16 = arith.constant dense<2147483647> : vector<1xi32>
    %reduce_min3A_17 = vector.multi_reduction <minsi>, %reduce_min3A, %reduce_min3A_16 [1, 2] : vector<1x16x16xi32> to vector<1xi32>
    %reduce_min3A_18 = vector.shape_cast %reduce_min3A_17 : vector<1xi32> to vector<1x1x1xi32>
    %reduce_min3A_19 = vector.extract %reduce_min3A_18[0, 0, 0] : i32 from vector<1x1x1xi32>
    %eq3A_20 = arith.constant 0 : i32
    %eq3A_21 = vector.broadcast %eq3A_20 : i32 to vector<1x16xi32>
    %eq3A_22 = arith.cmpi eq, %iota3A, %eq3A_21 : vector<1x16xi32>
    %broadcast_in_dim3A_23 = vector.broadcast %reduce_max3A_13 : f32 to vector<1x16xf32>
    %select_n3A_24 = arith.select %eq3A_22, %broadcast_in_dim3A_23, %broadcast_in_dim3A_5 : vector<1x16xi1>, vector<1x16xf32>
    %eq3A_25 = arith.constant 0 : i32
    %eq3A_26 = vector.broadcast %eq3A_25 : i32 to vector<1x16xi32>
    %eq3A_27 = arith.cmpi eq, %iota3A, %eq3A_26 : vector<1x16xi32>
    %jit3A_28 = arith.constant 100000 : i32
    %div3A = arith.divsi %reduce_min3A_19, %jit3A_28 : i32
    %sign3A = arith.constant 0 : i32
    %sign3A_29 = arith.cmpi sgt, %reduce_min3A_19, %sign3A : i32
    %sign3A_30 = arith.extui %sign3A_29 : i1 to i32
    %sign3A_31 = arith.constant 0 : i32
    %sign3A_32 = arith.cmpi slt, %reduce_min3A_19, %sign3A_31 : i32
    %sign3A_33 = arith.extui %sign3A_32 : i1 to i32
    %sign3A_34 = arith.subi %sign3A_30, %sign3A_33 : i32
    %sign3A_35 = arith.constant 0 : i32
    %sign3A_36 = arith.cmpi sgt, %jit3A_28, %sign3A_35 : i32
    %sign3A_37 = arith.extui %sign3A_36 : i1 to i32
    %sign3A_38 = arith.constant 0 : i32
    %sign3A_39 = arith.cmpi slt, %jit3A_28, %sign3A_38 : i32
    %sign3A_40 = arith.extui %sign3A_39 : i1 to i32
    %sign3A_41 = arith.subi %sign3A_37, %sign3A_40 : i32
    %ne3A = arith.cmpi ne, %sign3A_34, %sign3A_41 : i32
    %rem3A = arith.remsi %reduce_min3A_19, %jit3A_28 : i32
    %ne3A_42 = arith.constant 0 : i32
    %ne3A_43 = arith.cmpi ne, %rem3A, %ne3A_42 : i32
    %and3A = arith.andi %ne3A, %ne3A_43 : i1
    %sub3A = arith.constant 1 : i32
    %sub3A_44 = arith.subi %div3A, %sub3A : i32
    %select_n3A_45 = arith.select %and3A, %sub3A_44, %div3A : i32
    %broadcast_in_dim3A_46 = vector.broadcast %select_n3A_45 : i32 to vector<1x16xi32>
    %select_n3A_47 = arith.select %eq3A_27, %broadcast_in_dim3A_46, %broadcast_in_dim3A_7 : vector<1x16xi1>, vector<1x16xi32>
    %eq3A_48 = arith.constant 0 : i32
    %eq3A_49 = vector.broadcast %eq3A_48 : i32 to vector<1x16xi32>
    %eq3A_50 = arith.cmpi eq, %iota3A, %eq3A_49 : vector<1x16xi32>
    %jit3A_51 = arith.constant 100000 : i32
    %eq3A_52 = arith.constant 0 : i32
    %eq3A_53 = arith.cmpi eq, %jit3A_51, %eq3A_52 : i32
    %jit3A_54 = arith.constant 1 : i32
    %select_n3A_55 = arith.select %eq3A_53, %jit3A_54, %jit3A_51 : i32
    %rem3A_56 = arith.remsi %reduce_min3A_19, %select_n3A_55 : i32
    %ne3A_57 = arith.constant 0 : i32
    %ne3A_58 = arith.cmpi ne, %rem3A_56, %ne3A_57 : i32
    %lt3A = arith.constant 0 : i32
    %lt3A_59 = arith.cmpi slt, %rem3A_56, %lt3A : i32
    %lt3A_60 = arith.constant 0 : i32
    %lt3A_61 = arith.cmpi slt, %select_n3A_55, %lt3A_60 : i32
    %ne3A_62 = arith.xori %lt3A_59, %lt3A_61 : i1
    %and3A_63 = arith.andi %ne3A_62, %ne3A_58 : i1
    %add3A = arith.addi %rem3A_56, %select_n3A_55 : i32
    %select_n3A_64 = arith.select %and3A_63, %add3A, %rem3A_56 : i32
    %broadcast_in_dim3A_65 = vector.broadcast %select_n3A_64 : i32 to vector<1x16xi32>
    %select_n3A_66 = arith.select %eq3A_50, %broadcast_in_dim3A_65, %broadcast_in_dim3A_9 : vector<1x16xi1>, vector<1x16xi32>
    %eq3A_67 = vector.broadcast %reduce_min3A_19 : i32 to vector<16x16xi32>
    %eq3A_68 = arith.cmpi eq, %get3A_4, %eq3A_67 : vector<16x16xi32>
    %and3A_69 = arith.andi %eq3A_14, %eq3A_68 : vector<16x16xi1>
    %jit3A_70 = arith.constant 0xFF800000 : f32
    %broadcast_in_dim3A_71 = vector.broadcast %jit3A_70 : f32 to vector<16x16xf32>
    %select_n3A_72 = arith.select %and3A_69, %broadcast_in_dim3A_71, %get3A_1 : vector<16x16xi1>, vector<16x16xf32>
    %reduce_max3A_73 = vector.shape_cast %select_n3A_72 : vector<16x16xf32> to vector<1x16x16xf32>
    %reduce_max3A_74 = arith.constant dense<0xFF800000> : vector<1xf32>
    %reduce_max3A_75 = vector.multi_reduction <maximumf>, %reduce_max3A_73, %reduce_max3A_74 [1, 2] : vector<1x16x16xf32> to vector<1xf32>
    %reduce_max3A_76 = vector.shape_cast %reduce_max3A_75 : vector<1xf32> to vector<1x1x1xf32>
    %reduce_max3A_77 = vector.extract %reduce_max3A_76[0, 0, 0] : f32 from vector<1x1x1xf32>
    %eq3A_78 = vector.broadcast %reduce_max3A_77 : f32 to vector<16x16xf32>
    %eq3A_79 = arith.cmpf oeq, %select_n3A_72, %eq3A_78 : vector<16x16xf32>
    %jit3A_80 = arith.constant 2147483647 : i32
    %broadcast_in_dim3A_81 = vector.broadcast %jit3A_80 : i32 to vector<16x16xi32>
    %select_n3A_82 = arith.select %eq3A_79, %get3A_4, %broadcast_in_dim3A_81 : vector<16x16xi1>, vector<16x16xi32>
    %reduce_min3A_83 = vector.shape_cast %select_n3A_82 : vector<16x16xi32> to vector<1x16x16xi32>
    %reduce_min3A_84 = arith.constant dense<2147483647> : vector<1xi32>
    %reduce_min3A_85 = vector.multi_reduction <minsi>, %reduce_min3A_83, %reduce_min3A_84 [1, 2] : vector<1x16x16xi32> to vector<1xi32>
    %reduce_min3A_86 = vector.shape_cast %reduce_min3A_85 : vector<1xi32> to vector<1x1x1xi32>
    %reduce_min3A_87 = vector.extract %reduce_min3A_86[0, 0, 0] : i32 from vector<1x1x1xi32>
    %eq3A_88 = arith.constant 1 : i32
    %eq3A_89 = vector.broadcast %eq3A_88 : i32 to vector<1x16xi32>
    %eq3A_90 = arith.cmpi eq, %iota3A, %eq3A_89 : vector<1x16xi32>
    %broadcast_in_dim3A_91 = vector.broadcast %reduce_max3A_77 : f32 to vector<1x16xf32>
    %select_n3A_92 = arith.select %eq3A_90, %broadcast_in_dim3A_91, %select_n3A_24 : vector<1x16xi1>, vector<1x16xf32>
    %eq3A_93 = arith.constant 1 : i32
    %eq3A_94 = vector.broadcast %eq3A_93 : i32 to vector<1x16xi32>
    %eq3A_95 = arith.cmpi eq, %iota3A, %eq3A_94 : vector<1x16xi32>
    %jit3A_96 = arith.constant 100000 : i32
    %div3A_97 = arith.divsi %reduce_min3A_87, %jit3A_96 : i32
    %sign3A_98 = arith.constant 0 : i32
    %sign3A_99 = arith.cmpi sgt, %reduce_min3A_87, %sign3A_98 : i32
    %sign3A_100 = arith.extui %sign3A_99 : i1 to i32
    %sign3A_101 = arith.constant 0 : i32
    %sign3A_102 = arith.cmpi slt, %reduce_min3A_87, %sign3A_101 : i32
    %sign3A_103 = arith.extui %sign3A_102 : i1 to i32
    %sign3A_104 = arith.subi %sign3A_100, %sign3A_103 : i32
    %sign3A_105 = arith.constant 0 : i32
    %sign3A_106 = arith.cmpi sgt, %jit3A_96, %sign3A_105 : i32
    %sign3A_107 = arith.extui %sign3A_106 : i1 to i32
    %sign3A_108 = arith.constant 0 : i32
    %sign3A_109 = arith.cmpi slt, %jit3A_96, %sign3A_108 : i32
    %sign3A_110 = arith.extui %sign3A_109 : i1 to i32
    %sign3A_111 = arith.subi %sign3A_107, %sign3A_110 : i32
    %ne3A_112 = arith.cmpi ne, %sign3A_104, %sign3A_111 : i32
    %rem3A_113 = arith.remsi %reduce_min3A_87, %jit3A_96 : i32
    %ne3A_114 = arith.constant 0 : i32
    %ne3A_115 = arith.cmpi ne, %rem3A_113, %ne3A_114 : i32
    %and3A_116 = arith.andi %ne3A_112, %ne3A_115 : i1
    %sub3A_117 = arith.constant 1 : i32
    %sub3A_118 = arith.subi %div3A_97, %sub3A_117 : i32
    %select_n3A_119 = arith.select %and3A_116, %sub3A_118, %div3A_97 : i32
    %broadcast_in_dim3A_120 = vector.broadcast %select_n3A_119 : i32 to vector<1x16xi32>
    %select_n3A_121 = arith.select %eq3A_95, %broadcast_in_dim3A_120, %select_n3A_47 : vector<1x16xi1>, vector<1x16xi32>
    %eq3A_122 = arith.constant 1 : i32
    %eq3A_123 = vector.broadcast %eq3A_122 : i32 to vector<1x16xi32>
    %eq3A_124 = arith.cmpi eq, %iota3A, %eq3A_123 : vector<1x16xi32>
    %jit3A_125 = arith.constant 100000 : i32
    %eq3A_126 = arith.constant 0 : i32
    %eq3A_127 = arith.cmpi eq, %jit3A_125, %eq3A_126 : i32
    %jit3A_128 = arith.constant 1 : i32
    %select_n3A_129 = arith.select %eq3A_127, %jit3A_128, %jit3A_125 : i32
    %rem3A_130 = arith.remsi %reduce_min3A_87, %select_n3A_129 : i32
    %ne3A_131 = arith.constant 0 : i32
    %ne3A_132 = arith.cmpi ne, %rem3A_130, %ne3A_131 : i32
    %lt3A_133 = arith.constant 0 : i32
    %lt3A_134 = arith.cmpi slt, %rem3A_130, %lt3A_133 : i32
    %lt3A_135 = arith.constant 0 : i32
    %lt3A_136 = arith.cmpi slt, %select_n3A_129, %lt3A_135 : i32
    %ne3A_137 = arith.xori %lt3A_134, %lt3A_136 : i1
    %and3A_138 = arith.andi %ne3A_137, %ne3A_132 : i1
    %add3A_139 = arith.addi %rem3A_130, %select_n3A_129 : i32
    %select_n3A_140 = arith.select %and3A_138, %add3A_139, %rem3A_130 : i32
    %broadcast_in_dim3A_141 = vector.broadcast %select_n3A_140 : i32 to vector<1x16xi32>
    %select_n3A_142 = arith.select %eq3A_124, %broadcast_in_dim3A_141, %select_n3A_66 : vector<1x16xi1>, vector<1x16xi32>
    %eq3A_143 = vector.broadcast %reduce_min3A_87 : i32 to vector<16x16xi32>
    %eq3A_144 = arith.cmpi eq, %get3A_4, %eq3A_143 : vector<16x16xi32>
    %and3A_145 = arith.andi %eq3A_79, %eq3A_144 : vector<16x16xi1>
    %jit3A_146 = arith.constant 0xFF800000 : f32
    %broadcast_in_dim3A_147 = vector.broadcast %jit3A_146 : f32 to vector<16x16xf32>
    %select_n3A_148 = arith.select %and3A_145, %broadcast_in_dim3A_147, %select_n3A_72 : vector<16x16xi1>, vector<16x16xf32>
    %reduce_max3A_149 = vector.shape_cast %select_n3A_148 : vector<16x16xf32> to vector<1x16x16xf32>
    %reduce_max3A_150 = arith.constant dense<0xFF800000> : vector<1xf32>
    %reduce_max3A_151 = vector.multi_reduction <maximumf>, %reduce_max3A_149, %reduce_max3A_150 [1, 2] : vector<1x16x16xf32> to vector<1xf32>
    %reduce_max3A_152 = vector.shape_cast %reduce_max3A_151 : vector<1xf32> to vector<1x1x1xf32>
    %reduce_max3A_153 = vector.extract %reduce_max3A_152[0, 0, 0] : f32 from vector<1x1x1xf32>
    %eq3A_154 = vector.broadcast %reduce_max3A_153 : f32 to vector<16x16xf32>
    %eq3A_155 = arith.cmpf oeq, %select_n3A_148, %eq3A_154 : vector<16x16xf32>
    %jit3A_156 = arith.constant 2147483647 : i32
    %broadcast_in_dim3A_157 = vector.broadcast %jit3A_156 : i32 to vector<16x16xi32>
    %select_n3A_158 = arith.select %eq3A_155, %get3A_4, %broadcast_in_dim3A_157 : vector<16x16xi1>, vector<16x16xi32>
    %reduce_min3A_159 = vector.shape_cast %select_n3A_158 : vector<16x16xi32> to vector<1x16x16xi32>
    %reduce_min3A_160 = arith.constant dense<2147483647> : vector<1xi32>
    %reduce_min3A_161 = vector.multi_reduction <minsi>, %reduce_min3A_159, %reduce_min3A_160 [1, 2] : vector<1x16x16xi32> to vector<1xi32>
    %reduce_min3A_162 = vector.shape_cast %reduce_min3A_161 : vector<1xi32> to vector<1x1x1xi32>
    %reduce_min3A_163 = vector.extract %reduce_min3A_162[0, 0, 0] : i32 from vector<1x1x1xi32>
    %eq3A_164 = arith.constant 2 : i32
    %eq3A_165 = vector.broadcast %eq3A_164 : i32 to vector<1x16xi32>
    %eq3A_166 = arith.cmpi eq, %iota3A, %eq3A_165 : vector<1x16xi32>
    %broadcast_in_dim3A_167 = vector.broadcast %reduce_max3A_153 : f32 to vector<1x16xf32>
    %select_n3A_168 = arith.select %eq3A_166, %broadcast_in_dim3A_167, %select_n3A_92 : vector<1x16xi1>, vector<1x16xf32>
    %eq3A_169 = arith.constant 2 : i32
    %eq3A_170 = vector.broadcast %eq3A_169 : i32 to vector<1x16xi32>
    %eq3A_171 = arith.cmpi eq, %iota3A, %eq3A_170 : vector<1x16xi32>
    %jit3A_172 = arith.constant 100000 : i32
    %div3A_173 = arith.divsi %reduce_min3A_163, %jit3A_172 : i32
    %sign3A_174 = arith.constant 0 : i32
    %sign3A_175 = arith.cmpi sgt, %reduce_min3A_163, %sign3A_174 : i32
    %sign3A_176 = arith.extui %sign3A_175 : i1 to i32
    %sign3A_177 = arith.constant 0 : i32
    %sign3A_178 = arith.cmpi slt, %reduce_min3A_163, %sign3A_177 : i32
    %sign3A_179 = arith.extui %sign3A_178 : i1 to i32
    %sign3A_180 = arith.subi %sign3A_176, %sign3A_179 : i32
    %sign3A_181 = arith.constant 0 : i32
    %sign3A_182 = arith.cmpi sgt, %jit3A_172, %sign3A_181 : i32
    %sign3A_183 = arith.extui %sign3A_182 : i1 to i32
    %sign3A_184 = arith.constant 0 : i32
    %sign3A_185 = arith.cmpi slt, %jit3A_172, %sign3A_184 : i32
    %sign3A_186 = arith.extui %sign3A_185 : i1 to i32
    %sign3A_187 = arith.subi %sign3A_183, %sign3A_186 : i32
    %ne3A_188 = arith.cmpi ne, %sign3A_180, %sign3A_187 : i32
    %rem3A_189 = arith.remsi %reduce_min3A_163, %jit3A_172 : i32
    %ne3A_190 = arith.constant 0 : i32
    %ne3A_191 = arith.cmpi ne, %rem3A_189, %ne3A_190 : i32
    %and3A_192 = arith.andi %ne3A_188, %ne3A_191 : i1
    %sub3A_193 = arith.constant 1 : i32
    %sub3A_194 = arith.subi %div3A_173, %sub3A_193 : i32
    %select_n3A_195 = arith.select %and3A_192, %sub3A_194, %div3A_173 : i32
    %broadcast_in_dim3A_196 = vector.broadcast %select_n3A_195 : i32 to vector<1x16xi32>
    %select_n3A_197 = arith.select %eq3A_171, %broadcast_in_dim3A_196, %select_n3A_121 : vector<1x16xi1>, vector<1x16xi32>
    %eq3A_198 = arith.constant 2 : i32
    %eq3A_199 = vector.broadcast %eq3A_198 : i32 to vector<1x16xi32>
    %eq3A_200 = arith.cmpi eq, %iota3A, %eq3A_199 : vector<1x16xi32>
    %jit3A_201 = arith.constant 100000 : i32
    %eq3A_202 = arith.constant 0 : i32
    %eq3A_203 = arith.cmpi eq, %jit3A_201, %eq3A_202 : i32
    %jit3A_204 = arith.constant 1 : i32
    %select_n3A_205 = arith.select %eq3A_203, %jit3A_204, %jit3A_201 : i32
    %rem3A_206 = arith.remsi %reduce_min3A_163, %select_n3A_205 : i32
    %ne3A_207 = arith.constant 0 : i32
    %ne3A_208 = arith.cmpi ne, %rem3A_206, %ne3A_207 : i32
    %lt3A_209 = arith.constant 0 : i32
    %lt3A_210 = arith.cmpi slt, %rem3A_206, %lt3A_209 : i32
    %lt3A_211 = arith.constant 0 : i32
    %lt3A_212 = arith.cmpi slt, %select_n3A_205, %lt3A_211 : i32
    %ne3A_213 = arith.xori %lt3A_210, %lt3A_212 : i1
    %and3A_214 = arith.andi %ne3A_213, %ne3A_208 : i1
    %add3A_215 = arith.addi %rem3A_206, %select_n3A_205 : i32
    %select_n3A_216 = arith.select %and3A_214, %add3A_215, %rem3A_206 : i32
    %broadcast_in_dim3A_217 = vector.broadcast %select_n3A_216 : i32 to vector<1x16xi32>
    %select_n3A_218 = arith.select %eq3A_200, %broadcast_in_dim3A_217, %select_n3A_142 : vector<1x16xi1>, vector<1x16xi32>
    %eq3A_219 = vector.broadcast %reduce_min3A_163 : i32 to vector<16x16xi32>
    %eq3A_220 = arith.cmpi eq, %get3A_4, %eq3A_219 : vector<16x16xi32>
    %and3A_221 = arith.andi %eq3A_155, %eq3A_220 : vector<16x16xi1>
    %jit3A_222 = arith.constant 0xFF800000 : f32
    %broadcast_in_dim3A_223 = vector.broadcast %jit3A_222 : f32 to vector<16x16xf32>
    %select_n3A_224 = arith.select %and3A_221, %broadcast_in_dim3A_223, %select_n3A_148 : vector<16x16xi1>, vector<16x16xf32>
    %reduce_max3A_225 = vector.shape_cast %select_n3A_224 : vector<16x16xf32> to vector<1x16x16xf32>
    %reduce_max3A_226 = arith.constant dense<0xFF800000> : vector<1xf32>
    %reduce_max3A_227 = vector.multi_reduction <maximumf>, %reduce_max3A_225, %reduce_max3A_226 [1, 2] : vector<1x16x16xf32> to vector<1xf32>
    %reduce_max3A_228 = vector.shape_cast %reduce_max3A_227 : vector<1xf32> to vector<1x1x1xf32>
    %reduce_max3A_229 = vector.extract %reduce_max3A_228[0, 0, 0] : f32 from vector<1x1x1xf32>
    %eq3A_230 = vector.broadcast %reduce_max3A_229 : f32 to vector<16x16xf32>
    %eq3A_231 = arith.cmpf oeq, %select_n3A_224, %eq3A_230 : vector<16x16xf32>
    %jit3A_232 = arith.constant 2147483647 : i32
    %broadcast_in_dim3A_233 = vector.broadcast %jit3A_232 : i32 to vector<16x16xi32>
    %select_n3A_234 = arith.select %eq3A_231, %get3A_4, %broadcast_in_dim3A_233 : vector<16x16xi1>, vector<16x16xi32>
    %reduce_min3A_235 = vector.shape_cast %select_n3A_234 : vector<16x16xi32> to vector<1x16x16xi32>
    %reduce_min3A_236 = arith.constant dense<2147483647> : vector<1xi32>
    %reduce_min3A_237 = vector.multi_reduction <minsi>, %reduce_min3A_235, %reduce_min3A_236 [1, 2] : vector<1x16x16xi32> to vector<1xi32>
    %reduce_min3A_238 = vector.shape_cast %reduce_min3A_237 : vector<1xi32> to vector<1x1x1xi32>
    %reduce_min3A_239 = vector.extract %reduce_min3A_238[0, 0, 0] : i32 from vector<1x1x1xi32>
    %eq3A_240 = arith.constant 3 : i32
    %eq3A_241 = vector.broadcast %eq3A_240 : i32 to vector<1x16xi32>
    %eq3A_242 = arith.cmpi eq, %iota3A, %eq3A_241 : vector<1x16xi32>
    %broadcast_in_dim3A_243 = vector.broadcast %reduce_max3A_229 : f32 to vector<1x16xf32>
    %select_n3A_244 = arith.select %eq3A_242, %broadcast_in_dim3A_243, %select_n3A_168 : vector<1x16xi1>, vector<1x16xf32>
    %eq3A_245 = arith.constant 3 : i32
    %eq3A_246 = vector.broadcast %eq3A_245 : i32 to vector<1x16xi32>
    %eq3A_247 = arith.cmpi eq, %iota3A, %eq3A_246 : vector<1x16xi32>
    %jit3A_248 = arith.constant 100000 : i32
    %div3A_249 = arith.divsi %reduce_min3A_239, %jit3A_248 : i32
    %sign3A_250 = arith.constant 0 : i32
    %sign3A_251 = arith.cmpi sgt, %reduce_min3A_239, %sign3A_250 : i32
    %sign3A_252 = arith.extui %sign3A_251 : i1 to i32
    %sign3A_253 = arith.constant 0 : i32
    %sign3A_254 = arith.cmpi slt, %reduce_min3A_239, %sign3A_253 : i32
    %sign3A_255 = arith.extui %sign3A_254 : i1 to i32
    %sign3A_256 = arith.subi %sign3A_252, %sign3A_255 : i32
    %sign3A_257 = arith.constant 0 : i32
    %sign3A_258 = arith.cmpi sgt, %jit3A_248, %sign3A_257 : i32
    %sign3A_259 = arith.extui %sign3A_258 : i1 to i32
    %sign3A_260 = arith.constant 0 : i32
    %sign3A_261 = arith.cmpi slt, %jit3A_248, %sign3A_260 : i32
    %sign3A_262 = arith.extui %sign3A_261 : i1 to i32
    %sign3A_263 = arith.subi %sign3A_259, %sign3A_262 : i32
    %ne3A_264 = arith.cmpi ne, %sign3A_256, %sign3A_263 : i32
    %rem3A_265 = arith.remsi %reduce_min3A_239, %jit3A_248 : i32
    %ne3A_266 = arith.constant 0 : i32
    %ne3A_267 = arith.cmpi ne, %rem3A_265, %ne3A_266 : i32
    %and3A_268 = arith.andi %ne3A_264, %ne3A_267 : i1
    %sub3A_269 = arith.constant 1 : i32
    %sub3A_270 = arith.subi %div3A_249, %sub3A_269 : i32
    %select_n3A_271 = arith.select %and3A_268, %sub3A_270, %div3A_249 : i32
    %broadcast_in_dim3A_272 = vector.broadcast %select_n3A_271 : i32 to vector<1x16xi32>
    %select_n3A_273 = arith.select %eq3A_247, %broadcast_in_dim3A_272, %select_n3A_197 : vector<1x16xi1>, vector<1x16xi32>
    %eq3A_274 = arith.constant 3 : i32
    %eq3A_275 = vector.broadcast %eq3A_274 : i32 to vector<1x16xi32>
    %eq3A_276 = arith.cmpi eq, %iota3A, %eq3A_275 : vector<1x16xi32>
    %jit3A_277 = arith.constant 100000 : i32
    %eq3A_278 = arith.constant 0 : i32
    %eq3A_279 = arith.cmpi eq, %jit3A_277, %eq3A_278 : i32
    %jit3A_280 = arith.constant 1 : i32
    %select_n3A_281 = arith.select %eq3A_279, %jit3A_280, %jit3A_277 : i32
    %rem3A_282 = arith.remsi %reduce_min3A_239, %select_n3A_281 : i32
    %ne3A_283 = arith.constant 0 : i32
    %ne3A_284 = arith.cmpi ne, %rem3A_282, %ne3A_283 : i32
    %lt3A_285 = arith.constant 0 : i32
    %lt3A_286 = arith.cmpi slt, %rem3A_282, %lt3A_285 : i32
    %lt3A_287 = arith.constant 0 : i32
    %lt3A_288 = arith.cmpi slt, %select_n3A_281, %lt3A_287 : i32
    %ne3A_289 = arith.xori %lt3A_286, %lt3A_288 : i1
    %and3A_290 = arith.andi %ne3A_289, %ne3A_284 : i1
    %add3A_291 = arith.addi %rem3A_282, %select_n3A_281 : i32
    %select_n3A_292 = arith.select %and3A_290, %add3A_291, %rem3A_282 : i32
    %broadcast_in_dim3A_293 = vector.broadcast %select_n3A_292 : i32 to vector<1x16xi32>
    %select_n3A_294 = arith.select %eq3A_276, %broadcast_in_dim3A_293, %select_n3A_218 : vector<1x16xi1>, vector<1x16xi32>
    %eq3A_295 = vector.broadcast %reduce_min3A_239 : i32 to vector<16x16xi32>
    %eq3A_296 = arith.cmpi eq, %get3A_4, %eq3A_295 : vector<16x16xi32>
    %and3A_297 = arith.andi %eq3A_231, %eq3A_296 : vector<16x16xi1>
    %jit3A_298 = arith.constant 0xFF800000 : f32
    %broadcast_in_dim3A_299 = vector.broadcast %jit3A_298 : f32 to vector<16x16xf32>
    %select_n3A_300 = arith.select %and3A_297, %broadcast_in_dim3A_299, %select_n3A_224 : vector<16x16xi1>, vector<16x16xf32>
    %reduce_max3A_301 = vector.shape_cast %select_n3A_300 : vector<16x16xf32> to vector<1x16x16xf32>
    %reduce_max3A_302 = arith.constant dense<0xFF800000> : vector<1xf32>
    %reduce_max3A_303 = vector.multi_reduction <maximumf>, %reduce_max3A_301, %reduce_max3A_302 [1, 2] : vector<1x16x16xf32> to vector<1xf32>
    %reduce_max3A_304 = vector.shape_cast %reduce_max3A_303 : vector<1xf32> to vector<1x1x1xf32>
    %reduce_max3A_305 = vector.extract %reduce_max3A_304[0, 0, 0] : f32 from vector<1x1x1xf32>
    %eq3A_306 = vector.broadcast %reduce_max3A_305 : f32 to vector<16x16xf32>
    %eq3A_307 = arith.cmpf oeq, %select_n3A_300, %eq3A_306 : vector<16x16xf32>
    %jit3A_308 = arith.constant 2147483647 : i32
    %broadcast_in_dim3A_309 = vector.broadcast %jit3A_308 : i32 to vector<16x16xi32>
    %select_n3A_310 = arith.select %eq3A_307, %get3A_4, %broadcast_in_dim3A_309 : vector<16x16xi1>, vector<16x16xi32>
    %reduce_min3A_311 = vector.shape_cast %select_n3A_310 : vector<16x16xi32> to vector<1x16x16xi32>
    %reduce_min3A_312 = arith.constant dense<2147483647> : vector<1xi32>
    %reduce_min3A_313 = vector.multi_reduction <minsi>, %reduce_min3A_311, %reduce_min3A_312 [1, 2] : vector<1x16x16xi32> to vector<1xi32>
    %reduce_min3A_314 = vector.shape_cast %reduce_min3A_313 : vector<1xi32> to vector<1x1x1xi32>
    %reduce_min3A_315 = vector.extract %reduce_min3A_314[0, 0, 0] : i32 from vector<1x1x1xi32>
    %eq3A_316 = arith.constant 4 : i32
    %eq3A_317 = vector.broadcast %eq3A_316 : i32 to vector<1x16xi32>
    %eq3A_318 = arith.cmpi eq, %iota3A, %eq3A_317 : vector<1x16xi32>
    %broadcast_in_dim3A_319 = vector.broadcast %reduce_max3A_305 : f32 to vector<1x16xf32>
    %select_n3A_320 = arith.select %eq3A_318, %broadcast_in_dim3A_319, %select_n3A_244 : vector<1x16xi1>, vector<1x16xf32>
    %eq3A_321 = arith.constant 4 : i32
    %eq3A_322 = vector.broadcast %eq3A_321 : i32 to vector<1x16xi32>
    %eq3A_323 = arith.cmpi eq, %iota3A, %eq3A_322 : vector<1x16xi32>
    %jit3A_324 = arith.constant 100000 : i32
    %div3A_325 = arith.divsi %reduce_min3A_315, %jit3A_324 : i32
    %sign3A_326 = arith.constant 0 : i32
    %sign3A_327 = arith.cmpi sgt, %reduce_min3A_315, %sign3A_326 : i32
    %sign3A_328 = arith.extui %sign3A_327 : i1 to i32
    %sign3A_329 = arith.constant 0 : i32
    %sign3A_330 = arith.cmpi slt, %reduce_min3A_315, %sign3A_329 : i32
    %sign3A_331 = arith.extui %sign3A_330 : i1 to i32
    %sign3A_332 = arith.subi %sign3A_328, %sign3A_331 : i32
    %sign3A_333 = arith.constant 0 : i32
    %sign3A_334 = arith.cmpi sgt, %jit3A_324, %sign3A_333 : i32
    %sign3A_335 = arith.extui %sign3A_334 : i1 to i32
    %sign3A_336 = arith.constant 0 : i32
    %sign3A_337 = arith.cmpi slt, %jit3A_324, %sign3A_336 : i32
    %sign3A_338 = arith.extui %sign3A_337 : i1 to i32
    %sign3A_339 = arith.subi %sign3A_335, %sign3A_338 : i32
    %ne3A_340 = arith.cmpi ne, %sign3A_332, %sign3A_339 : i32
    %rem3A_341 = arith.remsi %reduce_min3A_315, %jit3A_324 : i32
    %ne3A_342 = arith.constant 0 : i32
    %ne3A_343 = arith.cmpi ne, %rem3A_341, %ne3A_342 : i32
    %and3A_344 = arith.andi %ne3A_340, %ne3A_343 : i1
    %sub3A_345 = arith.constant 1 : i32
    %sub3A_346 = arith.subi %div3A_325, %sub3A_345 : i32
    %select_n3A_347 = arith.select %and3A_344, %sub3A_346, %div3A_325 : i32
    %broadcast_in_dim3A_348 = vector.broadcast %select_n3A_347 : i32 to vector<1x16xi32>
    %select_n3A_349 = arith.select %eq3A_323, %broadcast_in_dim3A_348, %select_n3A_273 : vector<1x16xi1>, vector<1x16xi32>
    %eq3A_350 = arith.constant 4 : i32
    %eq3A_351 = vector.broadcast %eq3A_350 : i32 to vector<1x16xi32>
    %eq3A_352 = arith.cmpi eq, %iota3A, %eq3A_351 : vector<1x16xi32>
    %jit3A_353 = arith.constant 100000 : i32
    %eq3A_354 = arith.constant 0 : i32
    %eq3A_355 = arith.cmpi eq, %jit3A_353, %eq3A_354 : i32
    %jit3A_356 = arith.constant 1 : i32
    %select_n3A_357 = arith.select %eq3A_355, %jit3A_356, %jit3A_353 : i32
    %rem3A_358 = arith.remsi %reduce_min3A_315, %select_n3A_357 : i32
    %ne3A_359 = arith.constant 0 : i32
    %ne3A_360 = arith.cmpi ne, %rem3A_358, %ne3A_359 : i32
    %lt3A_361 = arith.constant 0 : i32
    %lt3A_362 = arith.cmpi slt, %rem3A_358, %lt3A_361 : i32
    %lt3A_363 = arith.constant 0 : i32
    %lt3A_364 = arith.cmpi slt, %select_n3A_357, %lt3A_363 : i32
    %ne3A_365 = arith.xori %lt3A_362, %lt3A_364 : i1
    %and3A_366 = arith.andi %ne3A_365, %ne3A_360 : i1
    %add3A_367 = arith.addi %rem3A_358, %select_n3A_357 : i32
    %select_n3A_368 = arith.select %and3A_366, %add3A_367, %rem3A_358 : i32
    %broadcast_in_dim3A_369 = vector.broadcast %select_n3A_368 : i32 to vector<1x16xi32>
    %select_n3A_370 = arith.select %eq3A_352, %broadcast_in_dim3A_369, %select_n3A_294 : vector<1x16xi1>, vector<1x16xi32>
    %eq3A_371 = vector.broadcast %reduce_min3A_315 : i32 to vector<16x16xi32>
    %eq3A_372 = arith.cmpi eq, %get3A_4, %eq3A_371 : vector<16x16xi32>
    %and3A_373 = arith.andi %eq3A_307, %eq3A_372 : vector<16x16xi1>
    %jit3A_374 = arith.constant 0xFF800000 : f32
    %broadcast_in_dim3A_375 = vector.broadcast %jit3A_374 : f32 to vector<16x16xf32>
    %select_n3A_376 = arith.select %and3A_373, %broadcast_in_dim3A_375, %select_n3A_300 : vector<16x16xi1>, vector<16x16xf32>
    %reduce_max3A_377 = vector.shape_cast %select_n3A_376 : vector<16x16xf32> to vector<1x16x16xf32>
    %reduce_max3A_378 = arith.constant dense<0xFF800000> : vector<1xf32>
    %reduce_max3A_379 = vector.multi_reduction <maximumf>, %reduce_max3A_377, %reduce_max3A_378 [1, 2] : vector<1x16x16xf32> to vector<1xf32>
    %reduce_max3A_380 = vector.shape_cast %reduce_max3A_379 : vector<1xf32> to vector<1x1x1xf32>
    %reduce_max3A_381 = vector.extract %reduce_max3A_380[0, 0, 0] : f32 from vector<1x1x1xf32>
    %eq3A_382 = vector.broadcast %reduce_max3A_381 : f32 to vector<16x16xf32>
    %eq3A_383 = arith.cmpf oeq, %select_n3A_376, %eq3A_382 : vector<16x16xf32>
    %jit3A_384 = arith.constant 2147483647 : i32
    %broadcast_in_dim3A_385 = vector.broadcast %jit3A_384 : i32 to vector<16x16xi32>
    %select_n3A_386 = arith.select %eq3A_383, %get3A_4, %broadcast_in_dim3A_385 : vector<16x16xi1>, vector<16x16xi32>
    %reduce_min3A_387 = vector.shape_cast %select_n3A_386 : vector<16x16xi32> to vector<1x16x16xi32>
    %reduce_min3A_388 = arith.constant dense<2147483647> : vector<1xi32>
    %reduce_min3A_389 = vector.multi_reduction <minsi>, %reduce_min3A_387, %reduce_min3A_388 [1, 2] : vector<1x16x16xi32> to vector<1xi32>
    %reduce_min3A_390 = vector.shape_cast %reduce_min3A_389 : vector<1xi32> to vector<1x1x1xi32>
    %reduce_min3A_391 = vector.extract %reduce_min3A_390[0, 0, 0] : i32 from vector<1x1x1xi32>
    %eq3A_392 = arith.constant 5 : i32
    %eq3A_393 = vector.broadcast %eq3A_392 : i32 to vector<1x16xi32>
    %eq3A_394 = arith.cmpi eq, %iota3A, %eq3A_393 : vector<1x16xi32>
    %broadcast_in_dim3A_395 = vector.broadcast %reduce_max3A_381 : f32 to vector<1x16xf32>
    %select_n3A_396 = arith.select %eq3A_394, %broadcast_in_dim3A_395, %select_n3A_320 : vector<1x16xi1>, vector<1x16xf32>
    %eq3A_397 = arith.constant 5 : i32
    %eq3A_398 = vector.broadcast %eq3A_397 : i32 to vector<1x16xi32>
    %eq3A_399 = arith.cmpi eq, %iota3A, %eq3A_398 : vector<1x16xi32>
    %jit3A_400 = arith.constant 100000 : i32
    %div3A_401 = arith.divsi %reduce_min3A_391, %jit3A_400 : i32
    %sign3A_402 = arith.constant 0 : i32
    %sign3A_403 = arith.cmpi sgt, %reduce_min3A_391, %sign3A_402 : i32
    %sign3A_404 = arith.extui %sign3A_403 : i1 to i32
    %sign3A_405 = arith.constant 0 : i32
    %sign3A_406 = arith.cmpi slt, %reduce_min3A_391, %sign3A_405 : i32
    %sign3A_407 = arith.extui %sign3A_406 : i1 to i32
    %sign3A_408 = arith.subi %sign3A_404, %sign3A_407 : i32
    %sign3A_409 = arith.constant 0 : i32
    %sign3A_410 = arith.cmpi sgt, %jit3A_400, %sign3A_409 : i32
    %sign3A_411 = arith.extui %sign3A_410 : i1 to i32
    %sign3A_412 = arith.constant 0 : i32
    %sign3A_413 = arith.cmpi slt, %jit3A_400, %sign3A_412 : i32
    %sign3A_414 = arith.extui %sign3A_413 : i1 to i32
    %sign3A_415 = arith.subi %sign3A_411, %sign3A_414 : i32
    %ne3A_416 = arith.cmpi ne, %sign3A_408, %sign3A_415 : i32
    %rem3A_417 = arith.remsi %reduce_min3A_391, %jit3A_400 : i32
    %ne3A_418 = arith.constant 0 : i32
    %ne3A_419 = arith.cmpi ne, %rem3A_417, %ne3A_418 : i32
    %and3A_420 = arith.andi %ne3A_416, %ne3A_419 : i1
    %sub3A_421 = arith.constant 1 : i32
    %sub3A_422 = arith.subi %div3A_401, %sub3A_421 : i32
    %select_n3A_423 = arith.select %and3A_420, %sub3A_422, %div3A_401 : i32
    %broadcast_in_dim3A_424 = vector.broadcast %select_n3A_423 : i32 to vector<1x16xi32>
    %select_n3A_425 = arith.select %eq3A_399, %broadcast_in_dim3A_424, %select_n3A_349 : vector<1x16xi1>, vector<1x16xi32>
    %eq3A_426 = arith.constant 5 : i32
    %eq3A_427 = vector.broadcast %eq3A_426 : i32 to vector<1x16xi32>
    %eq3A_428 = arith.cmpi eq, %iota3A, %eq3A_427 : vector<1x16xi32>
    %jit3A_429 = arith.constant 100000 : i32
    %eq3A_430 = arith.constant 0 : i32
    %eq3A_431 = arith.cmpi eq, %jit3A_429, %eq3A_430 : i32
    %jit3A_432 = arith.constant 1 : i32
    %select_n3A_433 = arith.select %eq3A_431, %jit3A_432, %jit3A_429 : i32
    %rem3A_434 = arith.remsi %reduce_min3A_391, %select_n3A_433 : i32
    %ne3A_435 = arith.constant 0 : i32
    %ne3A_436 = arith.cmpi ne, %rem3A_434, %ne3A_435 : i32
    %lt3A_437 = arith.constant 0 : i32
    %lt3A_438 = arith.cmpi slt, %rem3A_434, %lt3A_437 : i32
    %lt3A_439 = arith.constant 0 : i32
    %lt3A_440 = arith.cmpi slt, %select_n3A_433, %lt3A_439 : i32
    %ne3A_441 = arith.xori %lt3A_438, %lt3A_440 : i1
    %and3A_442 = arith.andi %ne3A_441, %ne3A_436 : i1
    %add3A_443 = arith.addi %rem3A_434, %select_n3A_433 : i32
    %select_n3A_444 = arith.select %and3A_442, %add3A_443, %rem3A_434 : i32
    %broadcast_in_dim3A_445 = vector.broadcast %select_n3A_444 : i32 to vector<1x16xi32>
    %select_n3A_446 = arith.select %eq3A_428, %broadcast_in_dim3A_445, %select_n3A_370 : vector<1x16xi1>, vector<1x16xi32>
    %eq3A_447 = vector.broadcast %reduce_min3A_391 : i32 to vector<16x16xi32>
    %eq3A_448 = arith.cmpi eq, %get3A_4, %eq3A_447 : vector<16x16xi32>
    %and3A_449 = arith.andi %eq3A_383, %eq3A_448 : vector<16x16xi1>
    %jit3A_450 = arith.constant 0xFF800000 : f32
    %broadcast_in_dim3A_451 = vector.broadcast %jit3A_450 : f32 to vector<16x16xf32>
    %select_n3A_452 = arith.select %and3A_449, %broadcast_in_dim3A_451, %select_n3A_376 : vector<16x16xi1>, vector<16x16xf32>
    %reduce_max3A_453 = vector.shape_cast %select_n3A_452 : vector<16x16xf32> to vector<1x16x16xf32>
    %reduce_max3A_454 = arith.constant dense<0xFF800000> : vector<1xf32>
    %reduce_max3A_455 = vector.multi_reduction <maximumf>, %reduce_max3A_453, %reduce_max3A_454 [1, 2] : vector<1x16x16xf32> to vector<1xf32>
    %reduce_max3A_456 = vector.shape_cast %reduce_max3A_455 : vector<1xf32> to vector<1x1x1xf32>
    %reduce_max3A_457 = vector.extract %reduce_max3A_456[0, 0, 0] : f32 from vector<1x1x1xf32>
    %eq3A_458 = vector.broadcast %reduce_max3A_457 : f32 to vector<16x16xf32>
    %eq3A_459 = arith.cmpf oeq, %select_n3A_452, %eq3A_458 : vector<16x16xf32>
    %jit3A_460 = arith.constant 2147483647 : i32
    %broadcast_in_dim3A_461 = vector.broadcast %jit3A_460 : i32 to vector<16x16xi32>
    %select_n3A_462 = arith.select %eq3A_459, %get3A_4, %broadcast_in_dim3A_461 : vector<16x16xi1>, vector<16x16xi32>
    %reduce_min3A_463 = vector.shape_cast %select_n3A_462 : vector<16x16xi32> to vector<1x16x16xi32>
    %reduce_min3A_464 = arith.constant dense<2147483647> : vector<1xi32>
    %reduce_min3A_465 = vector.multi_reduction <minsi>, %reduce_min3A_463, %reduce_min3A_464 [1, 2] : vector<1x16x16xi32> to vector<1xi32>
    %reduce_min3A_466 = vector.shape_cast %reduce_min3A_465 : vector<1xi32> to vector<1x1x1xi32>
    %reduce_min3A_467 = vector.extract %reduce_min3A_466[0, 0, 0] : i32 from vector<1x1x1xi32>
    %eq3A_468 = arith.constant 6 : i32
    %eq3A_469 = vector.broadcast %eq3A_468 : i32 to vector<1x16xi32>
    %eq3A_470 = arith.cmpi eq, %iota3A, %eq3A_469 : vector<1x16xi32>
    %broadcast_in_dim3A_471 = vector.broadcast %reduce_max3A_457 : f32 to vector<1x16xf32>
    %select_n3A_472 = arith.select %eq3A_470, %broadcast_in_dim3A_471, %select_n3A_396 : vector<1x16xi1>, vector<1x16xf32>
    %eq3A_473 = arith.constant 6 : i32
    %eq3A_474 = vector.broadcast %eq3A_473 : i32 to vector<1x16xi32>
    %eq3A_475 = arith.cmpi eq, %iota3A, %eq3A_474 : vector<1x16xi32>
    %jit3A_476 = arith.constant 100000 : i32
    %div3A_477 = arith.divsi %reduce_min3A_467, %jit3A_476 : i32
    %sign3A_478 = arith.constant 0 : i32
    %sign3A_479 = arith.cmpi sgt, %reduce_min3A_467, %sign3A_478 : i32
    %sign3A_480 = arith.extui %sign3A_479 : i1 to i32
    %sign3A_481 = arith.constant 0 : i32
    %sign3A_482 = arith.cmpi slt, %reduce_min3A_467, %sign3A_481 : i32
    %sign3A_483 = arith.extui %sign3A_482 : i1 to i32
    %sign3A_484 = arith.subi %sign3A_480, %sign3A_483 : i32
    %sign3A_485 = arith.constant 0 : i32
    %sign3A_486 = arith.cmpi sgt, %jit3A_476, %sign3A_485 : i32
    %sign3A_487 = arith.extui %sign3A_486 : i1 to i32
    %sign3A_488 = arith.constant 0 : i32
    %sign3A_489 = arith.cmpi slt, %jit3A_476, %sign3A_488 : i32
    %sign3A_490 = arith.extui %sign3A_489 : i1 to i32
    %sign3A_491 = arith.subi %sign3A_487, %sign3A_490 : i32
    %ne3A_492 = arith.cmpi ne, %sign3A_484, %sign3A_491 : i32
    %rem3A_493 = arith.remsi %reduce_min3A_467, %jit3A_476 : i32
    %ne3A_494 = arith.constant 0 : i32
    %ne3A_495 = arith.cmpi ne, %rem3A_493, %ne3A_494 : i32
    %and3A_496 = arith.andi %ne3A_492, %ne3A_495 : i1
    %sub3A_497 = arith.constant 1 : i32
    %sub3A_498 = arith.subi %div3A_477, %sub3A_497 : i32
    %select_n3A_499 = arith.select %and3A_496, %sub3A_498, %div3A_477 : i32
    %broadcast_in_dim3A_500 = vector.broadcast %select_n3A_499 : i32 to vector<1x16xi32>
    %select_n3A_501 = arith.select %eq3A_475, %broadcast_in_dim3A_500, %select_n3A_425 : vector<1x16xi1>, vector<1x16xi32>
    %eq3A_502 = arith.constant 6 : i32
    %eq3A_503 = vector.broadcast %eq3A_502 : i32 to vector<1x16xi32>
    %eq3A_504 = arith.cmpi eq, %iota3A, %eq3A_503 : vector<1x16xi32>
    %jit3A_505 = arith.constant 100000 : i32
    %eq3A_506 = arith.constant 0 : i32
    %eq3A_507 = arith.cmpi eq, %jit3A_505, %eq3A_506 : i32
    %jit3A_508 = arith.constant 1 : i32
    %select_n3A_509 = arith.select %eq3A_507, %jit3A_508, %jit3A_505 : i32
    %rem3A_510 = arith.remsi %reduce_min3A_467, %select_n3A_509 : i32
    %ne3A_511 = arith.constant 0 : i32
    %ne3A_512 = arith.cmpi ne, %rem3A_510, %ne3A_511 : i32
    %lt3A_513 = arith.constant 0 : i32
    %lt3A_514 = arith.cmpi slt, %rem3A_510, %lt3A_513 : i32
    %lt3A_515 = arith.constant 0 : i32
    %lt3A_516 = arith.cmpi slt, %select_n3A_509, %lt3A_515 : i32
    %ne3A_517 = arith.xori %lt3A_514, %lt3A_516 : i1
    %and3A_518 = arith.andi %ne3A_517, %ne3A_512 : i1
    %add3A_519 = arith.addi %rem3A_510, %select_n3A_509 : i32
    %select_n3A_520 = arith.select %and3A_518, %add3A_519, %rem3A_510 : i32
    %broadcast_in_dim3A_521 = vector.broadcast %select_n3A_520 : i32 to vector<1x16xi32>
    %select_n3A_522 = arith.select %eq3A_504, %broadcast_in_dim3A_521, %select_n3A_446 : vector<1x16xi1>, vector<1x16xi32>
    %eq3A_523 = vector.broadcast %reduce_min3A_467 : i32 to vector<16x16xi32>
    %eq3A_524 = arith.cmpi eq, %get3A_4, %eq3A_523 : vector<16x16xi32>
    %and3A_525 = arith.andi %eq3A_459, %eq3A_524 : vector<16x16xi1>
    %jit3A_526 = arith.constant 0xFF800000 : f32
    %broadcast_in_dim3A_527 = vector.broadcast %jit3A_526 : f32 to vector<16x16xf32>
    %select_n3A_528 = arith.select %and3A_525, %broadcast_in_dim3A_527, %select_n3A_452 : vector<16x16xi1>, vector<16x16xf32>
    %reduce_max3A_529 = vector.shape_cast %select_n3A_528 : vector<16x16xf32> to vector<1x16x16xf32>
    %reduce_max3A_530 = arith.constant dense<0xFF800000> : vector<1xf32>
    %reduce_max3A_531 = vector.multi_reduction <maximumf>, %reduce_max3A_529, %reduce_max3A_530 [1, 2] : vector<1x16x16xf32> to vector<1xf32>
    %reduce_max3A_532 = vector.shape_cast %reduce_max3A_531 : vector<1xf32> to vector<1x1x1xf32>
    %reduce_max3A_533 = vector.extract %reduce_max3A_532[0, 0, 0] : f32 from vector<1x1x1xf32>
    %eq3A_534 = vector.broadcast %reduce_max3A_533 : f32 to vector<16x16xf32>
    %eq3A_535 = arith.cmpf oeq, %select_n3A_528, %eq3A_534 : vector<16x16xf32>
    %jit3A_536 = arith.constant 2147483647 : i32
    %broadcast_in_dim3A_537 = vector.broadcast %jit3A_536 : i32 to vector<16x16xi32>
    %select_n3A_538 = arith.select %eq3A_535, %get3A_4, %broadcast_in_dim3A_537 : vector<16x16xi1>, vector<16x16xi32>
    %reduce_min3A_539 = vector.shape_cast %select_n3A_538 : vector<16x16xi32> to vector<1x16x16xi32>
    %reduce_min3A_540 = arith.constant dense<2147483647> : vector<1xi32>
    %reduce_min3A_541 = vector.multi_reduction <minsi>, %reduce_min3A_539, %reduce_min3A_540 [1, 2] : vector<1x16x16xi32> to vector<1xi32>
    %reduce_min3A_542 = vector.shape_cast %reduce_min3A_541 : vector<1xi32> to vector<1x1x1xi32>
    %reduce_min3A_543 = vector.extract %reduce_min3A_542[0, 0, 0] : i32 from vector<1x1x1xi32>
    %eq3A_544 = arith.constant 7 : i32
    %eq3A_545 = vector.broadcast %eq3A_544 : i32 to vector<1x16xi32>
    %eq3A_546 = arith.cmpi eq, %iota3A, %eq3A_545 : vector<1x16xi32>
    %broadcast_in_dim3A_547 = vector.broadcast %reduce_max3A_533 : f32 to vector<1x16xf32>
    %select_n3A_548 = arith.select %eq3A_546, %broadcast_in_dim3A_547, %select_n3A_472 : vector<1x16xi1>, vector<1x16xf32>
    %eq3A_549 = arith.constant 7 : i32
    %eq3A_550 = vector.broadcast %eq3A_549 : i32 to vector<1x16xi32>
    %eq3A_551 = arith.cmpi eq, %iota3A, %eq3A_550 : vector<1x16xi32>
    %jit3A_552 = arith.constant 100000 : i32
    %div3A_553 = arith.divsi %reduce_min3A_543, %jit3A_552 : i32
    %sign3A_554 = arith.constant 0 : i32
    %sign3A_555 = arith.cmpi sgt, %reduce_min3A_543, %sign3A_554 : i32
    %sign3A_556 = arith.extui %sign3A_555 : i1 to i32
    %sign3A_557 = arith.constant 0 : i32
    %sign3A_558 = arith.cmpi slt, %reduce_min3A_543, %sign3A_557 : i32
    %sign3A_559 = arith.extui %sign3A_558 : i1 to i32
    %sign3A_560 = arith.subi %sign3A_556, %sign3A_559 : i32
    %sign3A_561 = arith.constant 0 : i32
    %sign3A_562 = arith.cmpi sgt, %jit3A_552, %sign3A_561 : i32
    %sign3A_563 = arith.extui %sign3A_562 : i1 to i32
    %sign3A_564 = arith.constant 0 : i32
    %sign3A_565 = arith.cmpi slt, %jit3A_552, %sign3A_564 : i32
    %sign3A_566 = arith.extui %sign3A_565 : i1 to i32
    %sign3A_567 = arith.subi %sign3A_563, %sign3A_566 : i32
    %ne3A_568 = arith.cmpi ne, %sign3A_560, %sign3A_567 : i32
    %rem3A_569 = arith.remsi %reduce_min3A_543, %jit3A_552 : i32
    %ne3A_570 = arith.constant 0 : i32
    %ne3A_571 = arith.cmpi ne, %rem3A_569, %ne3A_570 : i32
    %and3A_572 = arith.andi %ne3A_568, %ne3A_571 : i1
    %sub3A_573 = arith.constant 1 : i32
    %sub3A_574 = arith.subi %div3A_553, %sub3A_573 : i32
    %select_n3A_575 = arith.select %and3A_572, %sub3A_574, %div3A_553 : i32
    %broadcast_in_dim3A_576 = vector.broadcast %select_n3A_575 : i32 to vector<1x16xi32>
    %select_n3A_577 = arith.select %eq3A_551, %broadcast_in_dim3A_576, %select_n3A_501 : vector<1x16xi1>, vector<1x16xi32>
    %eq3A_578 = arith.constant 7 : i32
    %eq3A_579 = vector.broadcast %eq3A_578 : i32 to vector<1x16xi32>
    %eq3A_580 = arith.cmpi eq, %iota3A, %eq3A_579 : vector<1x16xi32>
    %jit3A_581 = arith.constant 100000 : i32
    %eq3A_582 = arith.constant 0 : i32
    %eq3A_583 = arith.cmpi eq, %jit3A_581, %eq3A_582 : i32
    %jit3A_584 = arith.constant 1 : i32
    %select_n3A_585 = arith.select %eq3A_583, %jit3A_584, %jit3A_581 : i32
    %rem3A_586 = arith.remsi %reduce_min3A_543, %select_n3A_585 : i32
    %ne3A_587 = arith.constant 0 : i32
    %ne3A_588 = arith.cmpi ne, %rem3A_586, %ne3A_587 : i32
    %lt3A_589 = arith.constant 0 : i32
    %lt3A_590 = arith.cmpi slt, %rem3A_586, %lt3A_589 : i32
    %lt3A_591 = arith.constant 0 : i32
    %lt3A_592 = arith.cmpi slt, %select_n3A_585, %lt3A_591 : i32
    %ne3A_593 = arith.xori %lt3A_590, %lt3A_592 : i1
    %and3A_594 = arith.andi %ne3A_593, %ne3A_588 : i1
    %add3A_595 = arith.addi %rem3A_586, %select_n3A_585 : i32
    %select_n3A_596 = arith.select %and3A_594, %add3A_595, %rem3A_586 : i32
    %broadcast_in_dim3A_597 = vector.broadcast %select_n3A_596 : i32 to vector<1x16xi32>
    %select_n3A_598 = arith.select %eq3A_580, %broadcast_in_dim3A_597, %select_n3A_522 : vector<1x16xi1>, vector<1x16xi32>
    %swap3A = arith.constant 0 : index
    %swap3A_599 = arith.constant 0 : index
    %swap3A_600 = vector.load %arg2[%swap3A, %swap3A_599] : memref<1x16xf32, #tpu.memory_space<vmem>>, vector<1x16xf32>
    tpu.vector_store %arg2[%swap3A, %swap3A_599], %select_n3A_548 {strides = array<i32>} : memref<1x16xf32, #tpu.memory_space<vmem>>, vector<1x16xf32>,
    %swap3A_601 = arith.constant 0 : index
    %swap3A_602 = arith.constant 0 : index
    %swap3A_603 = vector.load %arg3[%swap3A_601, %swap3A_602] : memref<1x16xi32, #tpu.memory_space<vmem>>, vector<1x16xi32>
    tpu.vector_store %arg3[%swap3A_601, %swap3A_602], %select_n3A_577 {strides = array<i32>} : memref<1x16xi32, #tpu.memory_space<vmem>>, vector<1x16xi32>,
    %swap3A_604 = arith.constant 0 : index
    %swap3A_605 = arith.constant 0 : index
    %swap3A_606 = vector.load %arg4[%swap3A_604, %swap3A_605] : memref<1x16xi32, #tpu.memory_space<vmem>>, vector<1x16xi32>
    tpu.vector_store %arg4[%swap3A_604, %swap3A_605], %select_n3A_598 {strides = array<i32>} : memref<1x16xi32, #tpu.memory_space<vmem>>, vector<1x16xi32>,
    return
  }
}

</mosaic_0001>

<sc_bundles>
// kernel: kernel.5.cloned.1.call-start
scs
__scs_entry_jumppad:
0x0: {  	(pc) =	sbr.rel $0x88, $3  }
0x1: {  	(tag) =	ssettag $0x0;
	lr =	simm.s32 $0x1  }
0x2: {  	[smem:$0x3F9F] =	sst lr;
	_ =	strace $0xD0000000  }
0x3: {  	_ = 	snop  }
0x4: {  	_ = 	snop  }
0x5: {  	_ = 	snop  }
0x6: {  	_ = 	snop  }
0x7: {  	_ = 	snop  }
__scs_overlays_trampoline_lowered:
0x8: {  	[smem:$0x3FAE] =	sst s0  }
0x9: {  	[smem:$0x3FAF] =	sst s1  }
0xa: {  	[smem:$0x3FB0] =	sst s2  }
0xb: {  	[smem:$0x3FB1] =	sst s3  }
0xc: {  	[smem:$0x3FB2] =	sst s4  }
0xd: {  	[smem:$0x3FB3] =	sst s5  }
0xe: {  	[smem:$0x3FB4] =	sst s6  }
0xf: {  	[smem:$0x3FB5] =	sst s7  }
0x10: {  	[smem:$0x3FB6] =	sst s8  }
0x11: {  	[smem:$0x3FB7] =	sst s9;
	s0 =	simm.s32 @!p0 $0x0  }
0x12: {  	s1 =	sld [smem:$0x3F9D];
	s0 =	simm.s32 @p0 $0x1  }
0x13: {  	[smem:$0x3FB8] =	sst s0;
	s0 =	simm.s32 @!p1 $0x0  }
0x14: {  	s2 =	sld [smem:$0x3F9C];
	s0 =	simm.s32 @p1 $0x1  }
0x15: {  	[smem:$0x3FB9] =	sst s0;
	s0 =	simm.s32 @!p2 $0x0  }
0x16: {  	s3 =	sld [smem:$0x3FDB];
	s0 =	simm.s32 @p2 $0x1  }
0x17: {  	s4 =	simm.s32 $0x1BF5;
	[smem:$0x3FBB] =	sst s0  }
0x18: {  	s0 =	sld [smem:$0x3F9E];
	_ =	swait.ge [sflag:s4], $0x0  }
0x19: {  	s7 =	sld [smem:$0x3F9F]  }
0x1a: {  	s8 =	sadd.s32 $0xFFFFE003, lr  }
0x1b: {  	s9 =	sadd.s32 $0xFFFFFEF7, lr;
	s5 =	simm.s32 $0xFFFFFFFF;
	p2 =	slt.u32 s8, $0xFFFFF086  }
0x1c: {  	p1 =	slt.u32 s9, $0xF7A;
	s5 =	simm.s32 @!p2 $0x0  }
0x1d: {  	s5 =	simm.s32 @p1 $0x1;
	p0 =	seq.s32 s7, s2  }
0x1e: {  	s7 =	smul.u32 @!p0 $0xF7A, s2;
	p2 =	seq.s32 @!p0 s5, $0x0  }
0x1f: {  	s9 =	smul.u32 $0xF7A, s1;
	s8 =	simm.s32 @!p0 $0x1BF5;
	p2 =	por !p2, p0  }
0x20: {  	[sflag:s8] =	ssyncset.s32 @!p0 $0xFFFFF086;
	s6 =	sadd.s32 @!p0 s3, s7;
	s7 =	simm.s32 @!p0 $0x108  }
0x21: {  	s3 =	sadd.s32 s3, s9;
	s6 =	sadd.s32 @!p0 $0x88, s6;
	s7 =	simm.s32 @p2 $0x1082  }
0x22: {  	[simem:s7], [sflag:s8] =	dma.local @!p0 [hbm:s6], $0xF7A  }
0x23: {  	s9 =	sor.u32 $0xD0000000, s2;
	s6 =	simm.s32 $0x108;
	_ =	swait.ge @!p0 [sflag:s8], $0x0  }
0x24: {  	s3 =	sadd.s32 $0x88, s3;
	s6 =	simm.s32 @!p1 $0x1082;
	[sflag:s4] =	ssyncset.s32 $0xFFFFF086  }
0x25: {  	[simem:s6], [sflag:s4] =	dma.local [hbm:s3], $0xF7A  }
0x26: {  	[smem:$0x3F9F] =	sst s1;
	(tag) =	ssettag s2;
	_ =	strace s9  }
0x27: {  	s1 =	sld [smem:$0x3FAF]  }
0x28: {  	s2 =	sld [smem:$0x3FB0]  }
0x29: {  	s4 =	sld [smem:$0x3FB2]  }
0x2a: {  	p0 =	seq.s32 s5, $0x0;
	s5 =	sld [smem:$0x3FB3]  }
0x2b: {  	s6 =	sld [smem:$0x3FB4]  }
0x2c: {  	s7 =	sld [smem:$0x3FB5]  }
0x2d: {  	s3 =	simm.s32 $0x108;
	s8 =	sld [smem:$0x3FB6]  }
0x2e: {  	s3 =	simm.s32 @!p0 $0x1082;
	s9 =	sld [smem:$0x3FB7]  }
0x2f: {  	lr =	sadd.s32 s0, s3;
	s0 =	sld [smem:$0x3FAE]  }
0x30: {  	s3 =	sld [smem:$0x3FB1]  }
0x31: {  	[smem:$0x3FBA] =	sst s10  }
0x32: {  	s10 =	sld [smem:$0x3FB8];
	_ =	sdelay $0x3  }
0x33: {  	p0 =	seq.s32 s10, $0x1;
	s10 =	sld [smem:$0x3FBA];
	_ =	sdelay $0x3  }
0x34: {  	[smem:$0x3FBA] =	sst s10  }
0x35: {  	s10 =	sld [smem:$0x3FB9];
	_ =	sdelay $0x3  }
0x36: {  	p1 =	seq.s32 s10, $0x1;
	s10 =	sld [smem:$0x3FBA];
	_ =	sdelay $0x3  }
0x37: {  	[smem:$0x3FBA] =	sst s10  }
0x38: {  	s10 =	sld [smem:$0x3FBB]  }
0x39: {  	_ = 	snop;
	(pc) =	sbr.ind lr, $3  }
0x3a: {  	_ = 	snop  }
0x3b: {  	_ = 	snop  }
0x3c: {  	p2 =	seq.s32 s10, $0x1;
	s10 =	sld [smem:$0x3FBA]  }
0x3d: {  	_ =	shalt  }
0x3e: {  	_ =	shalt  }
0x3f: {  	_ =	shalt  }
0x40: {  	_ =	shalt  }
0x41: {  	_ =	shalt  }
0x42: {  	_ =	shalt  }
0x43: {  	_ =	shalt  }
0x44: {  	_ =	shalt  }
0x45: {  	_ =	shalt  }
0x46: {  	_ =	shalt  }
0x47: {  	_ =	shalt  }
0x48: {  	_ =	shalt  }
0x49: {  	_ =	shalt  }
0x4a: {  	_ =	shalt  }
0x4b: {  	_ =	shalt  }
0x4c: {  	_ =	shalt  }
0x4d: {  	_ =	shalt  }
0x4e: {  	_ =	shalt  }
0x4f: {  	_ =	shalt  }
0x50: {  	_ =	shalt  }
0x51: {  	_ =	shalt  }
0x52: {  	_ =	shalt  }
0x53: {  	_ =	shalt  }
0x54: {  	_ =	shalt  }
0x55: {  	_ =	shalt  }
0x56: {  	_ =	shalt  }
0x57: {  	_ =	shalt  }
0x58: {  	_ =	shalt  }
0x59: {  	_ =	shalt  }
0x5a: {  	_ =	shalt  }
0x5b: {  	_ =	shalt  }
0x5c: {  	_ =	shalt  }
0x5d: {  	_ =	shalt  }
0x5e: {  	_ =	shalt  }
0x5f: {  	_ =	shalt  }
0x60: {  	_ =	shalt  }
0x61: {  	_ =	shalt  }
0x62: {  	_ =	shalt  }
0x63: {  	_ =	shalt  }
0x64: {  	_ =	shalt  }
0x65: {  	_ =	shalt  }
0x66: {  	_ =	shalt  }
0x67: {  	_ =	shalt  }
0x68: {  	_ =	shalt  }
0x69: {  	_ =	shalt  }
0x6a: {  	_ =	shalt  }
0x6b: {  	_ =	shalt  }
0x6c: {  	_ =	shalt  }
0x6d: {  	_ =	shalt  }
0x6e: {  	_ =	shalt  }
0x6f: {  	_ =	shalt  }
0x70: {  	_ =	shalt  }
0x71: {  	_ =	shalt  }
0x72: {  	_ =	shalt  }
0x73: {  	_ =	shalt  }
0x74: {  	_ =	shalt  }
0x75: {  	_ =	shalt  }
0x76: {  	_ =	shalt  }
0x77: {  	_ =	shalt  }
0x78: {  	_ =	shalt  }
0x79: {  	_ =	shalt  }
0x7a: {  	_ =	shalt  }
0x7b: {  	_ =	shalt  }
0x7c: {  	_ =	shalt  }
0x7d: {  	_ =	shalt  }
0x7e: {  	_ =	shalt  }
0x7f: {  	_ =	shalt  }
0x80: {  	_ =	shalt  }
0x81: {  	_ =	shalt  }
0x82: {  	_ =	shalt  }
0x83: {  	_ =	shalt  }
0x84: {  	_ =	shalt  }
0x85: {  	_ =	shalt  }
0x86: {  	_ =	shalt  }
0x87: {  	_ =	shalt  }
.Lfunc_end0:
.L_simem_size_0:
called_computation_lowered:
.L_overlay_start_0:
0x88: {  	s2 =	sld [smem:$0x3FD9]  }
0x89: {  	s3 =	sld [smem:$0x3FFE];
	_ =	sdelay $0x1  }
0x8a: {  	s1 =	srdreg.scid  }
0x8b: {  	s0 =	sand.u32 $0x1, s1  }
0x8c: {  	s14 =	sshll.u32 s0, $0xA;
	s2 =	sadd.s32 s3, s2  }
0x8d: {  	s2 =	sadd.s32 s2, s14  }
0x8e: {  	[smem:$0x3FC6] =	sst s2  }
0x8f: {  	_ = 	snop  }
0x90: {  	s2 =	sld [smem:$0x3FD0];
	_ =	sdelay $0x2  }
0x91: {  	s4 =	simm.s32 $0xA;
	s5 =	simm.s32 $0x10;
	s15 =	sld [smem:$0x3FC9]  }
0x92: {  	[smem:s5], [sflag:s4] =	dma.local [hbm:s2], $0x1  }
0x93: {  	_ =	swait.eq [sflag:s4], $0x1  }
0x94: {  	[sflag:s4] =	ssyncset.done $0x0  }
0x95: {  	[sflag:s4] =	ssyncadd.s32 $0xFFFFFFFF  }
0x96: {  	s16 =	sld [smem:$0x11];
	(tm) =	ssettm $0x1  }
0x97: {  	s17 =	sld [smem:$0x3FFB];
	_ =	sdelay $0x3  }
0x98: {  	_ =	strace s17  }
0x99: {  	s4 =	sld [smem:$0x3FFC];
	_ =	sdelay $0x3  }
0x9a: {  	_ =	strace s4  }
0x9b: {  	s4 =	sld [smem:$0x3FFD];
	_ =	sdelay $0x3  }
0x9c: {  	_ =	strace s4  }
0x9d: {  	_ =	strace $0x8FFFFFFF  }
0x9e: {  	s18 =	sld [smem:$0x3FDB];
	_ =	sdelay $0x1  }
0x9f: {  	s19 =	simm.s32 $_scs_section_size  }
0xa0: {  	s6 =	simm.s32 $_size__tile_overlayer_lowered;
	s7 =	simm.s32 $_tile_overlayer_lowered  }
0xa1: {  	s22 =	simm.s32 $0x1BFF;
	s21 =	sshll.u32 s7, $0x1;
	s4 =	sadd.s32 s19, s18  }
0xa2: {  	s8 =	simm.s32 $0x0;
	s20 =	sshll.u32 s6, $0x1;
	s6 =	sadd.s32 s21, s4  }
0xa3: {  	[timem:s8], [sflag:s22] =	dma.local [hbm:s6], s20  }
0xa4: {  	_ =	swait.ge [sflag:s22], s20  }
0xa5: {  	s5 =	ssub.s32 $0x0, s20;
	[sflag:s22] =	ssyncset.done $0x0  }
0xa6: {  	[sflag:s22] =	ssyncadd.s32 s5;
	_ =	sdelay $0x1  }
0xa7: {  	s23 =	simm.s32 $0x1B8B  }
0xa8: {  	_ =	swait.ge [sflag:s23], $0x1  }
0xa9: {  	[sflag:s23] =	ssyncset.done $0x0  }
0xaa: {  	s25 =	simm.s32 $0x1B8E;
	s24 =	sld [smem:$0x3FFE];
	[sflag:s23] =	ssyncadd.s32 $0xFFFFFFFF  }
0xab: {  	s26 =	simm.s32 $execute0_lowered;
	[smem:$0x3FD2] =	sst s25  }
0xac: {  	s6 =	sshll.u32 s26, $0x1;
	_ =	strace $0x80000046;
	[dreg:$0x1] =	wrdreg $0xFFFFFFFF  }
0xad: {  	s28 =	simm.s32 $_size_execute0_lowered;
	s4 =	sadd.s32 s4, s6;
	[dreg:$0x0] =	wrdreg $0x0  }
0xae: {  	s6 =	sshll.u32 s28, $0x1;
	[dreg:$0x2] =	wrdreg s4  }
0xaf: {  	[dreg:$0x3] =	wrdreg s6  }
0xb0: {  	[dreg:$0x4] =	wrdreg $0xC0  }
0xb1: {  	_ =	task [dreg:s8], $0x5FFFF  }
0xb2: {  	[dreg:$0x1] =	wrdreg $0xFFFFFFFF  }
0xb3: {  	[dreg:$0x0] =	wrdreg $0x60  }
0xb4: {  	[dreg:$0x2] =	wrdreg s15  }
0xb5: {  	[dreg:$0x3] =	wrdreg s24  }
0xb6: {  	[dreg:$0x4] =	wrdreg s16  }
0xb7: {  	[dreg:$0x5] =	wrdreg $0x9  }
0xb8: {  	_ =	task.clear_ibuf [dreg:s8], $0x6FFFF;
	_ =	strace $0x90000046  }
0xb9: {  	s29 =	simm.s32 $0x9;
	_ =	strace $0x80000048  }
0xba: {  	_ =	swait.ge [sflag:s29], $0x1  }
0xbb: {  	[sflag:s29] =	ssyncadd.s32 $0xFFFFFFFF  }
0xbc: {  	_ =	strace $0x90000048  }
0xbd: {  	_ =	sfence  }
0xbe: {  	s30 =	sld [smem:$0x0];
	_ =	sdelay $0x2  }
0xbf: {  	s31 =	sshll.u32 s1, $0xD;
	s1 =	sshrl.u32 s1, $0x2  }
0xc0: {  	s3 =	sand.u32 $0x4000, s31;
	s1 =	sadd.s32 s1, s30  }
0xc1: {  	s0 =	sor.u32 s3, s0;
	s1 =	sshll.u32 s1, $0x11  }
0xc2: {  	s0 =	sor.u32 s1, s0  }
0xc3: {  	s0 =	sadd.s32 $0x8F2B, s0  }
0xc4: {  	[sflag:s0] =	ssyncadd.remote.s32 $0x1  }
0xc5: {  	_ =	sfence.sel $0xFFFF  }
0xc6: {  	[dreg:$0x0] =	wrdreg $0xFFFFFFFF;
	(pc) =	sbr.abs _section_cstart, $3  }
0xc7: {  	[dreg:$0x1] =	wrdreg $0xFFFFFFFF  }
0xc8: {  	_ =	task.clear_ibuf [dreg:s8], $0x2FFFF;
	_ =	strace $0x9FFFFFFF  }
0xc9: {  	(tm) =	ssettm $0x7FFFFFFF  }
tec
execute0_lowered:
.L_overlay_start_1:
0x0: {  	(tag) =	ssettag $0x1  }
0x1: {  	s2 =	stileid.u32  }
0x2: {  	p0 =	sgt.u32 s2, $0x7  }
.Ltmp0:
0x3: {  	s1 =	rddreg [dreg:$0x0];
	(pc) =	sbr.rel @p0 .LBB2_9-.Ltmp0, $4  }
0x4: {  	s7 =	rddreg [dreg:$0x1]  }
0x5: {  	s3 =	rddreg [dreg:$0x2];
	s4 =	simm.s32 $0x0  }
0x6: {  	[smem:$0x7FF] =	sst s4  }
0x7: {  	s0 =	rddreg [dreg:$0x3];
	_ =	strace $0x80000047  }
0x8: {  	v0 =	vlaneseq.u32  }
0x9: {  	v1 =	vor.u32 $0x10, v0;
	v2 =	vor.u32 $0x20, v0;
	v4 =	vor.u32 $0x40, v0  }
0xa: {  	v3 =	vor.u32 $0x30, v0;
	v24 =	vor.u32 $0x180, v0;
	[tilespmem:$0x1FEC0] =	vst v4;
	v4 =	vor.u32 $0x50, v0  }
0xb: {  	s6 =	srdreg.scid;
	v25 =	vor.u32 $0x190, v0;
	v26 =	vor.u32 $0x1A0, v0;
	[tilespmem:$0x1FED0] =	vst v4;
	v4 =	vor.u32 $0x60, v0  }
0xc: {  	s5 =	sadd.s32 $0x1600, s7;
	s11 =	sshll.u32 s2, $0x4;
	s8 =	sand.u32 $0x1, s6;
	v27 =	vor.u32 $0x1B0, v0;
	v28 =	vor.u32 $0x1C0, v0;
	[tilespmem:$0x1FEE0] =	vst v4;
	v4 =	vor.u32 $0x70, v0  }
0xd: {  	s12 =	sand.u32 $0x1, s2;
	s29 =	sshll.u32 s2, $0xC;
	v29 =	vor.u32 $0x1D0, v0;
	v30 =	vor.u32 $0x1E0, v0;
	s10 =	sshll.u32 s8, $0x3;
	[tilespmem:$0x1FEF0] =	vst v4;
	v4 =	vor.u32 $0x80, v0  }
0xe: {  	s14 =	simm.s32 $0xA080;
	s15 =	simm.s32 $0xA100;
	v31 =	vor.u32 $0x1F0, v0;
	v32 =	vor.u32 $0x200, v0;
	s10 =	sadd.s32 s2, s10;
	[tilespmem:$0x1FF00] =	vst v4;
	v4 =	vor.u32 $0x90, v0  }
0xf: {  	s16 =	simm.s32 $0x0;
	p0 =	seq.s32 s12, $0x1;
	v33 =	vor.u32 $0x210, v0;
	v34 =	vor.u32 $0x220, v0;
	p1 =	seq.s32 s10, $0x0;
	[tilespmem:$0x1FF10] =	vst v4;
	v4 =	vor.u32 $0xA0, v0  }
0x10: {  	s6 =	sadd.s32 $0x1200, s7;
	v35 =	vor.u32 $0x230, v0;
	v36 =	vor.u32 $0x240, v0;
	s9 =	sshll.u32 s8, $0x7;
	p1 =	por !p1, !p0;
	[tilespmem:$0x1FF20] =	vst v4;
	v4 =	vor.u32 $0xB0, v0  }
0x11: {  	v37 =	vor.u32 $0x250, v0;
	v38 =	vor.u32 $0x260, v0;
	s28 =	sshrl.u32 s10, $0x1;
	s10 =	simm.s32 $0x1;
	p1 =	por !p1, !p1;
	[tilespmem:$0x1FF30] =	vst v4;
	v4 =	vor.u32 $0xC0, v0  }
0x12: {  	v39 =	vor.u32 $0x270, v0;
	v40 =	vor.u32 $0x280, v0;
	s13 =	ssub.s32 $0x2, s8;
	s8 =	sand.u32 $0x1000, s29;
	s10 =	simm.s32 @!p1 $0x0;
	[tilespmem:$0x1FF40] =	vst v4;
	v4 =	vor.u32 $0xD0, v0  }
0x13: {  	v41 =	vor.u32 $0x290, v0;
	v42 =	vor.u32 $0x2A0, v0;
	p6 =	por !p0, !p0;
	s9 =	sadd.s32 s11, s9;
	s17 =	ssub.s32 s28, s10;
	[tilespmem:$0x1FF50] =	vst v4;
	v4 =	vor.u32 $0xE0, v0  }
0x14: {  	v43 =	vor.u32 $0x2B0, v0;
	v44 =	vor.u32 $0x2C0, v0;
	s30 =	sshrl.u32 s13, $0x1;
	s11 =	sadd.s32 s9, s7;
	p1 =	seq.s32 s17, $0x7;
	[tilespmem:$0x1FF60] =	vst v4;
	v4 =	vor.u32 $0xF0, v0  }
0x15: {  	v45 =	vor.u32 $0x2D0, v0;
	v46 =	vor.u32 $0x2E0, v0;
	s7 =	simm.s32 $0x1;
	s31 =	ssub.s32 s13, s30;
	s12 =	simm.s32 @!p1 $0x0;
	[tilespmem:$0x1FF70] =	vst v4;
	v4 =	vor.u32 $0x100, v0  }
0x16: {  	v47 =	vor.u32 $0x2F0, v0;
	v48 =	vor.u32 $0x300, v0;
	s13 =	simm.s32 $0x2080;
	s12 =	simm.s32 @p1 $0x1;
	p1 =	seq.s32 s17, $0x6;
	[tilespmem:$0x1FF80] =	vst v4;
	v4 =	vor.u32 $0x110, v0  }
0x17: {  	v49 =	vor.u32 $0x310, v0;
	v50 =	vor.u32 $0x320, v0;
	s9 =	sadd.s32 $0x1A00, s11;
	[smem:$0x7FA] =	sst s12;
	s12 =	simm.s32 @!p1 $0x0;
	[tilespmem:$0x1FF90] =	vst v4;
	v4 =	vor.u32 $0x120, v0  }
0x18: {  	v51 =	vor.u32 $0x330, v0;
	v52 =	vor.u32 $0x340, v0;
	s10 =	sadd.s32 $0x1C00, s11;
	s12 =	simm.s32 @p1 $0x1;
	p1 =	seq.s32 s17, $0x5;
	[tilespmem:$0x1FFA0] =	vst v4;
	v4 =	vor.u32 $0x130, v0  }
.Ltmp1:
0x19: {  	v53 =	vor.u32 $0x350, v0;
	v54 =	vor.u32 $0x360, v0;
	[smem:$0x7FB] =	sst s12;
	s12 =	simm.s32 @!p1 $0x0;
	[tilespmem:$0x1FFB0] =	vst v4;
	v4 =	vor.u32 $0x140, v0;
	(pc) =	sbr.rel .LBB2_2-.Ltmp1, $4  }
0x1a: {  	v55 =	vor.u32 $0x370, v0;
	v56 =	vor.u32 $0x380, v0;
	s11 =	smax.u32 s31, $0x1;
	s12 =	simm.s32 @p1 $0x1;
	p1 =	seq.s32 s17, $0x4;
	[tilespmem:$0x1FFC0] =	vst v4;
	v4 =	vor.u32 $0x150, v0  }
0x1b: {  	v57 =	vor.u32 $0x390, v0;
	v58 =	vor.u32 $0x3A0, v0;
	p4 =	seq.s32 s17, $0x3;
	[smem:$0x7FC] =	sst s12;
	s12 =	simm.s32 @!p1 $0x0;
	[tilespmem:$0x1FFD0] =	vst v4;
	v4 =	vor.u32 $0x160, v0  }
0x1c: {  	v59 =	vor.u32 $0x3B0, v0;
	v60 =	vor.u32 $0x3C0, v0;
	p5 =	seq.s32 s17, $0x2;
	p0 =	seq.s32 s17, $0x1;
	s12 =	simm.s32 @p1 $0x1;
	[tilespmem:$0x1FFE0] =	vst v4;
	v4 =	vor.u32 $0x170, v0  }
0x1d: {  	v61 =	vor.u32 $0x3D0, v0;
	v62 =	vor.u32 $0x3E0, v0;
	v63 =	vor.u32 $0x3F0, v0;
	p1 =	seq.s32 s17, $0x0;
	[smem:$0x7FD] =	sst s12;
	s12 =	simm.s32 $0x2000;
	[tilespmem:$0x1FFF0] =	vst v4  }
.LBB2_3:
0x1e: {  	s17 =	sshll.u32 s22, $0x7  }
0x1f: {  	s17 =	sand.u32 $0x1FFFFF80, s17  }
0x20: {  	s17 =	sadd.s32 s6, s17  }
0x21: {  	[tilespmem:s13], [sflag:$0x1] =	stream.linear.gather [hbm4b:s17+s4], $0x400, $0x38;
	[tilespmem:$0xA180] =	vst v63  }
0x22: {  	_ =	swait.ge [sflag:s7], $0x400  }
0x23: {  	[sflag:s7] =	ssyncset.done $0x0  }
0x24: {  	s23 =	sshll.u32 s21, $0x7;
	[sflag:s7] =	ssyncadd.s32 $0xFFFFFC00  }
0x25: {  	v5 =	vld [tilespmem:s23+$0x2080];
	_ =	sdelay $0x2  }
0x26: {  	v4 =	vbroadcast v4, $0xF;
	_ =	sdelay $0x1  }
0x27: {  	s18 =	sadd.s32 $0x18680, s20;
	v5 =	vadd.f32 v5, v4  }
0x28: {  	v6 =	vor.u32 s18, v0  }
0x29: {  	(xrf1) =	vsort.dscd.msk.f32 $0xffff, v5, v6;
	_ =	sdelay $0xb  }
0x2a: {  	v5 =	vld [tilespmem:s23+$0x2090];
	_ =	sdelay $0x1  }
0x2b: {  	v6, v7, _ =	vpop (xrf1)  }
0x2c: {  	vm0 =	vlt.f32 v6, $-Inf;
	vm1 =	vgt.f32 v6, $-Inf  }
0x2d: {  	vm0 =	vmor vm1, vm0  }
0x2e: {  	s24 =	sadd.s32 $0x18690, s20;
	v5 =	vadd.f32 v5, v4;
	v6 =	vnsel vm0, $0xFF800000, v6;
	v7 =	vnsel vm0, $0x0, v7  }
0x2f: {  	v13 =	vor.u32 s24, v0;
	(xrf1) =	vsort.ascd.msk.f32 $0xffff, v6, v7  }
0x30: {  	(xrf1) =	vsort.dscd.msk.f32 $0xffff, v5, v13;
	_ =	sdelay $0xa  }
0x31: {  	v5 =	vld [tilespmem:s23+$0x20A0];
	_ =	sdelay $0x1  }
0x32: {  	v14, v7, _ =	vpop (xrf1)  }
0x33: {  	v8, v9, _ =	vpop (xrf1)  }
0x34: {  	vm9 =	vgt.f32 v8, v14  }
0x35: {  	s25 =	sadd.s32 $0x186A0, s20;
	v5 =	vadd.f32 v5, v4;
	v6 =	vsel vm9, v8, v14;
	v7 =	vsel vm9, v9, v7  }
0x36: {  	v15 =	vor.u32 s25, v0;
	(xrf1) =	vsort.ascd.msk.f32 $0xffff, v6, v7  }
0x37: {  	(xrf1) =	vsort.dscd.msk.f32 $0xffff, v5, v15;
	_ =	sdelay $0xa  }
0x38: {  	v5 =	vld [tilespmem:s23+$0x20B0];
	_ =	sdelay $0x1  }
0x39: {  	v21, v7, _ =	vpop (xrf1)  }
0x3a: {  	v22, v23, _ =	vpop (xrf1)  }
0x3b: {  	vm10 =	vgt.f32 v22, v21  }
0x3c: {  	s26 =	sadd.s32 $0x186B0, s20;
	v5 =	vadd.f32 v5, v4;
	v6 =	vsel vm10, v22, v21;
	v7 =	vsel vm10, v23, v7  }
0x3d: {  	v11 =	vor.u32 s26, v0;
	(xrf1) =	vsort.ascd.msk.f32 $0xffff, v6, v7  }
0x3e: {  	(xrf1) =	vsort.dscd.msk.f32 $0xffff, v5, v11;
	_ =	sdelay $0xa  }
0x3f: {  	v5 =	vld [tilespmem:s23+$0x20C0];
	_ =	sdelay $0x1  }
0x40: {  	v12, v7, _ =	vpop (xrf1)  }
0x41: {  	v13, v14, _ =	vpop (xrf1)  }
0x42: {  	vm11 =	vgt.f32 v13, v12  }
0x43: {  	s28 =	sadd.s32 $0x186C0, s20;
	v5 =	vadd.f32 v5, v4;
	v6 =	vsel vm11, v13, v12;
	v7 =	vsel vm11, v14, v7  }
0x44: {  	v15 =	vor.u32 s28, v0;
	(xrf1) =	vsort.ascd.msk.f32 $0xffff, v6, v7  }
0x45: {  	(xrf1) =	vsort.dscd.msk.f32 $0xffff, v5, v15;
	_ =	sdelay $0xa  }
0x46: {  	v5 =	vld [tilespmem:s23+$0x20D0];
	_ =	sdelay $0x1  }
0x47: {  	v21, v7, _ =	vpop (xrf1)  }
0x48: {  	v22, v23, _ =	vpop (xrf1)  }
0x49: {  	vm12 =	vgt.f32 v22, v21  }
0x4a: {  	s29 =	sadd.s32 $0x186D0, s20;
	v5 =	vadd.f32 v5, v4;
	v6 =	vsel vm12, v22, v21;
	v7 =	vsel vm12, v23, v7  }
0x4b: {  	v11 =	vor.u32 s29, v0;
	(xrf1) =	vsort.ascd.msk.f32 $0xffff, v6, v7  }
0x4c: {  	(xrf1) =	vsort.dscd.msk.f32 $0xffff, v5, v11;
	_ =	sdelay $0xa  }
0x4d: {  	v5 =	vld [tilespmem:s23+$0x20E0];
	_ =	sdelay $0x1  }
0x4e: {  	v12, v7, _ =	vpop (xrf1)  }
0x4f: {  	v13, v14, _ =	vpop (xrf1)  }
0x50: {  	vm13 =	vgt.f32 v13, v12  }
0x51: {  	s30 =	sadd.s32 $0x186E0, s20;
	v5 =	vadd.f32 v5, v4;
	v6 =	vsel vm13, v13, v12;
	v7 =	vsel vm13, v14, v7  }
0x52: {  	v15 =	vor.u32 s30, v0;
	(xrf1) =	vsort.ascd.msk.f32 $0xffff, v6, v7  }
0x53: {  	(xrf1) =	vsort.dscd.msk.f32 $0xffff, v5, v15;
	_ =	sdelay $0xa  }
0x54: {  	v5 =	vld [tilespmem:s23+$0x20F0];
	_ =	sdelay $0x1  }
0x55: {  	v21, v7, _ =	vpop (xrf1)  }
0x56: {  	v22, v23, _ =	vpop (xrf1)  }
0x57: {  	vm14 =	vgt.f32 v22, v21  }
0x58: {  	s31 =	sadd.s32 $0x186F0, s20;
	v4 =	vadd.f32 v5, v4;
	v6 =	vsel vm14, v22, v21;
	v7 =	vsel vm14, v23, v7  }
0x59: {  	v5 =	vor.u32 s31, v0;
	(xrf1) =	vsort.ascd.msk.f32 $0xffff, v6, v7  }
0x5a: {  	(xrf1) =	vsort.dscd.msk.f32 $0xffff, v4, v5;
	_ =	sdelay $0xc  }
0x5b: {  	v4, v5, _ =	vpop (xrf1)  }
0x5c: {  	v6, v7, _ =	vpop (xrf1)  }
0x5d: {  	vm15 =	vgt.f32 v6, v4  }
0x5e: {  	v4 =	vsel vm15, v6, v4;
	v5 =	vsel vm15, v7, v5  }
0x5f: {  	(xrf1) =	vsort.ascd.msk.f32 $0xffff, v4, v5;
	_ =	sdelay $0xd  }
0x60: {  	v19, v18, _ =	vpop (xrf1)  }
.LBB2_8:
0x61: {  	[tilespmem:$0xA080] =	vst v19  }
0x62: {  	[tilespmem:$0xA100] =	vst v18  }
0x63: {  	[hbm4b:s9+s4] =	stream.linear.scatter [tilespmem:s14], [sflag:$0x1], $0x80, $0x38;
	[tilespmem:$0xA180] =	vst v63  }
0x64: {  	s16 =	sadd.s32 $0x1, s16;
	_ =	swait.ge [sflag:s7], $0x80  }
0x65: {  	p2 =	sne.s32 s16, s11;
	[sflag:s7] =	ssyncset.done $0x0  }
.Ltmp2:
0x66: {  	[sflag:s7] =	ssyncadd.s32 $0xFFFFFF80;
	(pc) =	sbr.rel @!p2 .LBB2_9-.Ltmp2, $4  }
0x67: {  	[hbm4b:s10+s4] =	stream.linear.scatter [tilespmem:s15], [sflag:$0x1], $0x80, $0x38;
	[tilespmem:$0xA180] =	vst v63  }
0x68: {  	_ =	swait.ge [sflag:s7], $0x80  }
0x69: {  	[sflag:s7] =	ssyncset.done $0x0  }
0x6a: {  	[sflag:s7] =	ssyncadd.s32 $0xFFFFFF80  }
.LBB2_2:
0x6b: {  	[tilespmem:s4], [sflag:$0x1] =	stream.linear.gather [hbm4b:s5+s4], $0x2000, $0x38;
	[tilespmem:$0xA180] =	vst v63  }
0x6c: {  	_ =	swait.ge [sflag:s7], $0x2000  }
0x6d: {  	[sflag:s7] =	ssyncset.done $0x0  }
0x6e: {  	[sflag:s7] =	ssyncadd.s32 $0xFFFFE000  }
0x6f: {  	[tilespmem:s12], [sflag:$0x1] =	stream.linear.gather [hbm4b:s3+s4], $0x80, $0x38;
	[tilespmem:$0xA180] =	vst v63  }
0x70: {  	_ =	swait.ge [sflag:s7], $0x80  }
0x71: {  	[sflag:s7] =	ssyncset.done $0x0  }
0x72: {  	[sflag:s7] =	ssyncadd.s32 $0xFFFFFF80  }
0x73: {  	v4 =	vld [tilespmem:$0x0];
	_ =	sdelay $0x4  }
0x74: {  	(xrf1) =	vsort.dscd.msk.f32 $0xffff, v4, v0;
	_ =	sdelay $0xd  }
0x75: {  	v6 =	vld [tilespmem:$0x80];
	v4, v5, _ =	vpop (xrf1)  }
0x76: {  	vm0 =	vlt.f32 v4, $-Inf;
	vm1 =	vgt.f32 v4, $-Inf  }
0x77: {  	vm0 =	vmor vm1, vm0  }
0x78: {  	v4 =	vnsel vm0, $0xFF800000, v4;
	v5 =	vnsel vm0, $0x0, v5  }
0x79: {  	(xrf1) =	vsort.ascd.msk.f32 $0xffff, v4, v5  }
0x7a: {  	(xrf1) =	vsort.dscd.msk.f32 $0xffff, v6, v1;
	_ =	sdelay $0xc  }
0x7b: {  	v6 =	vld [tilespmem:$0x100];
	v4, v5, _ =	vpop (xrf1)  }
0x7c: {  	v7, v8, _ =	vpop (xrf1)  }
0x7d: {  	vm13 =	vgt.f32 v7, v4  }
0x7e: {  	v4 =	vsel vm13, v7, v4;
	v5 =	vsel vm13, v8, v5  }
0x7f: {  	(xrf1) =	vsort.ascd.msk.f32 $0xffff, v4, v5  }
0x80: {  	(xrf1) =	vsort.dscd.msk.f32 $0xffff, v6, v2;
	_ =	sdelay $0xc  }
0x81: {  	v6 =	vld [tilespmem:$0x180];
	v4, v5, _ =	vpop (xrf1)  }
0x82: {  	v7, v22, _ =	vpop (xrf1)  }
0x83: {  	vm14 =	vgt.f32 v7, v4  }
0x84: {  	v4 =	vsel vm14, v7, v4;
	v5 =	vsel vm14, v22, v5  }
0x85: {  	(xrf1) =	vsort.ascd.msk.f32 $0xffff, v4, v5  }
0x86: {  	(xrf1) =	vsort.dscd.msk.f32 $0xffff, v6, v3;
	_ =	sdelay $0xc  }
0x87: {  	v4, v5, _ =	vpop (xrf1)  }
0x88: {  	v7, v23, _ =	vpop (xrf1)  }
0x89: {  	vm15 =	vgt.f32 v7, v4  }
0x8a: {  	v6 =	vld [tilespmem:$0x200];
	v4 =	vsel vm15, v7, v4;
	v5 =	vsel vm15, v23, v5  }
0x8b: {  	(xrf1) =	vsort.ascd.msk.f32 $0xffff, v4, v5;
	v4 =	vld [tilespmem:$0x1FEC0];
	_ =	sdelay $0x4  }
0x8c: {  	(xrf1) =	vsort.dscd.msk.f32 $0xffff, v6, v4;
	_ =	sdelay $0xc  }
0x8d: {  	v4, v5, _ =	vpop (xrf1)  }
0x8e: {  	v7, v12, _ =	vpop (xrf1)  }
0x8f: {  	vm4 =	vgt.f32 v7, v4  }
0x90: {  	v6 =	vld [tilespmem:$0x280];
	v4 =	vsel vm4, v7, v4;
	v5 =	vsel vm4, v12, v5  }
0x91: {  	(xrf1) =	vsort.ascd.msk.f32 $0xffff, v4, v5;
	v4 =	vld [tilespmem:$0x1FED0];
	_ =	sdelay $0x4  }
0x92: {  	(xrf1) =	vsort.dscd.msk.f32 $0xffff, v6, v4;
	_ =	sdelay $0xc  }
0x93: {  	v4, v5, _ =	vpop (xrf1)  }
0x94: {  	v7, v13, _ =	vpop (xrf1)  }
0x95: {  	vm5 =	vgt.f32 v7, v4  }
0x96: {  	v6 =	vld [tilespmem:$0x300];
	v4 =	vsel vm5, v7, v4;
	v5 =	vsel vm5, v13, v5  }
0x97: {  	(xrf1) =	vsort.ascd.msk.f32 $0xffff, v4, v5;
	v4 =	vld [tilespmem:$0x1FEE0];
	_ =	sdelay $0x4  }
0x98: {  	(xrf1) =	vsort.dscd.msk.f32 $0xffff, v6, v4;
	_ =	sdelay $0xc  }
0x99: {  	v4, v5, _ =	vpop (xrf1)  }
0x9a: {  	v7, v14, _ =	vpop (xrf1)  }
0x9b: {  	vm6 =	vgt.f32 v7, v4  }
0x9c: {  	v6 =	vld [tilespmem:$0x380];
	v4 =	vsel vm6, v7, v4;
	v5 =	vsel vm6, v14, v5  }
0x9d: {  	(xrf1) =	vsort.ascd.msk.f32 $0xffff, v4, v5;
	v4 =	vld [tilespmem:$0x1FEF0];
	_ =	sdelay $0x4  }
0x9e: {  	(xrf1) =	vsort.dscd.msk.f32 $0xffff, v6, v4;
	_ =	sdelay $0xc  }
0x9f: {  	v4, v5, _ =	vpop (xrf1)  }
0xa0: {  	v7, v15, _ =	vpop (xrf1)  }
0xa1: {  	vm7 =	vgt.f32 v7, v4  }
0xa2: {  	v6 =	vld [tilespmem:$0x400];
	v4 =	vsel vm7, v7, v4;
	v5 =	vsel vm7, v15, v5  }
0xa3: {  	(xrf1) =	vsort.ascd.msk.f32 $0xffff, v4, v5;
	v4 =	vld [tilespmem:$0x1FF00];
	_ =	sdelay $0x4  }
0xa4: {  	(xrf1) =	vsort.dscd.msk.f32 $0xffff, v6, v4;
	_ =	sdelay $0xc  }
0xa5: {  	v4, v5, _ =	vpop (xrf1)  }
0xa6: {  	v7, v16, _ =	vpop (xrf1)  }
0xa7: {  	vm8 =	vgt.f32 v7, v4  }
0xa8: {  	v6 =	vld [tilespmem:$0x480];
	v4 =	vsel vm8, v7, v4;
	v5 =	vsel vm8, v16, v5  }
0xa9: {  	(xrf1) =	vsort.ascd.msk.f32 $0xffff, v4, v5;
	v4 =	vld [tilespmem:$0x1FF10];
	_ =	sdelay $0x4  }
0xaa: {  	(xrf1) =	vsort.dscd.msk.f32 $0xffff, v6, v4;
	_ =	sdelay $0xc  }
0xab: {  	v4, v5, _ =	vpop (xrf1)  }
0xac: {  	v7, v17, _ =	vpop (xrf1)  }
0xad: {  	vm9 =	vgt.f32 v7, v4  }
0xae: {  	v6 =	vld [tilespmem:$0x500];
	v4 =	vsel vm9, v7, v4;
	v5 =	vsel vm9, v17, v5  }
0xaf: {  	(xrf1) =	vsort.ascd.msk.f32 $0xffff, v4, v5;
	v4 =	vld [tilespmem:$0x1FF20];
	_ =	sdelay $0x4  }
0xb0: {  	(xrf1) =	vsort.dscd.msk.f32 $0xffff, v6, v4;
	_ =	sdelay $0xc  }
0xb1: {  	v4, v5, _ =	vpop (xrf1)  }
0xb2: {  	v7, v18, _ =	vpop (xrf1)  }
0xb3: {  	vm10 =	vgt.f32 v7, v4  }
0xb4: {  	v6 =	vld [tilespmem:$0x580];
	v4 =	vsel vm10, v7, v4;
	v5 =	vsel vm10, v18, v5  }
0xb5: {  	(xrf1) =	vsort.ascd.msk.f32 $0xffff, v4, v5;
	v4 =	vld [tilespmem:$0x1FF30];
	_ =	sdelay $0x4  }
0xb6: {  	(xrf1) =	vsort.dscd.msk.f32 $0xffff, v6, v4;
	_ =	sdelay $0xc  }
0xb7: {  	v4, v5, _ =	vpop (xrf1)  }
0xb8: {  	v7, v19, _ =	vpop (xrf1)  }
0xb9: {  	vm11 =	vgt.f32 v7, v4  }
0xba: {  	v6 =	vld [tilespmem:$0x600];
	v4 =	vsel vm11, v7, v4;
	v5 =	vsel vm11, v19, v5  }
0xbb: {  	(xrf1) =	vsort.ascd.msk.f32 $0xffff, v4, v5;
	v4 =	vld [tilespmem:$0x1FF40];
	_ =	sdelay $0x4  }
0xbc: {  	(xrf1) =	vsort.dscd.msk.f32 $0xffff, v6, v4;
	_ =	sdelay $0xc  }
0xbd: {  	v4, v5, _ =	vpop (xrf1)  }
0xbe: {  	v7, v20, _ =	vpop (xrf1)  }
0xbf: {  	vm12 =	vgt.f32 v7, v4  }
0xc0: {  	v6 =	vld [tilespmem:$0x680];
	v4 =	vsel vm12, v7, v4;
	v5 =	vsel vm12, v20, v5  }
0xc1: {  	(xrf1) =	vsort.ascd.msk.f32 $0xffff, v4, v5;
	v4 =	vld [tilespmem:$0x1FF50];
	_ =	sdelay $0x4  }
0xc2: {  	(xrf1) =	vsort.dscd.msk.f32 $0xffff, v6, v4;
	_ =	sdelay $0xc  }
0xc3: {  	v4, v5, _ =	vpop (xrf1)  }
0xc4: {  	v7, v21, _ =	vpop (xrf1)  }
0xc5: {  	vm13 =	vgt.f32 v7, v4  }
0xc6: {  	v6 =	vld [tilespmem:$0x700];
	v4 =	vsel vm13, v7, v4;
	v5 =	vsel vm13, v21, v5  }
0xc7: {  	(xrf1) =	vsort.ascd.msk.f32 $0xffff, v4, v5;
	v4 =	vld [tilespmem:$0x1FF60];
	_ =	sdelay $0x4  }
0xc8: {  	(xrf1) =	vsort.dscd.msk.f32 $0xffff, v6, v4;
	_ =	sdelay $0xc  }
0xc9: {  	v4, v5, _ =	vpop (xrf1)  }
0xca: {  	v7, v22, _ =	vpop (xrf1)  }
0xcb: {  	vm14 =	vgt.f32 v7, v4  }
0xcc: {  	v6 =	vld [tilespmem:$0x780];
	v4 =	vsel vm14, v7, v4;
	v5 =	vsel vm14, v22, v5  }
0xcd: {  	(xrf1) =	vsort.ascd.msk.f32 $0xffff, v4, v5;
	v4 =	vld [tilespmem:$0x1FF70];
	_ =	sdelay $0x4  }
0xce: {  	(xrf1) =	vsort.dscd.msk.f32 $0xffff, v6, v4;
	_ =	sdelay $0xc  }
0xcf: {  	v4, v5, _ =	vpop (xrf1)  }
0xd0: {  	v7, v23, _ =	vpop (xrf1)  }
0xd1: {  	vm15 =	vgt.f32 v7, v4  }
0xd2: {  	v6 =	vld [tilespmem:$0x800];
	v4 =	vsel vm15, v7, v4;
	v5 =	vsel vm15, v23, v5  }
0xd3: {  	(xrf1) =	vsort.ascd.msk.f32 $0xffff, v4, v5;
	v4 =	vld [tilespmem:$0x1FF80];
	_ =	sdelay $0x4  }
0xd4: {  	(xrf1) =	vsort.dscd.msk.f32 $0xffff, v6, v4;
	_ =	sdelay $0xc  }
0xd5: {  	v4, v5, _ =	vpop (xrf1)  }
0xd6: {  	v7, v12, _ =	vpop (xrf1)  }
0xd7: {  	vm4 =	vgt.f32 v7, v4  }
0xd8: {  	v6 =	vld [tilespmem:$0x880];
	v4 =	vsel vm4, v7, v4;
	v5 =	vsel vm4, v12, v5  }
0xd9: {  	(xrf1) =	vsort.ascd.msk.f32 $0xffff, v4, v5;
	v4 =	vld [tilespmem:$0x1FF90];
	_ =	sdelay $0x4  }
0xda: {  	(xrf1) =	vsort.dscd.msk.f32 $0xffff, v6, v4;
	_ =	sdelay $0xc  }
0xdb: {  	v4, v5, _ =	vpop (xrf1)  }
0xdc: {  	v7, v13, _ =	vpop (xrf1)  }
0xdd: {  	vm5 =	vgt.f32 v7, v4  }
0xde: {  	v6 =	vld [tilespmem:$0x900];
	v4 =	vsel vm5, v7, v4;
	v5 =	vsel vm5, v13, v5  }
0xdf: {  	(xrf1) =	vsort.ascd.msk.f32 $0xffff, v4, v5;
	v4 =	vld [tilespmem:$0x1FFA0];
	_ =	sdelay $0x4  }
0xe0: {  	(xrf1) =	vsort.dscd.msk.f32 $0xffff, v6, v4;
	_ =	sdelay $0xc  }
0xe1: {  	v4, v5, _ =	vpop (xrf1)  }
0xe2: {  	v7, v14, _ =	vpop (xrf1)  }
0xe3: {  	vm6 =	vgt.f32 v7, v4  }
0xe4: {  	v6 =	vld [tilespmem:$0x980];
	v4 =	vsel vm6, v7, v4;
	v5 =	vsel vm6, v14, v5  }
0xe5: {  	(xrf1) =	vsort.ascd.msk.f32 $0xffff, v4, v5;
	v4 =	vld [tilespmem:$0x1FFB0];
	_ =	sdelay $0x4  }
0xe6: {  	(xrf1) =	vsort.dscd.msk.f32 $0xffff, v6, v4;
	_ =	sdelay $0xc  }
0xe7: {  	v4, v5, _ =	vpop (xrf1)  }
0xe8: {  	v7, v15, _ =	vpop (xrf1)  }
0xe9: {  	vm7 =	vgt.f32 v7, v4  }
0xea: {  	v6 =	vld [tilespmem:$0xA00];
	v4 =	vsel vm7, v7, v4;
	v5 =	vsel vm7, v15, v5  }
0xeb: {  	(xrf1) =	vsort.ascd.msk.f32 $0xffff, v4, v5;
	v4 =	vld [tilespmem:$0x1FFC0];
	_ =	sdelay $0x4  }
0xec: {  	(xrf1) =	vsort.dscd.msk.f32 $0xffff, v6, v4;
	_ =	sdelay $0xc  }
0xed: {  	v4, v5, _ =	vpop (xrf1)  }
0xee: {  	v7, v16, _ =	vpop (xrf1)  }
0xef: {  	vm8 =	vgt.f32 v7, v4  }
0xf0: {  	v6 =	vld [tilespmem:$0xA80];
	v4 =	vsel vm8, v7, v4;
	v5 =	vsel vm8, v16, v5  }
0xf1: {  	(xrf1) =	vsort.ascd.msk.f32 $0xffff, v4, v5;
	v4 =	vld [tilespmem:$0x1FFD0];
	_ =	sdelay $0x4  }
0xf2: {  	(xrf1) =	vsort.dscd.msk.f32 $0xffff, v6, v4;
	_ =	sdelay $0xc  }
0xf3: {  	v4, v5, _ =	vpop (xrf1)  }
0xf4: {  	v7, v17, _ =	vpop (xrf1)  }
0xf5: {  	vm9 =	vgt.f32 v7, v4  }
0xf6: {  	v6 =	vld [tilespmem:$0xB00];
	v4 =	vsel vm9, v7, v4;
	v5 =	vsel vm9, v17, v5  }
0xf7: {  	(xrf1) =	vsort.ascd.msk.f32 $0xffff, v4, v5;
	v4 =	vld [tilespmem:$0x1FFE0];
	_ =	sdelay $0x4  }
0xf8: {  	(xrf1) =	vsort.dscd.msk.f32 $0xffff, v6, v4;
	_ =	sdelay $0xc  }
0xf9: {  	v4, v5, _ =	vpop (xrf1)  }
0xfa: {  	v7, v18, _ =	vpop (xrf1)  }
0xfb: {  	vm10 =	vgt.f32 v7, v4  }
0xfc: {  	v6 =	vld [tilespmem:$0xB80];
	v4 =	vsel vm10, v7, v4;
	v5 =	vsel vm10, v18, v5  }
0xfd: {  	(xrf1) =	vsort.ascd.msk.f32 $0xffff, v4, v5;
	v4 =	vld [tilespmem:$0x1FFF0];
	_ =	sdelay $0x4  }
0xfe: {  	(xrf1) =	vsort.dscd.msk.f32 $0xffff, v6, v4;
	_ =	sdelay $0xc  }
0xff: {  	v6 =	vld [tilespmem:$0xC00];
	v4, v5, _ =	vpop (xrf1)  }
0x100: {  	v7, v19, _ =	vpop (xrf1)  }
0x101: {  	vm11 =	vgt.f32 v7, v4  }
0x102: {  	v4 =	vsel vm11, v7, v4;
	v5 =	vsel vm11, v19, v5  }
0x103: {  	(xrf1) =	vsort.ascd.msk.f32 $0xffff, v4, v5  }
0x104: {  	(xrf1) =	vsort.dscd.msk.f32 $0xffff, v6, v24;
	_ =	sdelay $0xc  }
0x105: {  	v6 =	vld [tilespmem:$0xC80];
	v4, v5, _ =	vpop (xrf1)  }
0x106: {  	v7, v20, _ =	vpop (xrf1)  }
0x107: {  	vm12 =	vgt.f32 v7, v4  }
0x108: {  	v4 =	vsel vm12, v7, v4;
	v5 =	vsel vm12, v20, v5  }
0x109: {  	(xrf1) =	vsort.ascd.msk.f32 $0xffff, v4, v5  }
0x10a: {  	(xrf1) =	vsort.dscd.msk.f32 $0xffff, v6, v25;
	_ =	sdelay $0xc  }
0x10b: {  	v6 =	vld [tilespmem:$0xD00];
	v4, v5, _ =	vpop (xrf1)  }
0x10c: {  	v7, v21, _ =	vpop (xrf1)  }
0x10d: {  	vm13 =	vgt.f32 v7, v4  }
0x10e: {  	v4 =	vsel vm13, v7, v4;
	v5 =	vsel vm13, v21, v5  }
0x10f: {  	(xrf1) =	vsort.ascd.msk.f32 $0xffff, v4, v5  }
0x110: {  	(xrf1) =	vsort.dscd.msk.f32 $0xffff, v6, v26;
	_ =	sdelay $0xc  }
0x111: {  	v6 =	vld [tilespmem:$0xD80];
	v4, v5, _ =	vpop (xrf1)  }
0x112: {  	v7, v22, _ =	vpop (xrf1)  }
0x113: {  	vm14 =	vgt.f32 v7, v4  }
0x114: {  	v4 =	vsel vm14, v7, v4;
	v5 =	vsel vm14, v22, v5  }
0x115: {  	(xrf1) =	vsort.ascd.msk.f32 $0xffff, v4, v5  }
0x116: {  	(xrf1) =	vsort.dscd.msk.f32 $0xffff, v6, v27;
	_ =	sdelay $0xc  }
0x117: {  	v6 =	vld [tilespmem:$0xE00];
	v4, v5, _ =	vpop (xrf1)  }
0x118: {  	v7, v23, _ =	vpop (xrf1)  }
0x119: {  	vm15 =	vgt.f32 v7, v4  }
0x11a: {  	v4 =	vsel vm15, v7, v4;
	v5 =	vsel vm15, v23, v5  }
0x11b: {  	(xrf1) =	vsort.ascd.msk.f32 $0xffff, v4, v5  }
0x11c: {  	(xrf1) =	vsort.dscd.msk.f32 $0xffff, v6, v28;
	_ =	sdelay $0xc  }
0x11d: {  	v6 =	vld [tilespmem:$0xE80];
	v4, v5, _ =	vpop (xrf1)  }
0x11e: {  	v7, v12, _ =	vpop (xrf1)  }
0x11f: {  	vm4 =	vgt.f32 v7, v4  }
0x120: {  	v4 =	vsel vm4, v7, v4;
	v5 =	vsel vm4, v12, v5  }
0x121: {  	(xrf1) =	vsort.ascd.msk.f32 $0xffff, v4, v5  }
0x122: {  	(xrf1) =	vsort.dscd.msk.f32 $0xffff, v6, v29;
	_ =	sdelay $0xc  }
0x123: {  	v6 =	vld [tilespmem:$0xF00];
	v4, v5, _ =	vpop (xrf1)  }
0x124: {  	v7, v13, _ =	vpop (xrf1)  }
0x125: {  	vm5 =	vgt.f32 v7, v4  }
0x126: {  	v4 =	vsel vm5, v7, v4;
	v5 =	vsel vm5, v13, v5  }
0x127: {  	(xrf1) =	vsort.ascd.msk.f32 $0xffff, v4, v5  }
0x128: {  	(xrf1) =	vsort.dscd.msk.f32 $0xffff, v6, v30;
	_ =	sdelay $0xc  }
0x129: {  	v6 =	vld [tilespmem:$0xF80];
	v4, v5, _ =	vpop (xrf1)  }
0x12a: {  	v7, v14, _ =	vpop (xrf1)  }
0x12b: {  	vm6 =	vgt.f32 v7, v4  }
0x12c: {  	v4 =	vsel vm6, v7, v4;
	v5 =	vsel vm6, v14, v5  }
0x12d: {  	(xrf1) =	vsort.ascd.msk.f32 $0xffff, v4, v5  }
0x12e: {  	(xrf1) =	vsort.dscd.msk.f32 $0xffff, v6, v31;
	_ =	sdelay $0xc  }
0x12f: {  	v6 =	vld [tilespmem:$0x1000];
	v4, v5, _ =	vpop (xrf1)  }
0x130: {  	v7, v15, _ =	vpop (xrf1)  }
0x131: {  	vm7 =	vgt.f32 v7, v4  }
0x132: {  	v4 =	vsel vm7, v7, v4;
	v5 =	vsel vm7, v15, v5  }
0x133: {  	(xrf1) =	vsort.ascd.msk.f32 $0xffff, v4, v5  }
0x134: {  	(xrf1) =	vsort.dscd.msk.f32 $0xffff, v6, v32;
	_ =	sdelay $0xc  }
0x135: {  	v6 =	vld [tilespmem:$0x1080];
	v4, v5, _ =	vpop (xrf1)  }
0x136: {  	v7, v16, _ =	vpop (xrf1)  }
0x137: {  	vm8 =	vgt.f32 v7, v4  }
0x138: {  	v4 =	vsel vm8, v7, v4;
	v5 =	vsel vm8, v16, v5  }
0x139: {  	(xrf1) =	vsort.ascd.msk.f32 $0xffff, v4, v5  }
0x13a: {  	(xrf1) =	vsort.dscd.msk.f32 $0xffff, v6, v33;
	_ =	sdelay $0xc  }
0x13b: {  	v6 =	vld [tilespmem:$0x1100];
	v4, v5, _ =	vpop (xrf1)  }
0x13c: {  	v7, v17, _ =	vpop (xrf1)  }
0x13d: {  	vm9 =	vgt.f32 v7, v4  }
0x13e: {  	v4 =	vsel vm9, v7, v4;
	v5 =	vsel vm9, v17, v5  }
0x13f: {  	(xrf1) =	vsort.ascd.msk.f32 $0xffff, v4, v5  }
0x140: {  	(xrf1) =	vsort.dscd.msk.f32 $0xffff, v6, v34;
	_ =	sdelay $0xc  }
0x141: {  	v6 =	vld [tilespmem:$0x1180];
	v4, v5, _ =	vpop (xrf1)  }
0x142: {  	v7, v18, _ =	vpop (xrf1)  }
0x143: {  	vm10 =	vgt.f32 v7, v4  }
0x144: {  	v4 =	vsel vm10, v7, v4;
	v5 =	vsel vm10, v18, v5  }
0x145: {  	(xrf1) =	vsort.ascd.msk.f32 $0xffff, v4, v5  }
0x146: {  	(xrf1) =	vsort.dscd.msk.f32 $0xffff, v6, v35;
	_ =	sdelay $0xc  }
0x147: {  	v6 =	vld [tilespmem:$0x1200];
	v4, v5, _ =	vpop (xrf1)  }
0x148: {  	v7, v19, _ =	vpop (xrf1)  }
0x149: {  	vm11 =	vgt.f32 v7, v4  }
0x14a: {  	v4 =	vsel vm11, v7, v4;
	v5 =	vsel vm11, v19, v5  }
0x14b: {  	(xrf1) =	vsort.ascd.msk.f32 $0xffff, v4, v5  }
0x14c: {  	(xrf1) =	vsort.dscd.msk.f32 $0xffff, v6, v36;
	_ =	sdelay $0xc  }
0x14d: {  	v6 =	vld [tilespmem:$0x1280];
	v4, v5, _ =	vpop (xrf1)  }
0x14e: {  	v7, v20, _ =	vpop (xrf1)  }
0x14f: {  	vm12 =	vgt.f32 v7, v4  }
0x150: {  	v4 =	vsel vm12, v7, v4;
	v5 =	vsel vm12, v20, v5  }
0x151: {  	(xrf1) =	vsort.ascd.msk.f32 $0xffff, v4, v5  }
0x152: {  	(xrf1) =	vsort.dscd.msk.f32 $0xffff, v6, v37;
	_ =	sdelay $0xc  }
0x153: {  	v6 =	vld [tilespmem:$0x1300];
	v4, v5, _ =	vpop (xrf1)  }
0x154: {  	v7, v21, _ =	vpop (xrf1)  }
0x155: {  	vm13 =	vgt.f32 v7, v4  }
0x156: {  	v4 =	vsel vm13, v7, v4;
	v5 =	vsel vm13, v21, v5  }
0x157: {  	(xrf1) =	vsort.ascd.msk.f32 $0xffff, v4, v5  }
0x158: {  	(xrf1) =	vsort.dscd.msk.f32 $0xffff, v6, v38;
	_ =	sdelay $0xc  }
0x159: {  	v6 =	vld [tilespmem:$0x1380];
	v4, v5, _ =	vpop (xrf1)  }
0x15a: {  	v7, v22, _ =	vpop (xrf1)  }
0x15b: {  	vm14 =	vgt.f32 v7, v4  }
0x15c: {  	v4 =	vsel vm14, v7, v4;
	v5 =	vsel vm14, v22, v5  }
0x15d: {  	(xrf1) =	vsort.ascd.msk.f32 $0xffff, v4, v5  }
0x15e: {  	(xrf1) =	vsort.dscd.msk.f32 $0xffff, v6, v39;
	_ =	sdelay $0xc  }
0x15f: {  	v6 =	vld [tilespmem:$0x1400];
	v4, v5, _ =	vpop (xrf1)  }
0x160: {  	v7, v23, _ =	vpop (xrf1)  }
0x161: {  	vm15 =	vgt.f32 v7, v4  }
0x162: {  	v4 =	vsel vm15, v7, v4;
	v5 =	vsel vm15, v23, v5  }
0x163: {  	(xrf1) =	vsort.ascd.msk.f32 $0xffff, v4, v5  }
0x164: {  	(xrf1) =	vsort.dscd.msk.f32 $0xffff, v6, v40;
	_ =	sdelay $0xc  }
0x165: {  	v6 =	vld [tilespmem:$0x1480];
	v4, v5, _ =	vpop (xrf1)  }
0x166: {  	v7, v12, _ =	vpop (xrf1)  }
0x167: {  	vm4 =	vgt.f32 v7, v4  }
0x168: {  	v4 =	vsel vm4, v7, v4;
	v5 =	vsel vm4, v12, v5  }
0x169: {  	(xrf1) =	vsort.ascd.msk.f32 $0xffff, v4, v5  }
0x16a: {  	(xrf1) =	vsort.dscd.msk.f32 $0xffff, v6, v41;
	_ =	sdelay $0xc  }
0x16b: {  	v6 =	vld [tilespmem:$0x1500];
	v4, v5, _ =	vpop (xrf1)  }
0x16c: {  	v7, v13, _ =	vpop (xrf1)  }
0x16d: {  	vm5 =	vgt.f32 v7, v4  }
0x16e: {  	v4 =	vsel vm5, v7, v4;
	v5 =	vsel vm5, v13, v5  }
0x16f: {  	(xrf1) =	vsort.ascd.msk.f32 $0xffff, v4, v5  }
0x170: {  	(xrf1) =	vsort.dscd.msk.f32 $0xffff, v6, v42;
	_ =	sdelay $0xc  }
0x171: {  	v6 =	vld [tilespmem:$0x1580];
	v4, v5, _ =	vpop (xrf1)  }
0x172: {  	v7, v14, _ =	vpop (xrf1)  }
0x173: {  	vm6 =	vgt.f32 v7, v4  }
0x174: {  	v4 =	vsel vm6, v7, v4;
	v5 =	vsel vm6, v14, v5  }
0x175: {  	(xrf1) =	vsort.ascd.msk.f32 $0xffff, v4, v5  }
0x176: {  	(xrf1) =	vsort.dscd.msk.f32 $0xffff, v6, v43;
	_ =	sdelay $0xc  }
0x177: {  	v6 =	vld [tilespmem:$0x1600];
	v4, v5, _ =	vpop (xrf1)  }
0x178: {  	v7, v15, _ =	vpop (xrf1)  }
0x179: {  	vm7 =	vgt.f32 v7, v4  }
0x17a: {  	v4 =	vsel vm7, v7, v4;
	v5 =	vsel vm7, v15, v5  }
0x17b: {  	(xrf1) =	vsort.ascd.msk.f32 $0xffff, v4, v5  }
0x17c: {  	(xrf1) =	vsort.dscd.msk.f32 $0xffff, v6, v44;
	_ =	sdelay $0xc  }
0x17d: {  	v6 =	vld [tilespmem:$0x1680];
	v4, v5, _ =	vpop (xrf1)  }
0x17e: {  	v7, v16, _ =	vpop (xrf1)  }
0x17f: {  	vm8 =	vgt.f32 v7, v4  }
0x180: {  	v4 =	vsel vm8, v7, v4;
	v5 =	vsel vm8, v16, v5  }
0x181: {  	(xrf1) =	vsort.ascd.msk.f32 $0xffff, v4, v5  }
0x182: {  	(xrf1) =	vsort.dscd.msk.f32 $0xffff, v6, v45;
	_ =	sdelay $0xc  }
0x183: {  	v6 =	vld [tilespmem:$0x1700];
	v4, v5, _ =	vpop (xrf1)  }
0x184: {  	v7, v17, _ =	vpop (xrf1)  }
0x185: {  	vm9 =	vgt.f32 v7, v4  }
0x186: {  	v4 =	vsel vm9, v7, v4;
	v5 =	vsel vm9, v17, v5  }
0x187: {  	(xrf1) =	vsort.ascd.msk.f32 $0xffff, v4, v5  }
0x188: {  	(xrf1) =	vsort.dscd.msk.f32 $0xffff, v6, v46;
	_ =	sdelay $0xc  }
0x189: {  	v6 =	vld [tilespmem:$0x1780];
	v4, v5, _ =	vpop (xrf1)  }
0x18a: {  	v7, v18, _ =	vpop (xrf1)  }
0x18b: {  	vm10 =	vgt.f32 v7, v4  }
0x18c: {  	v4 =	vsel vm10, v7, v4;
	v5 =	vsel vm10, v18, v5  }
0x18d: {  	(xrf1) =	vsort.ascd.msk.f32 $0xffff, v4, v5  }
0x18e: {  	(xrf1) =	vsort.dscd.msk.f32 $0xffff, v6, v47;
	_ =	sdelay $0xc  }
0x18f: {  	v6 =	vld [tilespmem:$0x1800];
	v4, v5, _ =	vpop (xrf1)  }
0x190: {  	v7, v19, _ =	vpop (xrf1)  }
0x191: {  	vm11 =	vgt.f32 v7, v4  }
0x192: {  	v4 =	vsel vm11, v7, v4;
	v5 =	vsel vm11, v19, v5  }
0x193: {  	(xrf1) =	vsort.ascd.msk.f32 $0xffff, v4, v5  }
0x194: {  	(xrf1) =	vsort.dscd.msk.f32 $0xffff, v6, v48;
	_ =	sdelay $0xc  }
0x195: {  	v6 =	vld [tilespmem:$0x1880];
	v4, v5, _ =	vpop (xrf1)  }
0x196: {  	v7, v20, _ =	vpop (xrf1)  }
0x197: {  	vm12 =	vgt.f32 v7, v4  }
0x198: {  	v4 =	vsel vm12, v7, v4;
	v5 =	vsel vm12, v20, v5  }
0x199: {  	(xrf1) =	vsort.ascd.msk.f32 $0xffff, v4, v5  }
0x19a: {  	(xrf1) =	vsort.dscd.msk.f32 $0xffff, v6, v49;
	_ =	sdelay $0xc  }
0x19b: {  	v6 =	vld [tilespmem:$0x1900];
	v4, v5, _ =	vpop (xrf1)  }
0x19c: {  	v7, v21, _ =	vpop (xrf1)  }
0x19d: {  	vm13 =	vgt.f32 v7, v4  }
0x19e: {  	v4 =	vsel vm13, v7, v4;
	v5 =	vsel vm13, v21, v5  }
0x19f: {  	(xrf1) =	vsort.ascd.msk.f32 $0xffff, v4, v5  }
0x1a0: {  	(xrf1) =	vsort.dscd.msk.f32 $0xffff, v6, v50;
	_ =	sdelay $0xc  }
0x1a1: {  	v6 =	vld [tilespmem:$0x1980];
	v4, v5, _ =	vpop (xrf1)  }
0x1a2: {  	v7, v22, _ =	vpop (xrf1)  }
0x1a3: {  	vm14 =	vgt.f32 v7, v4  }
0x1a4: {  	v4 =	vsel vm14, v7, v4;
	v5 =	vsel vm14, v22, v5  }
0x1a5: {  	(xrf1) =	vsort.ascd.msk.f32 $0xffff, v4, v5  }
0x1a6: {  	(xrf1) =	vsort.dscd.msk.f32 $0xffff, v6, v51;
	_ =	sdelay $0xc  }
0x1a7: {  	v6 =	vld [tilespmem:$0x1A00];
	v4, v5, _ =	vpop (xrf1)  }
0x1a8: {  	v7, v23, _ =	vpop (xrf1)  }
0x1a9: {  	vm15 =	vgt.f32 v7, v4  }
0x1aa: {  	v4 =	vsel vm15, v7, v4;
	v5 =	vsel vm15, v23, v5  }
0x1ab: {  	(xrf1) =	vsort.ascd.msk.f32 $0xffff, v4, v5  }
0x1ac: {  	(xrf1) =	vsort.dscd.msk.f32 $0xffff, v6, v52;
	_ =	sdelay $0xc  }
0x1ad: {  	v6 =	vld [tilespmem:$0x1A80];
	v4, v5, _ =	vpop (xrf1)  }
0x1ae: {  	v7, v12, _ =	vpop (xrf1)  }
0x1af: {  	vm4 =	vgt.f32 v7, v4  }
0x1b0: {  	v4 =	vsel vm4, v7, v4;
	v5 =	vsel vm4, v12, v5  }
0x1b1: {  	(xrf1) =	vsort.ascd.msk.f32 $0xffff, v4, v5  }
0x1b2: {  	(xrf1) =	vsort.dscd.msk.f32 $0xffff, v6, v53;
	_ =	sdelay $0xc  }
0x1b3: {  	v6 =	vld [tilespmem:$0x1B00];
	v4, v5, _ =	vpop (xrf1)  }
0x1b4: {  	v7, v13, _ =	vpop (xrf1)  }
0x1b5: {  	vm5 =	vgt.f32 v7, v4  }
0x1b6: {  	v4 =	vsel vm5, v7, v4;
	v5 =	vsel vm5, v13, v5  }
0x1b7: {  	(xrf1) =	vsort.ascd.msk.f32 $0xffff, v4, v5  }
0x1b8: {  	(xrf1) =	vsort.dscd.msk.f32 $0xffff, v6, v54;
	_ =	sdelay $0xc  }
0x1b9: {  	v6 =	vld [tilespmem:$0x1B80];
	v4, v5, _ =	vpop (xrf1)  }
0x1ba: {  	v7, v14, _ =	vpop (xrf1)  }
0x1bb: {  	vm6 =	vgt.f32 v7, v4  }
0x1bc: {  	v4 =	vsel vm6, v7, v4;
	v5 =	vsel vm6, v14, v5  }
0x1bd: {  	(xrf1) =	vsort.ascd.msk.f32 $0xffff, v4, v5  }
0x1be: {  	(xrf1) =	vsort.dscd.msk.f32 $0xffff, v6, v55;
	_ =	sdelay $0xc  }
0x1bf: {  	v6 =	vld [tilespmem:$0x1C00];
	v4, v5, _ =	vpop (xrf1)  }
0x1c0: {  	v7, v15, _ =	vpop (xrf1)  }
0x1c1: {  	vm7 =	vgt.f32 v7, v4  }
0x1c2: {  	v4 =	vsel vm7, v7, v4;
	v5 =	vsel vm7, v15, v5  }
0x1c3: {  	(xrf1) =	vsort.ascd.msk.f32 $0xffff, v4, v5  }
0x1c4: {  	(xrf1) =	vsort.dscd.msk.f32 $0xffff, v6, v56;
	_ =	sdelay $0xc  }
0x1c5: {  	v6 =	vld [tilespmem:$0x1C80];
	v4, v5, _ =	vpop (xrf1)  }
0x1c6: {  	v7, v16, _ =	vpop (xrf1)  }
0x1c7: {  	vm8 =	vgt.f32 v7, v4  }
0x1c8: {  	v4 =	vsel vm8, v7, v4;
	v5 =	vsel vm8, v16, v5  }
0x1c9: {  	(xrf1) =	vsort.ascd.msk.f32 $0xffff, v4, v5  }
0x1ca: {  	(xrf1) =	vsort.dscd.msk.f32 $0xffff, v6, v57;
	_ =	sdelay $0xc  }
0x1cb: {  	v6 =	vld [tilespmem:$0x1D00];
	v4, v5, _ =	vpop (xrf1)  }
0x1cc: {  	v7, v17, _ =	vpop (xrf1)  }
0x1cd: {  	vm9 =	vgt.f32 v7, v4  }
0x1ce: {  	v4 =	vsel vm9, v7, v4;
	v5 =	vsel vm9, v17, v5  }
0x1cf: {  	(xrf1) =	vsort.ascd.msk.f32 $0xffff, v4, v5  }
0x1d0: {  	(xrf1) =	vsort.dscd.msk.f32 $0xffff, v6, v58;
	_ =	sdelay $0xc  }
0x1d1: {  	v6 =	vld [tilespmem:$0x1D80];
	v4, v5, _ =	vpop (xrf1)  }
0x1d2: {  	v7, v18, _ =	vpop (xrf1)  }
0x1d3: {  	vm10 =	vgt.f32 v7, v4  }
0x1d4: {  	v4 =	vsel vm10, v7, v4;
	v5 =	vsel vm10, v18, v5  }
0x1d5: {  	(xrf1) =	vsort.ascd.msk.f32 $0xffff, v4, v5  }
0x1d6: {  	(xrf1) =	vsort.dscd.msk.f32 $0xffff, v6, v59;
	_ =	sdelay $0xc  }
0x1d7: {  	v6 =	vld [tilespmem:$0x1E00];
	v4, v5, _ =	vpop (xrf1)  }
0x1d8: {  	v7, v19, _ =	vpop (xrf1)  }
0x1d9: {  	vm11 =	vgt.f32 v7, v4  }
0x1da: {  	v4 =	vsel vm11, v7, v4;
	v5 =	vsel vm11, v19, v5  }
0x1db: {  	(xrf1) =	vsort.ascd.msk.f32 $0xffff, v4, v5  }
0x1dc: {  	(xrf1) =	vsort.dscd.msk.f32 $0xffff, v6, v60;
	_ =	sdelay $0xc  }
0x1dd: {  	v6 =	vld [tilespmem:$0x1E80];
	v4, v5, _ =	vpop (xrf1)  }
0x1de: {  	v7, v20, _ =	vpop (xrf1)  }
0x1df: {  	vm12 =	vgt.f32 v7, v4  }
0x1e0: {  	v4 =	vsel vm12, v7, v4;
	v5 =	vsel vm12, v20, v5  }
0x1e1: {  	(xrf1) =	vsort.ascd.msk.f32 $0xffff, v4, v5  }
0x1e2: {  	(xrf1) =	vsort.dscd.msk.f32 $0xffff, v6, v61;
	_ =	sdelay $0xc  }
0x1e3: {  	v6 =	vld [tilespmem:$0x1F00];
	v4, v5, _ =	vpop (xrf1)  }
0x1e4: {  	v7, v21, _ =	vpop (xrf1)  }
0x1e5: {  	vm13 =	vgt.f32 v7, v4  }
0x1e6: {  	v4 =	vsel vm13, v7, v4;
	v5 =	vsel vm13, v21, v5  }
0x1e7: {  	(xrf1) =	vsort.ascd.msk.f32 $0xffff, v4, v5  }
0x1e8: {  	(xrf1) =	vsort.dscd.msk.f32 $0xffff, v6, v62;
	_ =	sdelay $0xc  }
0x1e9: {  	v6 =	vld [tilespmem:$0x1F80];
	v4, v5, _ =	vpop (xrf1)  }
0x1ea: {  	v7, v22, _ =	vpop (xrf1)  }
0x1eb: {  	vm14 =	vgt.f32 v7, v4  }
0x1ec: {  	v4 =	vsel vm14, v7, v4;
	v5 =	vsel vm14, v22, v5  }
0x1ed: {  	(xrf1) =	vsort.ascd.msk.f32 $0xffff, v4, v5  }
0x1ee: {  	(xrf1) =	vsort.dscd.msk.f32 $0xffff, v6, v63;
	_ =	sdelay $0xc  }
0x1ef: {  	v4, v5, _ =	vpop (xrf1)  }
0x1f0: {  	v6, v7, _ =	vpop (xrf1)  }
0x1f1: {  	vm15 =	vgt.f32 v6, v4  }
0x1f2: {  	v4 =	vsel vm15, v6, v4;
	v5 =	vsel vm15, v7, v5  }
0x1f3: {  	(xrf1) =	vsort.ascd.msk.f32 $0xffff, v4, v5;
	_ =	sdelay $0xd  }
0x1f4: {  	v4, v5, _ =	vpop (xrf1)  }
0x1f5: {  	(xrf0) =	vmax.scan.msk.f32 $0xffff, v4;
	_ =	sdelay $0x5  }
0x1f6: {  	v6, _, _ =	vpop (xrf0)  }
0x1f7: {  	v6 =	vbroadcast v6, $0xF;
	_ =	sdelay $0x1  }
0x1f8: {  	vm4 =	veq.f32 v4, v6;
	v6 =	vxor.u32 $0x80000000, v5  }
0x1f9: {  	v7 =	vnsel vm4, $0xFFFFFFFF, v6  }
0x1fa: {  	(xrf0) =	vmin.scan.msk.u32 $0xffff, v7;
	_ =	sdelay $0x5  }
0x1fb: {  	v7, _, _ =	vpop (xrf0)  }
0x1fc: {  	(v2sf) =	vpush v7, $0xF;
	_ =	sdelay $0xe  }
0x1fd: {  	s17 =	spop (v2sf)  }
0x1fe: {  	s18 =	sxor.u32 $0x80000000, s17  }
0x1ff: {  	vm5 =	veq.s32 v5, s18  }
0x200: {  	vm0 =	vmand vm4, vm5  }
0x201: {  	v4 =	vsel vm0, $0xFF800000, v4  }
0x202: {  	(xrf0) =	vmax.scan.msk.f32 $0xffff, v4;
	_ =	sdelay $0x5  }
0x203: {  	v7, _, _ =	vpop (xrf0)  }
0x204: {  	v7 =	vbroadcast v7, $0xF;
	_ =	sdelay $0x1  }
0x205: {  	vm0 =	veq.f32 v4, v7  }
0x206: {  	v7 =	vnsel vm0, $0xFFFFFFFF, v6  }
0x207: {  	(xrf0) =	vmin.scan.msk.u32 $0xffff, v7;
	_ =	sdelay $0x5  }
0x208: {  	v7, _, _ =	vpop (xrf0)  }
0x209: {  	(v2sf) =	vpush v7, $0xF;
	_ =	sdelay $0xe  }
0x20a: {  	s23 =	spop (v2sf)  }
0x20b: {  	s17 =	sxor.u32 $0x80000000, s23  }
0x20c: {  	vm6 =	veq.s32 v5, s17  }
0x20d: {  	vm0 =	vmand vm0, vm6  }
0x20e: {  	v4 =	vsel vm0, $0xFF800000, v4  }
0x20f: {  	(xrf0) =	vmax.scan.msk.f32 $0xffff, v4;
	_ =	sdelay $0x5  }
0x210: {  	v7, _, _ =	vpop (xrf0)  }
0x211: {  	v7 =	vbroadcast v7, $0xF;
	_ =	sdelay $0x1  }
0x212: {  	vm0 =	veq.f32 v4, v7  }
0x213: {  	v7 =	vnsel vm0, $0xFFFFFFFF, v6  }
0x214: {  	(xrf0) =	vmin.scan.msk.u32 $0xffff, v7;
	_ =	sdelay $0x5  }
0x215: {  	v7, _, _ =	vpop (xrf0)  }
0x216: {  	(v2sf) =	vpush v7, $0xF;
	_ =	sdelay $0xe  }
0x217: {  	s19 =	spop (v2sf)  }
0x218: {  	s19 =	sxor.u32 $0x80000000, s19  }
0x219: {  	vm7 =	veq.s32 v5, s19  }
0x21a: {  	vm0 =	vmand vm0, vm7  }
0x21b: {  	v4 =	vsel vm0, $0xFF800000, v4  }
0x21c: {  	(xrf0) =	vmax.scan.msk.f32 $0xffff, v4;
	_ =	sdelay $0x5  }
0x21d: {  	v7, _, _ =	vpop (xrf0)  }
0x21e: {  	v7 =	vbroadcast v7, $0xF;
	_ =	sdelay $0x1  }
0x21f: {  	vm0 =	veq.f32 v4, v7  }
0x220: {  	v7 =	vnsel vm0, $0xFFFFFFFF, v6  }
0x221: {  	(xrf0) =	vmin.scan.msk.u32 $0xffff, v7;
	_ =	sdelay $0x5  }
0x222: {  	v7, _, _ =	vpop (xrf0)  }
0x223: {  	(v2sf) =	vpush v7, $0xF;
	_ =	sdelay $0xe  }
0x224: {  	s20 =	spop (v2sf)  }
0x225: {  	s20 =	sxor.u32 $0x80000000, s20  }
0x226: {  	vm8 =	veq.s32 v5, s20  }
0x227: {  	vm0 =	vmand vm0, vm8  }
0x228: {  	v4 =	vsel vm0, $0xFF800000, v4  }
0x229: {  	(xrf0) =	vmax.scan.msk.f32 $0xffff, v4;
	_ =	sdelay $0x5  }
0x22a: {  	v7, _, _ =	vpop (xrf0)  }
0x22b: {  	v7 =	vbroadcast v7, $0xF;
	_ =	sdelay $0x1  }
0x22c: {  	vm0 =	veq.f32 v4, v7  }
0x22d: {  	v7 =	vnsel vm0, $0xFFFFFFFF, v6  }
0x22e: {  	(xrf0) =	vmin.scan.msk.u32 $0xffff, v7;
	_ =	sdelay $0x5  }
0x22f: {  	v7, _, _ =	vpop (xrf0)  }
0x230: {  	(v2sf) =	vpush v7, $0xF;
	_ =	sdelay $0xe  }
0x231: {  	s21 =	spop (v2sf)  }
0x232: {  	s21 =	sxor.u32 $0x80000000, s21  }
0x233: {  	vm9 =	veq.s32 v5, s21  }
0x234: {  	vm0 =	vmand vm0, vm9  }
0x235: {  	v4 =	vsel vm0, $0xFF800000, v4  }
0x236: {  	(xrf0) =	vmax.scan.msk.f32 $0xffff, v4;
	_ =	sdelay $0x5  }
0x237: {  	v7, _, _ =	vpop (xrf0)  }
0x238: {  	v7 =	vbroadcast v7, $0xF;
	_ =	sdelay $0x1  }
0x239: {  	vm0 =	veq.f32 v4, v7  }
0x23a: {  	v7 =	vnsel vm0, $0xFFFFFFFF, v6  }
0x23b: {  	(xrf0) =	vmin.scan.msk.u32 $0xffff, v7;
	_ =	sdelay $0x5  }
0x23c: {  	v7, _, _ =	vpop (xrf0)  }
0x23d: {  	(v2sf) =	vpush v7, $0xF;
	_ =	sdelay $0xe  }
0x23e: {  	s22 =	spop (v2sf)  }
0x23f: {  	s22 =	sxor.u32 $0x80000000, s22  }
0x240: {  	vm10 =	veq.s32 v5, s22  }
0x241: {  	vm0 =	vmand vm0, vm10  }
0x242: {  	v4 =	vsel vm0, $0xFF800000, v4  }
0x243: {  	(xrf0) =	vmax.scan.msk.f32 $0xffff, v4;
	_ =	sdelay $0x5  }
0x244: {  	v7, _, _ =	vpop (xrf0)  }
0x245: {  	v7 =	vbroadcast v7, $0xF;
	_ =	sdelay $0x1  }
0x246: {  	vm0 =	veq.f32 v4, v7  }
0x247: {  	v7 =	vnsel vm0, $0xFFFFFFFF, v6  }
0x248: {  	(xrf0) =	vmin.scan.msk.u32 $0xffff, v7;
	_ =	sdelay $0x5  }
0x249: {  	v7, _, _ =	vpop (xrf0)  }
0x24a: {  	(v2sf) =	vpush v7, $0xF;
	_ =	sdelay $0xe  }
0x24b: {  	s23 =	spop (v2sf)  }
0x24c: {  	s23 =	sxor.u32 $0x80000000, s23  }
0x24d: {  	vm11 =	veq.s32 v5, s23  }
0x24e: {  	vm0 =	vmand vm0, vm11  }
0x24f: {  	v4 =	vsel vm0, $0xFF800000, v4  }
0x250: {  	(xrf0) =	vmax.scan.msk.f32 $0xffff, v4;
	_ =	sdelay $0x5  }
0x251: {  	v5, _, _ =	vpop (xrf0)  }
0x252: {  	v7 =	vbroadcast v5, $0xF;
	_ =	sdelay $0x1  }
0x253: {  	vm0 =	veq.f32 v4, v7  }
0x254: {  	v4 =	vnsel vm0, $0xFFFFFFFF, v6  }
0x255: {  	(xrf0) =	vmin.scan.msk.u32 $0xffff, v4;
	_ =	sdelay $0x5  }
0x256: {  	(v2sf) =	vpush v5, $0xF;
	v4, _, _ =	vpop (xrf0)  }
0x257: {  	(v2sf) =	vpush v4, $0xF;
	_ =	sdelay $0x9  }
0x258: {  	s24 =	sld [smem:$0x7FD];
	s18 =	simm.s32 @!p1 $0x0  }
0x259: {  	s25 =	sld [smem:$0x7FC];
	s18 =	smov.u32 @p0 s17  }
0x25a: {  	s28 =	sld [smem:$0x7FB];
	s18 =	smov.u32 @p5 s19  }
0x25b: {  	s29 =	sld [smem:$0x7FA];
	p2 =	seq.s32 s24, $0x1;
	s18 =	smov.u32 @p4 s20  }
0x25c: {  	s18 =	smov.u32 @p2 s21;
	p2 =	seq.s32 s25, $0x1;
	s17 =	spop (v2sf)  }
0x25d: {  	s18 =	smov.u32 @p2 s22;
	p2 =	seq.s32 s28, $0x1;
	s26 =	spop (v2sf)  }
0x25e: {  	s18 =	smov.u32 @p2 s23;
	p2 =	seq.s32 s29, $0x1;
	s19 =	sxor.u32 $0x80000000, s26  }
0x25f: {  	s18 =	smov.u32 @p2 s19  }
0x260: {  	s19 =	sshra.s32 s18, $0x1F  }
0x261: {  	s19 =	sshrl.u32 s19, $0x1C  }
0x262: {  	s19 =	sadd.s32 s19, s18  }
0x263: {  	s30 =	sand.u32 $0xFFFFFFF0, s19  }
0x264: {  	p2 =	slt.s32 s18, $0x1;
	p3 =	sne.s32 s18, s30  }
0x265: {  	p2 =	por !p2, !p3  }
0x266: {  	s20 =	simm.s32 $0x1;
	v4 =	vld [tilespmem:$0x2010];
	p2 =	por !p2, !p2  }
0x267: {  	v5 =	vld [tilespmem:$0x2000];
	s19 =	sshra.s32 s19, $0x4;
	s20 =	simm.s32 @!p2 $0x0  }
0x268: {  	v6 =	vld [tilespmem:$0x2020];
	s20 =	ssub.s32 s19, s20  }
0x269: {  	v7 =	vmov s20  }
0x26a: {  	v23 =	vld [tilespmem:$0x2030];
	vm12 =	veq.s32 v7, v1  }
0x26b: {  	vm13 =	veq.s32 v7, v0;
	v4 =	vnsel vm12, $0xFF800000, v4  }
0x26c: {  	v4 =	vsel vm13, v5, v4  }
0x26d: {  	vm14 =	veq.s32 v7, v2;
	v5 =	vmax.f32 v4, v6  }
0x26e: {  	v4 =	vsel vm14, v5, v4  }
0x26f: {  	vm15 =	veq.s32 v7, v3;
	v5 =	vmax.f32 v4, v23  }
0x270: {  	v4 =	vsel vm15, v5, v4  }
0x271: {  	(xrf0) =	vmax.scan.msk.f32 $0xffff, v4;
	_ =	sdelay $0x5  }
0x272: {  	v4, _, _ =	vpop (xrf0)  }
0x273: {  	(v2sf) =	vpush v4, $0xF;
	_ =	sdelay $0x3  }
0x274: {  	s19 =	sshrl.u32 s20, $0x1D  }
0x275: {  	s31 =	sadd.s32 s19, s20  }
0x276: {  	s19 =	sand.u32 $0xFFFFFFF8, s31  }
0x277: {  	p2 =	slt.s32 s20, $0x1;
	p3 =	sne.s32 s20, s19  }
0x278: {  	s19 =	sand.u32 $0xF, s18;
	p2 =	por !p2, !p3  }
0x279: {  	s18 =	simm.s32 $0x1;
	p3 =	sne.s32 s19, $0xC;
	p2 =	por !p2, !p2  }
0x27a: {  	s18 =	simm.s32 @!p2 $0x0;
	p2 =	por p3, p6  }
.Ltmp3:
0x27b: {  	_ = 	snop;
	(pc) =	sbr.rel @!p2 .LBB2_3-.Ltmp3, $4  }
0x27c: {  	_ = 	snop  }
0x27d: {  	s21 =	sshra.s32 s31, $0x3  }
0x27e: {  	s22 =	ssub.s32 s21, s18  }
0x27f: {  	s21 =	sand.u32 $0x7, s20;
	s20 =	smul.u32 $0x186A0, s20;
	s18 =	spop (v2sf)  }
0x280: {  	s23 =	sshll.u32 s19, $0xD  }
0x281: {  	p2 =	seq.s32 s19, $0xC;
	s23 =	sor.u32 s8, s23  }
0x282: {  	s30 =	smul.u32 $0x18700, s22;
	s23 =	simm.s32 @p2 $0x17680  }
0x283: {  	s31 =	sadd.s32 s1, s23  }
.Ltmp4:
0x284: {  	s19 =	simm.s32 $0x0;
	s22 =	sadd.s32 s30, s31;
	(pc) =	sbr.rel .LBB2_5-.Ltmp4, $4  }
0x285: {  	[tilespmem:s13], [sflag:$0x1] =	stream.linear.gather [hbm4b:s22+s19], $0x8000, $0x38;
	[tilespmem:$0xA180] =	vst v63  }
0x286: {  	_ =	swait.ge [sflag:s7], $0x8000  }
0x287: {  	s21 =	sshll.u32 s21, $0x7;
	[sflag:s7] =	ssyncset.done $0x0  }
0x288: {  	v4 =	vbroadcast v4, $0xF;
	v19 =	vimm.f32 $-Inf;
	v18 =	vimm.s32 $0x0;
	s21 =	sadd.s32 $0x2480, s21;
	s20 =	sadd.s32 s20, s23;
	[sflag:s7] =	ssyncadd.s32 $0xFFFF8000  }
.LBB2_7:
0x289: {  	s19 =	sadd.s32 $0x100, s19  }
0x28a: {  	p2 =	sne.s32 s19, $0x1000  }
.Ltmp5:
0x28b: {  	_ = 	snop;
	(pc) =	sbr.rel @!p2 .LBB2_8-.Ltmp5, $2  }
0x28c: {  	_ =	sdelay $0x2  }
0x28d: {  	s21 =	sadd.s32 $0x800, s21  }
.LBB2_5:
0x28e: {  	v22 =	vld [tilespmem:s21+$0xFFFFFC00]  }
0x28f: {  	v21 =	vld [tilespmem:s21+$0xFFFFFC10]  }
0x290: {  	v20 =	vld [tilespmem:s21+$0xFFFFFC20]  }
0x291: {  	v17 =	vld [tilespmem:s21+$0xFFFFFC30]  }
0x292: {  	v16 =	vld [tilespmem:s21+$0xFFFFFC40]  }
0x293: {  	v15 =	vld [tilespmem:s21+$0xFFFFFC50]  }
0x294: {  	v14 =	vld [tilespmem:s21+$0xFFFFFC60];
	v5 =	vmax.f32 v22, v21  }
0x295: {  	v13 =	vld [tilespmem:s21+$0xFFFFFC70];
	v5 =	vmax.f32 v5, v20  }
0x296: {  	v12 =	vld [tilespmem:s21+$0x0];
	v5 =	vmax.f32 v5, v17  }
0x297: {  	v11 =	vld [tilespmem:s21+$0x10];
	v5 =	vmax.f32 v5, v16  }
0x298: {  	v10 =	vld [tilespmem:s21+$0x20];
	v5 =	vmax.f32 v5, v15  }
0x299: {  	v9 =	vld [tilespmem:s21+$0x30];
	v5 =	vmax.f32 v5, v14  }
0x29a: {  	v8 =	vld [tilespmem:s21+$0x40];
	v5 =	vmax.f32 v5, v13  }
0x29b: {  	v7 =	vld [tilespmem:s21+$0x50];
	v5 =	vmax.f32 v5, v12  }
0x29c: {  	v6 =	vld [tilespmem:s21+$0x60];
	v5 =	vmax.f32 v5, v11  }
0x29d: {  	v23 =	vmax.f32 v5, v10;
	v5 =	vld [tilespmem:s21+$0x70]  }
0x29e: {  	v23 =	vmax.f32 v23, v9  }
0x29f: {  	v23 =	vmax.f32 v23, v8  }
0x2a0: {  	v23 =	vmax.f32 v23, v7  }
0x2a1: {  	v23 =	vmax.f32 v23, v6  }
0x2a2: {  	v23 =	vmax.f32 v23, v5  }
0x2a3: {  	(xrf0) =	vmax.scan.msk.f32 $0xffff, v23;
	_ =	sdelay $0x5  }
0x2a4: {  	v23, _, _ =	vpop (xrf0)  }
0x2a5: {  	(v2sf) =	vpush v23, $0xF;
	_ =	sdelay $0xe  }
0x2a6: {  	s22 =	spop (v2sf)  }
0x2a7: {  	s22 =	sadd.f32 s22, s18;
	_ =	sdelay $0x1  }
0x2a8: {  	p2 =	sge.f32 s22, s17  }
.Ltmp6:
0x2a9: {  	_ = 	snop;
	(pc) =	sbr.rel @!p2 .LBB2_7-.Ltmp6, $1  }
0x2aa: {  	_ =	sdelay $0x3  }
0x2ab: {  	v22 =	vadd.f32 v22, v4;
	s22 =	sadd.s32 s19, s20  }
0x2ac: {  	v23 =	vor.u32 s22, v0  }
0x2ad: {  	(xrf1) =	vsort.dscd.msk.f32 $0xffff, v22, v23;
	_ =	sdelay $0xd  }
0x2ae: {  	v22, v23, _ =	vpop (xrf1)  }
0x2af: {  	vm0 =	vgt.f32 v22, v19  }
0x2b0: {  	v21 =	vadd.f32 v21, v4;
	s23 =	sadd.s32 $0x10, s22;
	v19 =	vsel vm0, v22, v19;
	v18 =	vsel vm0, v23, v18  }
0x2b1: {  	(xrf1) =	vsort.ascd.msk.f32 $0xffff, v19, v18;
	v18 =	vadd.s32 s23, v0  }
0x2b2: {  	(xrf1) =	vsort.dscd.msk.f32 $0xffff, v21, v18;
	_ =	sdelay $0xc  }
0x2b3: {  	v18, v19, _ =	vpop (xrf1)  }
0x2b4: {  	v21, v22, _ =	vpop (xrf1)  }
0x2b5: {  	vm13 =	vgt.f32 v21, v18  }
0x2b6: {  	v20 =	vadd.f32 v20, v4;
	s25 =	sadd.s32 $0x20, s22;
	v18 =	vsel vm13, v21, v18;
	v19 =	vsel vm13, v22, v19  }
0x2b7: {  	(xrf1) =	vsort.ascd.msk.f32 $0xffff, v18, v19;
	v18 =	vadd.s32 s25, v0  }
0x2b8: {  	(xrf1) =	vsort.dscd.msk.f32 $0xffff, v20, v18;
	_ =	sdelay $0xc  }
0x2b9: {  	v18, v19, _ =	vpop (xrf1)  }
0x2ba: {  	v20, v21, _ =	vpop (xrf1)  }
0x2bb: {  	vm14 =	vgt.f32 v20, v18  }
0x2bc: {  	v17 =	vadd.f32 v17, v4;
	s26 =	sadd.s32 $0x30, s22;
	v18 =	vsel vm14, v20, v18;
	v19 =	vsel vm14, v21, v19  }
0x2bd: {  	(xrf1) =	vsort.ascd.msk.f32 $0xffff, v18, v19;
	v18 =	vadd.s32 s26, v0  }
0x2be: {  	(xrf1) =	vsort.dscd.msk.f32 $0xffff, v17, v18;
	_ =	sdelay $0xc  }
0x2bf: {  	v17, v18, _ =	vpop (xrf1)  }
0x2c0: {  	v19, v20, _ =	vpop (xrf1)  }
0x2c1: {  	vm15 =	vgt.f32 v19, v17  }
0x2c2: {  	v16 =	vadd.f32 v16, v4;
	s28 =	sadd.s32 $0x40, s22;
	v17 =	vsel vm15, v19, v17;
	v18 =	vsel vm15, v20, v18  }
0x2c3: {  	(xrf1) =	vsort.ascd.msk.f32 $0xffff, v17, v18;
	v17 =	vadd.s32 s28, v0  }
0x2c4: {  	(xrf1) =	vsort.dscd.msk.f32 $0xffff, v16, v17;
	_ =	sdelay $0xc  }
0x2c5: {  	v16, v17, _ =	vpop (xrf1)  }
0x2c6: {  	v18, v19, _ =	vpop (xrf1)  }
0x2c7: {  	vm4 =	vgt.f32 v18, v16  }
0x2c8: {  	v15 =	vadd.f32 v15, v4;
	s29 =	sadd.s32 $0x50, s22;
	v16 =	vsel vm4, v18, v16;
	v17 =	vsel vm4, v19, v17  }
0x2c9: {  	(xrf1) =	vsort.ascd.msk.f32 $0xffff, v16, v17;
	v16 =	vadd.s32 s29, v0  }
0x2ca: {  	(xrf1) =	vsort.dscd.msk.f32 $0xffff, v15, v16;
	_ =	sdelay $0xc  }
0x2cb: {  	v15, v16, _ =	vpop (xrf1)  }
0x2cc: {  	v17, v18, _ =	vpop (xrf1)  }
0x2cd: {  	vm5 =	vgt.f32 v17, v15  }
0x2ce: {  	v14 =	vadd.f32 v14, v4;
	s30 =	sadd.s32 $0x60, s22;
	v15 =	vsel vm5, v17, v15;
	v16 =	vsel vm5, v18, v16  }
0x2cf: {  	v22 =	vadd.s32 s30, v0;
	(xrf1) =	vsort.ascd.msk.f32 $0xffff, v15, v16  }
0x2d0: {  	(xrf1) =	vsort.dscd.msk.f32 $0xffff, v14, v22;
	_ =	sdelay $0xc  }
0x2d1: {  	v14, v15, _ =	vpop (xrf1)  }
0x2d2: {  	v16, v17, _ =	vpop (xrf1)  }
0x2d3: {  	vm6 =	vgt.f32 v16, v14  }
0x2d4: {  	v13 =	vadd.f32 v13, v4;
	s31 =	sadd.s32 $0x70, s22;
	v14 =	vsel vm6, v16, v14;
	v15 =	vsel vm6, v17, v15  }
0x2d5: {  	v23 =	vadd.s32 s31, v0;
	(xrf1) =	vsort.ascd.msk.f32 $0xffff, v14, v15  }
0x2d6: {  	(xrf1) =	vsort.dscd.msk.f32 $0xffff, v13, v23;
	_ =	sdelay $0xc  }
0x2d7: {  	v13, v14, _ =	vpop (xrf1)  }
0x2d8: {  	v21, v16, _ =	vpop (xrf1)  }
0x2d9: {  	vm7 =	vgt.f32 v21, v13  }
0x2da: {  	v12 =	vadd.f32 v12, v4;
	s24 =	sadd.s32 $0x80, s22;
	v13 =	vsel vm7, v21, v13;
	v14 =	vsel vm7, v16, v14  }
0x2db: {  	v22 =	vadd.s32 s24, v0;
	(xrf1) =	vsort.ascd.msk.f32 $0xffff, v13, v14  }
0x2dc: {  	(xrf1) =	vsort.dscd.msk.f32 $0xffff, v12, v22;
	_ =	sdelay $0xc  }
0x2dd: {  	v12, v13, _ =	vpop (xrf1)  }
0x2de: {  	v21, v23, _ =	vpop (xrf1)  }
0x2df: {  	vm8 =	vgt.f32 v21, v12  }
0x2e0: {  	v11 =	vadd.f32 v11, v4;
	s25 =	sadd.s32 $0x90, s22;
	v12 =	vsel vm8, v21, v12;
	v13 =	vsel vm8, v23, v13  }
0x2e1: {  	v22 =	vadd.s32 s25, v0;
	(xrf1) =	vsort.ascd.msk.f32 $0xffff, v12, v13  }
0x2e2: {  	(xrf1) =	vsort.dscd.msk.f32 $0xffff, v11, v22;
	_ =	sdelay $0xc  }
0x2e3: {  	v11, v12, _ =	vpop (xrf1)  }
0x2e4: {  	v21, v23, _ =	vpop (xrf1)  }
0x2e5: {  	vm9 =	vgt.f32 v21, v11  }
0x2e6: {  	v10 =	vadd.f32 v10, v4;
	s26 =	sadd.s32 $0xA0, s22;
	v11 =	vsel vm9, v21, v11;
	v12 =	vsel vm9, v23, v12  }
0x2e7: {  	v22 =	vadd.s32 s26, v0;
	(xrf1) =	vsort.ascd.msk.f32 $0xffff, v11, v12  }
0x2e8: {  	(xrf1) =	vsort.dscd.msk.f32 $0xffff, v10, v22;
	_ =	sdelay $0xc  }
0x2e9: {  	v10, v11, _ =	vpop (xrf1)  }
0x2ea: {  	v21, v23, _ =	vpop (xrf1)  }
0x2eb: {  	vm10 =	vgt.f32 v21, v10  }
0x2ec: {  	v9 =	vadd.f32 v9, v4;
	s28 =	sadd.s32 $0xB0, s22;
	v10 =	vsel vm10, v21, v10;
	v11 =	vsel vm10, v23, v11  }
0x2ed: {  	v22 =	vadd.s32 s28, v0;
	(xrf1) =	vsort.ascd.msk.f32 $0xffff, v10, v11  }
0x2ee: {  	(xrf1) =	vsort.dscd.msk.f32 $0xffff, v9, v22;
	_ =	sdelay $0xc  }
0x2ef: {  	v9, v10, _ =	vpop (xrf1)  }
0x2f0: {  	v21, v23, _ =	vpop (xrf1)  }
0x2f1: {  	vm11 =	vgt.f32 v21, v9  }
0x2f2: {  	v8 =	vadd.f32 v8, v4;
	s29 =	sadd.s32 $0xC0, s22;
	v9 =	vsel vm11, v21, v9;
	v10 =	vsel vm11, v23, v10  }
0x2f3: {  	v22 =	vadd.s32 s29, v0;
	(xrf1) =	vsort.ascd.msk.f32 $0xffff, v9, v10  }
0x2f4: {  	(xrf1) =	vsort.dscd.msk.f32 $0xffff, v8, v22;
	_ =	sdelay $0xc  }
0x2f5: {  	v8, v9, _ =	vpop (xrf1)  }
0x2f6: {  	v12, v23, _ =	vpop (xrf1)  }
0x2f7: {  	vm12 =	vgt.f32 v12, v8  }
0x2f8: {  	v7 =	vadd.f32 v7, v4;
	s30 =	sadd.s32 $0xD0, s22;
	v8 =	vsel vm12, v12, v8;
	v9 =	vsel vm12, v23, v9  }
0x2f9: {  	v13 =	vadd.s32 s30, v0;
	(xrf1) =	vsort.ascd.msk.f32 $0xffff, v8, v9  }
0x2fa: {  	(xrf1) =	vsort.dscd.msk.f32 $0xffff, v7, v13;
	_ =	sdelay $0xc  }
0x2fb: {  	v7, v8, _ =	vpop (xrf1)  }
0x2fc: {  	v15, v14, _ =	vpop (xrf1)  }
0x2fd: {  	vm13 =	vgt.f32 v15, v7  }
0x2fe: {  	v6 =	vadd.f32 v6, v4;
	s31 =	sadd.s32 $0xE0, s22;
	v7 =	vsel vm13, v15, v7;
	v8 =	vsel vm13, v14, v8  }
0x2ff: {  	(xrf1) =	vsort.ascd.msk.f32 $0xffff, v7, v8;
	v7 =	vadd.s32 s31, v0  }
0x300: {  	(xrf1) =	vsort.dscd.msk.f32 $0xffff, v6, v7;
	_ =	sdelay $0xc  }
0x301: {  	v6, v7, _ =	vpop (xrf1)  }
0x302: {  	v22, v21, _ =	vpop (xrf1)  }
0x303: {  	vm14 =	vgt.f32 v22, v6  }
0x304: {  	v5 =	vadd.f32 v5, v4;
	s22 =	sadd.s32 $0xF0, s22;
	v6 =	vsel vm14, v22, v6;
	v7 =	vsel vm14, v21, v7  }
0x305: {  	(xrf1) =	vsort.ascd.msk.f32 $0xffff, v6, v7;
	v6 =	vadd.s32 s22, v0  }
0x306: {  	(xrf1) =	vsort.dscd.msk.f32 $0xffff, v5, v6;
	_ =	sdelay $0xc  }
0x307: {  	v5, v6, _ =	vpop (xrf1)  }
0x308: {  	v7, v23, _ =	vpop (xrf1)  }
0x309: {  	vm15 =	vgt.f32 v7, v5  }
0x30a: {  	v5 =	vsel vm15, v7, v5;
	v6 =	vsel vm15, v23, v6  }
0x30b: {  	(xrf1) =	vsort.ascd.msk.f32 $0xffff, v5, v6;
	_ =	sdelay $0x9  }
.Ltmp7:
0x30c: {  	_ = 	snop;
	(pc) =	sbr.rel .LBB2_7-.Ltmp7, $2  }
0x30d: {  	_ =	sdelay $0x2  }
0x30e: {  	v19, v18, _ =	vpop (xrf1)  }
.LBB2_9:
0x30f: {  	_ =	sfence.sel $0x180000  }
0x310: {  	[bflag:$0x0] =	sbarrier.arrive $0xFFFF  }
0x311: {  	p0 =	sne.s32 s2, $0x0;
	_ =	strace $0x90000047  }
0x312: {  	s0 =	sadd.s32 @!p0 $0x100000, s0;
	[bflag:$0x2] =	sbarrier.arrive $0xFFFF  }
0x313: {  	[sflag:s0] =	ssyncadd.tile.s32 @!p0 $0x1;
	_ =	shalt  }
.Lfunc_end2:
_tile_overlayer_lowered:
.L_overlay_start_2:
0x314: {  	(tag) =	ssettag $0x2  }
0x315: {  	s0 =	rddreg [dreg:$0x0];
	s2 =	stileid.u32  }
0x316: {  	s1 =	rddreg [dreg:$0x1];
	p0 =	sne.s32 s2, $0x0  }
0x317: {  	s3 =	rddreg [dreg:$0x2];
	[bflag:$0x3] =	sbarrier.arrive $0xFFFF;
	s2 =	simm.s32 @!p0 $0x1C01  }
0x318: {  	[timem:s3], [sflag:s2] =	dma.local @!p0 [hbm:s0], s1  }
0x319: {  	s0 =	simm.s32 @!p0 $0x1  }
0x31a: {  	_ =	swait.ge @!p0 [sflag:s0], s1  }
0x31b: {  	s1 =	ssub.s32 @!p0 $0x0, s1;
	[sflag:s0] =	ssyncset.done @!p0 $0x0  }
0x31c: {  	[sflag:s0] =	ssyncadd.s32 @!p0 s1  }
0x31d: {  	[bflag:$0x3] =	sbarrier.arrive $0xFFFF  }
0x31e: {  	_ =	shalt  }

</sc_bundles>
